<compile_context>
chip_gen: v7x
topology: tpu7x:2x2x1
jax: 0.10.2.dev20260603
libtpu: 0.0.44.dev20260713+nightly
codegen_flags: <defaults>
</compile_context>

<pallas_src>
import functools

import jax
import jax.numpy as jnp
from jax import lax
from jax.experimental import pallas as pl
from jax.experimental.pallas import tpu as pltpu
from jax.experimental.pallas import tpu_sc as plsc

_N, _E, _D, _DA, _DS, _DE, _H, _DH, _FC = 10000, 160000, 128, 16, 9, 16, 8, 16, 64
_NC, _NS = 2, 16
_NW = _NC * _NS
_EPW = 5120
_EP = _NW * _EPW
_NP = 10240
_RPS = _NP // _NS
_NP8 = _NP // 8
_RP8 = _NP8 // _NS

_BN = 1000
_BF = 80
_BE = 2048

_F32 = jnp.float32


def _slr(x):
    return 0.6 * x + 0.4 * x * (2.0 * jax.nn.sigmoid(x) - 1.0)


_BF16 = jnp.bfloat16


def _pack16(lo_f32, hi_f32):
    lo = lax.bitcast_convert_type(lo_f32.astype(_BF16), jnp.uint16)
    hi = lax.bitcast_convert_type(hi_f32.astype(_BF16), jnp.uint16)
    w = lo.astype(jnp.uint32) | (hi.astype(jnp.uint32) << 16)
    return lax.bitcast_convert_type(w, jnp.int32)


def _node_proj_body(nf, attr, wsrc, bsrc, wdst, w1b, w1c, t1, t2):
    x = nf[...]
    a = attr[...]
    ms = jnp.dot(x, wsrc[...], preferred_element_type=_F32) + bsrc[...]
    md = jnp.dot(x, wdst[...], preferred_element_type=_F32)
    p = jnp.concatenate(
        [jnp.dot(a, w1b[...], preferred_element_type=_F32),
         jnp.dot(a, w1c[...], preferred_element_type=_F32)], axis=-1)
    t1[...] = _pack16(ms, p)
    t2[...] = _pack16(md, p)


def _node_proj(nf, attr, wsrc, bsrc, wdst, w1b, w1c):
    grid = (_N // _BN,)
    return pl.pallas_call(
        _node_proj_body,
        grid=grid,
        in_specs=[
            pl.BlockSpec((_BN, _D), lambda i: (i, 0)),
            pl.BlockSpec((_BN, _DA), lambda i: (i, 0)),
            pl.BlockSpec((_D, _D), lambda i: (0, 0)),
            pl.BlockSpec((1, _D), lambda i: (0, 0)),
            pl.BlockSpec((_D, _D), lambda i: (0, 0)),
            pl.BlockSpec((_DA, _FC), lambda i: (0, 0)),
            pl.BlockSpec((_DA, _FC), lambda i: (0, 0)),
        ],
        out_specs=[
            pl.BlockSpec((_BN, _D), lambda i: (i, 0)),
            pl.BlockSpec((_BN, _D), lambda i: (i, 0)),
        ],
        out_shape=[
            jax.ShapeDtypeStruct((_N, _D), jnp.int32),
            jax.ShapeDtypeStruct((_N, _D), jnp.int32),
        ],
    )(nf, attr, wsrc, bsrc, wdst, w1b, w1c)


_GC = 64
_GCHUNK = _EPW // _GC
_SC = 64
_SCHUNK = _EPW // _SC


def _gather_body(t1, t2, esrc2, edst2,
                 o1_out, o2_out,
                 idx_s, idx_d,
                 b1a, b2a, b1b, b2b, sema, semb):
    c = lax.axis_index("c")
    s = lax.axis_index("s")
    wid = s * _NC + c
    wbase = wid * _EPW
    pltpu.sync_copy(esrc2.at[pl.ds(wid * _GCHUNK, _GCHUNK)], idx_s)
    pltpu.sync_copy(edst2.at[pl.ds(wid * _GCHUNK, _GCHUNK)], idx_d)

    def fire(k, bufs, sem):
        v1, v2 = bufs
        pltpu.async_copy(t1.at[idx_s.at[k]], v1, sem)
        pltpu.async_copy(t2.at[idx_d.at[k]], v2, sem)

    def drain_write(k, bufs, sem):
        v1, v2 = bufs
        for buf in bufs:
            pltpu.make_async_copy(t1.at[idx_s.at[0]], buf, sem).wait()
        base = wbase + k * _GC
        pltpu.sync_copy(v1, o1_out.at[pl.ds(base, _GC)])
        pltpu.sync_copy(v2, o2_out.at[pl.ds(base, _GC)])

    bufa = (b1a, b2a)
    bufb = (b1b, b2b)
    fire(0, bufa, sema)
    fire(1, bufb, semb)

    def step(j, carry):
        k0 = 2 * j
        drain_write(k0, bufa, sema)
        fire(k0 + 2, bufa, sema)
        drain_write(k0 + 1, bufb, semb)
        fire(k0 + 3, bufb, semb)
        return carry

    lax.fori_loop(0, _GCHUNK // 2 - 1, step, 0)
    drain_write(_GCHUNK - 2, bufa, sema)
    drain_write(_GCHUNK - 1, bufb, semb)


def _sc_gather(t1, t2, esrc2, edst2):
    mesh = plsc.VectorSubcoreMesh(core_axis_name="c", subcore_axis_name="s",
                                  num_cores=_NC, num_subcores=_NS)
    buf = lambda: pltpu.VMEM((_GC, _D), jnp.int32)
    f = pl.kernel(
        _gather_body,
        out_type=[
            jax.ShapeDtypeStruct((_EP, _D), jnp.int32),
            jax.ShapeDtypeStruct((_EP, _D), jnp.int32),
        ],
        mesh=mesh,
        scratch_types=[
            pltpu.VMEM((_GCHUNK, _GC), jnp.int32),
            pltpu.VMEM((_GCHUNK, _GC), jnp.int32),
            buf(), buf(),
            buf(), buf(),
            pltpu.SemaphoreType.DMA,
            pltpu.SemaphoreType.DMA,
        ],
    )
    return f(t1, t2, esrc2, edst2)


def _edge_body(t1, t2, ee, ea, oh,
               w1a, b1, w2, b2, w3, b3,
               wsph, walpha, wlin, wsph2, wval, amat, rmat, tmat,
               numer, exps):
    x1 = lax.bitcast_convert_type(t1[...], jnp.uint32)
    x2 = lax.bitcast_convert_type(t2[...], jnp.uint32)
    ms1 = lax.bitcast_convert_type(x1 << 16, _F32)
    ms2 = lax.bitcast_convert_type(x2 << 16, _F32)
    pp1 = lax.bitcast_convert_type(x1 & jnp.uint32(0xFFFF0000), _F32)
    pp2 = lax.bitcast_convert_type(x2 & jnp.uint32(0xFFFF0000), _F32)
    m = ms1 + ms2
    h = jnp.dot(ee[...], w1a[...], preferred_element_type=_F32)
    h = h + pp1[:, :_FC] + pp2[:, _FC:]
    h = jax.nn.silu(h + b1[...])
    h = jax.nn.silu(jnp.dot(h, w2[...], preferred_element_type=_F32) + b2[...])
    w = jnp.dot(h, w3[...], preferred_element_type=_F32) + b3[...]
    sph = jnp.dot(ea[...], wsph[...], preferred_element_type=_F32)
    msg = jax.nn.silu(m * w * sph)
    t = _slr(jnp.dot(msg, walpha[...], preferred_element_type=_F32))
    s16 = jnp.dot(t, amat[...], preferred_element_type=_F32)
    e16 = jnp.exp(s16)
    rowid = lax.broadcasted_iota(jnp.int32, e16.shape, 0) + pl.program_id(0) * _BE
    colid = lax.broadcasted_iota(jnp.int32, e16.shape, 1)
    e16 = jnp.where((rowid < _E) & (colid < _H), e16, 0.0)
    exps[...] = (jnp.dot(e16, tmat[...], preferred_element_type=_F32)
                 * jnp.dot(oh[...], rmat[...], preferred_element_type=_F32))
    v = jax.nn.silu(jnp.dot(msg, wlin[...], preferred_element_type=_F32))
    v = v * jnp.dot(ea[...], wsph2[...], preferred_element_type=_F32)
    v = jnp.dot(v, wval[...], preferred_element_type=_F32)
    numer[...] = v * jnp.dot(e16, rmat[...], preferred_element_type=_F32)


def _edge_stage(t1e, t2e, ee, ea, oh, weights):
    (w1a, b1, w2, b2, w3, b3,
     wsph, walpha, wlin, wsph2, wval, amat, rmat, tmat) = weights
    grid = (_EP // _BE,)
    full = lambda i: (0, 0)
    eblk = lambda i: (i, 0)
    return pl.pallas_call(
        _edge_body,
        grid=grid,
        in_specs=[
            pl.BlockSpec((_BE, _D), eblk),
            pl.BlockSpec((_BE, _D), eblk),
            pl.BlockSpec((_BE, _DE), eblk),
            pl.BlockSpec((_BE, 16), eblk),
            pl.BlockSpec((_BE, 16), eblk),
            pl.BlockSpec((_DE, _FC), full),
            pl.BlockSpec((1, _FC), full),
            pl.BlockSpec((_FC, _FC), full),
            pl.BlockSpec((1, _FC), full),
            pl.BlockSpec((_FC, _D), full),
            pl.BlockSpec((1, _D), full),
            pl.BlockSpec((16, _D), full),
            pl.BlockSpec((_D, _D), full),
            pl.BlockSpec((_D, _D), full),
            pl.BlockSpec((16, _D), full),
            pl.BlockSpec((_D, _D), full),
            pl.BlockSpec((_D, 16), full),
            pl.BlockSpec((16, _D), full),
            pl.BlockSpec((16, _D), full),
        ],
        out_specs=[
            pl.BlockSpec((_BE, _D), eblk),
            pl.BlockSpec((_BE, _D), eblk),
        ],
        out_shape=[
            jax.ShapeDtypeStruct((_EP, _D), _F32),
            jax.ShapeDtypeStruct((_EP, _D), _F32),
        ],
    )(t1e, t2e, ee, ea, oh, w1a, b1, w2, b2, w3, b3,
      wsph, walpha, wlin, wsph2, wval, amat, rmat, tmat)


def _scatter_body(numer, exps, edst2, zn,
                  np_out, ep_out,
                  acc_n, acc_e, ixa, ixb, i8a, i8b,
                  nba, eba, nbb, ebb, sema, semb):
    c = lax.axis_index("c")
    s = lax.axis_index("s")
    rbase = s * _RPS
    r8base = s * _RP8
    pltpu.sync_copy(zn.at[pl.ds(0, _SC)], nba)
    for j in range(_RPS // _SC):
        pltpu.sync_copy(nba, acc_n.at[pl.ds(rbase + j * _SC, _SC)])
    pltpu.sync_copy(nba, acc_e.at[pl.ds(r8base, _SC)])
    pltpu.sync_copy(nba.at[pl.ds(0, _RP8 - _SC)],
                    acc_e.at[pl.ds(r8base + _SC, _RP8 - _SC)])
    wid = c * _NS + s
    wbase = wid * _EPW
    plsc.subcore_barrier()

    def fire(k, bufs, sem):
        nb, eb, ix, i8 = bufs
        base = wbase + k * _SC
        pltpu.async_copy(numer.at[pl.ds(base, _SC)], nb, sem)
        pltpu.async_copy(exps.at[pl.ds(base, _SC)], eb, sem)
        pltpu.async_copy(edst2.at[pl.ds(wid * _SCHUNK + k, 1)], ix, sem)

    def drain_scatter(k, bufs, sem):
        nb, eb, ix, i8 = bufs
        pltpu.make_async_copy(numer.at[pl.ds(0, _SC)], nb, sem).wait()
        pltpu.make_async_copy(numer.at[pl.ds(0, _SC)], eb, sem).wait()
        pltpu.make_async_copy(edst2.at[pl.ds(0, 1)], ix, sem).wait()
        row = ix.at[0]
        r8 = i8.at[0]
        for i in range(_SC // 16):
            r8[pl.ds(i * 16, 16)] = row[pl.ds(i * 16, 16)] >> 3
        pltpu.sync_copy(nb, acc_n.at[row], add=True)
        pltpu.sync_copy(eb, acc_e.at[r8], add=True)

    bufa = (nba, eba, ixa, i8a)
    bufb = (nbb, ebb, ixb, i8b)
    fire(0, bufa, sema)
    fire(1, bufb, semb)

    def step(j, carry):
        k0 = 2 * j
        drain_scatter(k0, bufa, sema)
        fire(k0 + 2, bufa, sema)
        drain_scatter(k0 + 1, bufb, semb)
        fire(k0 + 3, bufb, semb)
        return carry

    lax.fori_loop(0, _SCHUNK // 2 - 1, step, 0)
    drain_scatter(_SCHUNK - 2, bufa, sema)
    drain_scatter(_SCHUNK - 1, bufb, semb)
    plsc.subcore_barrier()
    obase = c * _NP + rbase
    for j in range(_RPS // _SC):
        pltpu.sync_copy(acc_n.at[pl.ds(rbase + j * _SC, _SC)], nba)
        pltpu.sync_copy(nba, np_out.at[pl.ds(obase + j * _SC, _SC)])
    o8 = c * _NP8 + r8base
    pltpu.sync_copy(acc_e.at[pl.ds(r8base, _SC)], eba)
    pltpu.sync_copy(eba, ep_out.at[pl.ds(o8, _SC)])
    pltpu.sync_copy(acc_e.at[pl.ds(r8base + _SC, _RP8 - _SC)],
                    eba.at[pl.ds(0, _RP8 - _SC)])
    pltpu.sync_copy(eba.at[pl.ds(0, _RP8 - _SC)],
                    ep_out.at[pl.ds(o8 + _SC, _RP8 - _SC)])


def _sc_scatter(numer, exps, edst2, zn):
    mesh = plsc.VectorSubcoreMesh(core_axis_name="c", subcore_axis_name="s",
                                  num_cores=_NC, num_subcores=_NS)
    buf = lambda: pltpu.VMEM((_SC, _D), _F32)
    f = pl.kernel(
        _scatter_body,
        out_type=[
            jax.ShapeDtypeStruct((_NC * _NP, _D), _F32),
            jax.ShapeDtypeStruct((_NC * _NP8, _D), _F32),
        ],
        mesh=mesh,
        scratch_types=[
            pltpu.VMEM_SHARED((_NP, _D), _F32),
            pltpu.VMEM_SHARED((_NP8, _D), _F32),
            pltpu.VMEM((1, _SC), jnp.int32),
            pltpu.VMEM((1, _SC), jnp.int32),
            pltpu.VMEM((1, _SC), jnp.int32),
            pltpu.VMEM((1, _SC), jnp.int32),
            buf(), buf(), buf(), buf(),
            pltpu.SemaphoreType.DMA,
            pltpu.SemaphoreType.DMA,
        ],
    )
    return f(numer, exps, edst2, zn)


def _final_body(n0, n1, e0, e1, wout, rmat, o):
    numer = n0[...] + n1[...]
    den = jnp.dot(e0[...] + e1[...], rmat[...], preferred_element_type=_F32)
    o[...] = jnp.dot(numer / (den + 1e-16), wout[...], preferred_element_type=_F32)


def _final_stage(np2, ep2, wout, rmat):
    grid = (_N // _BF,)
    off = _NP // _BF
    return pl.pallas_call(
        _final_body,
        grid=grid,
        in_specs=[
            pl.BlockSpec((_BF, _D), lambda i: (i, 0)),
            pl.BlockSpec((_BF, _D), lambda i: (i + off, 0)),
            pl.BlockSpec((_BF, 16), lambda i: (i, 0)),
            pl.BlockSpec((_BF, 16), lambda i: (i + off, 0)),
            pl.BlockSpec((_D, _D), lambda i: (0, 0)),
            pl.BlockSpec((16, _D), lambda i: (0, 0)),
        ],
        out_specs=pl.BlockSpec((_BF, _D), lambda i: (i, 0)),
        out_shape=jax.ShapeDtypeStruct((_N, _D), _F32),
    )(np2, np2, ep2, ep2, wout, rmat)


def kernel(node_feats, node_attr, edge_src, edge_dst, edge_attr, edge_embedding,
           W_src, b_src, W_dst, W1, b1, W2, b2, W3, b3,
           W_sph, W_alpha, W_lin, W_sph2, W_val, attn_dot, W_out):
    pad = _EP - _E
    esrc_p = jnp.concatenate([edge_src.astype(jnp.int32),
                              jnp.zeros((pad,), jnp.int32)])
    edst_p = jnp.concatenate([edge_dst.astype(jnp.int32),
                              jnp.zeros((pad,), jnp.int32)])
    ea16 = jnp.zeros((_EP, 16), _F32).at[:_E, :_DS].set(edge_attr)
    ee_p = jnp.zeros((_EP, _DE), _F32).at[:_E].set(edge_embedding)
    w1a, w1b, w1c = W1[:_DE], W1[_DE:_DE + _DA], W1[_DE + _DA:]
    wsph16 = jnp.zeros((16, _D), _F32).at[:_DS].set(W_sph)
    wsph2_16 = jnp.zeros((16, _D), _F32).at[:_DS].set(W_sph2)
    amat = (attn_dot[:, :, None] * jnp.eye(_H, dtype=_F32)[:, None, :])
    amat = amat.reshape(_H * _DH, _H)
    amat = jnp.pad(amat, ((0, 0), (0, 16 - _H)))
    rmat = (jnp.eye(_H, dtype=_F32)[:, :, None]
            * jnp.ones((_DH,), _F32)).reshape(_H, _H * _DH)
    rmat = jnp.pad(rmat, ((0, 16 - _H), (0, 0)))
    tmat = jnp.concatenate([jnp.eye(16, dtype=_F32)] * _H, axis=1)
    oh = (jnp.arange(16, dtype=jnp.int32)[None, :]
          == (edst_p % 8)[:, None]).astype(_F32)
    zn = jnp.zeros((_NP, _D), _F32)

    t1, t2 = _node_proj(node_feats, node_attr, W_src,
                        b_src.reshape(1, _D), W_dst, w1b, w1c)
    t1e, t2e = _sc_gather(t1, t2,
                          esrc_p.reshape(_EP // _GC, _GC),
                          edst_p.reshape(_EP // _GC, _GC))
    numer, exps = _edge_stage(
        t1e, t2e, ee_p, ea16, oh,
        (w1a, b1.reshape(1, _FC), W2, b2.reshape(1, _FC),
         W3, b3.reshape(1, _D), wsph16, W_alpha, W_lin, wsph2_16, W_val,
         amat, rmat, tmat))
    np2, ep8 = _sc_scatter(numer, exps,
                           edst_p.reshape(_EP // _SC, _SC), zn)
    ep2 = ep8.reshape(_NC * _NP, 16)
    return _final_stage(np2, ep2, W_out, rmat)

# --- scband reference (transcript-rebuilt; emitter-appended) ---
"""Pipeline reference for scband-graph-attention-layer-53154515255605 (READ-ONLY COPY).

The authoritative reference and input builder live on the scoring server;
editing this copy changes nothing except your own understanding.
"""

import jax, jax.numpy as jnp
import numpy as np

N, E, D, DA, DS, DE, H, DH, FC = 10000, 160000, 128, 16, 9, 16, 8, 16, 64


def smooth_leaky_relu(x, alpha=0.2):
    x1 = ((1.0 + alpha) / 2.0) * x
    x2 = ((1.0 - alpha) / 2.0) * x * (2.0 * jax.nn.sigmoid(x) - 1.0)
    return x1 + x2


def setup_inputs(seed: int = 0) -> dict:
    key = jax.random.key(seed)
    ks = jax.random.split(key, 20)
    s = 0.05
    node_feats = jax.random.normal(ks[0], (N, D), dtype=jnp.float32)
    node_attr = jax.random.normal(ks[1], (N, DA), dtype=jnp.float32)
    edge_src = jax.random.randint(ks[2], (E,), 0, N)
    edge_dst = jax.random.randint(ks[3], (E,), 0, N)
    edge_attr = jax.random.normal(ks[4], (E, DS), dtype=jnp.float32)
    edge_embedding = jax.random.uniform(ks[5], (E, DE), dtype=jnp.float32)
    W_src = jax.random.normal(ks[6], (D, D), dtype=jnp.float32) * s
    b_src = jnp.zeros((D,), dtype=jnp.float32)
    W_dst = jax.random.normal(ks[7], (D, D), dtype=jnp.float32) * s
    W1 = jax.random.normal(ks[8], (DE + 2 * DA, FC), dtype=jnp.float32) * s
    b1 = jnp.zeros((FC,), dtype=jnp.float32)
    W2 = jax.random.normal(ks[9], (FC, FC), dtype=jnp.float32) * s
    b2 = jnp.zeros((FC,), dtype=jnp.float32)
    W3 = jax.random.normal(ks[10], (FC, D), dtype=jnp.float32) * s
    b3 = jnp.ones((D,), dtype=jnp.float32)
    W_sph = jax.random.normal(ks[11], (DS, D), dtype=jnp.float32) * s
    W_alpha = jax.random.normal(ks[12], (D, D), dtype=jnp.float32) * s
    W_lin = jax.random.normal(ks[13], (D, D), dtype=jnp.float32) * s
    W_sph2 = jax.random.normal(ks[14], (DS, D), dtype=jnp.float32) * s
    W_val = jax.random.normal(ks[15], (D, D), dtype=jnp.float32) * s
    attn_dot = jax.random.normal(ks[16], (H, DH), dtype=jnp.float32) * s
    W_out = jax.random.normal(ks[17], (D, D), dtype=jnp.float32) * s
    return {
        'node_feats': node_feats, 'node_attr': node_attr,
        'edge_src': edge_src, 'edge_dst': edge_dst,
        'edge_attr': edge_attr, 'edge_embedding': edge_embedding,
        'W_src': W_src, 'b_src': b_src, 'W_dst': W_dst,
        'W1': W1, 'b1': b1, 'W2': W2, 'b2': b2, 'W3': W3, 'b3': b3,
        'W_sph': W_sph, 'W_alpha': W_alpha, 'W_lin': W_lin,
        'W_sph2': W_sph2, 'W_val': W_val, 'attn_dot': attn_dot, 'W_out': W_out,
    }


def reference(node_feats, node_attr, edge_src, edge_dst, edge_attr, edge_embedding,
              W_src, b_src, W_dst, W1, b1, W2, b2, W3, b3,
              W_sph, W_alpha, W_lin, W_sph2, W_val, attn_dot, W_out):
    n = node_feats.shape[0]
    # src/dst projections (LinearRS)
    msg_src = node_feats @ W_src + b_src
    msg_dst = node_feats @ W_dst
    # gather to edges and combine
    message = msg_src[edge_src] + msg_dst[edge_dst]
    src_attr = node_attr[edge_src]
    dst_attr = node_attr[edge_dst]
    weight_feats = jnp.concatenate([edge_embedding, src_attr, dst_attr], axis=-1)
    # radial network (dtp_rad): MLP producing tensor-product weights
    h = jax.nn.silu(weight_feats @ W1 + b1)
    h = jax.nn.silu(h @ W2 + b2)
    w = h @ W3 + b3
    # depthwise tensor product with edge spherical-harmonic attrs + gate activation
    sph = edge_attr @ W_sph
    message = jax.nn.silu(message * w * sph)
    # attention scores per head
    scores = (message @ W_alpha).reshape(-1, H, DH)
    # value branch: lin + gate + value tensor product
    value = jax.nn.silu(message @ W_lin)
    value = ((value * (edge_attr @ W_sph2)) @ W_val).reshape(-1, H, DH)
    scores = smooth_leaky_relu(scores, 0.2)
    scores = jnp.einsum('ehk,hk->eh', scores, attn_dot)
    # softmax over incoming edges per destination node
    seg_max = jax.lax.stop_gradient(jax.ops.segment_max(scores, edge_dst, num_segments=n))
    scores = jnp.exp(scores - seg_max[edge_dst])
    denom = jax.ops.segment_sum(scores, edge_dst, num_segments=n)
    scores = scores / (denom[edge_dst] + 1e-16)
    out = value * scores[:, :, None]
    out = jax.ops.segment_sum(out, edge_dst, num_segments=n)
    out = out.reshape(n, H * DH)
    out = out @ W_out
    return out

if __name__ == "__main__":
    import jax
    _d = setup_inputs()
    print(jax.jit(kernel)(*tuple(_d.values())))

</pallas_src>

<mosaic_0001>
#map = affine_map<(d0, d1) -> (0, 0)>
module attributes {stable_mosaic.version = 14 : i64} {
  func.func @_gather_body(%arg0: i32, %arg1: i32, %arg2: memref<10000x128xi32, #tpu.memory_space<hbm>>, %arg3: memref<10000x128xi32, #tpu.memory_space<hbm>>, %arg4: memref<2560x64xi32, #tpu.memory_space<hbm>>, %arg5: memref<2560x64xi32, #tpu.memory_space<hbm>>, %arg6: memref<163840x128xi32, #tpu.memory_space<hbm>>, %arg7: memref<163840x128xi32, #tpu.memory_space<hbm>>, %arg8: memref<80x64xi32, #tpu.memory_space<vmem>>, %arg9: memref<80x64xi32, #tpu.memory_space<vmem>>, %arg10: memref<64x128xi32, #tpu.memory_space<vmem>>, %arg11: memref<64x128xi32, #tpu.memory_space<vmem>>, %arg12: memref<64x128xi32, #tpu.memory_space<vmem>>, %arg13: memref<64x128xi32, #tpu.memory_space<vmem>>, %arg14: memref<!tpu.dma_semaphore, #tpu.memory_space<semaphore_mem>>, %arg15: memref<!tpu.dma_semaphore, #tpu.memory_space<semaphore_mem>>) attributes {dimension_semantics = [#tpu.dimension_semantics<core_parallel>, #tpu.dimension_semantics<subcore_parallel>], iteration_bounds = array<i64: 2, 16>, scalar_prefetch = 0 : i64, scratch_operands = 8 : i64, tpu.core_type = #tpu.core_type<sc_vector_subcore>, window_params = [{transform_indices = #map}, {transform_indices = #map}, {transform_indices = #map}, {transform_indices = #map}, {transform_indices = #map}, {transform_indices = #map}]} {
    %mul3A = arith.constant 2 : i32
    %mul3A_0 = arith.muli %arg1, %mul3A : i32
    %add3A = arith.addi %mul3A_0, %arg0 : i32
    %mul3A_1 = arith.constant 5120 : i32
    %mul3A_2 = arith.muli %add3A, %mul3A_1 : i32
    %mul3A_3 = arith.constant 80 : i32
    %mul3A_4 = arith.muli %add3A, %mul3A_3 : i32
    "tpu.region"() ({
      %run_scoped3A = tpu.sem_alloc : memref<!tpu.dma_semaphore, #tpu.memory_space<semaphore_mem>>
      %dma_start3A_70 = arith.constant 0 : i32
      %dma_start3A_71 = tpu.memref_slice %arg4[%mul3A_4, %dma_start3A_70] : memref<2560x64xi32, #tpu.memory_space<hbm>> -> memref<80x64xi32, #tpu.memory_space<hbm>>
      %dma_start3A_72 = arith.constant 0 : i32
      %dma_start3A_73 = tpu.memref_slice %arg4[%mul3A_4, %dma_start3A_72] : memref<2560x64xi32, #tpu.memory_space<hbm>> -> memref<80x64xi32, #tpu.memory_space<hbm>>
      tpu.enqueue_dma source(%dma_start3A_73 : memref<80x64xi32, #tpu.memory_space<hbm>>) target(%arg8 : memref<80x64xi32, #tpu.memory_space<vmem>>) target_semaphore(%run_scoped3A : memref<!tpu.dma_semaphore, #tpu.memory_space<semaphore_mem>>)
      %dma_wait3A_74 = arith.constant 0 : i32
      %dma_wait3A_75 = tpu.memref_slice %arg4[%mul3A_4, %dma_wait3A_74] : memref<2560x64xi32, #tpu.memory_space<hbm>> -> memref<80x64xi32, #tpu.memory_space<hbm>>
      %dma_wait3A_76 = arith.constant 0 : i32
      %dma_wait3A_77 = tpu.memref_slice %arg4[%mul3A_4, %dma_wait3A_76] : memref<2560x64xi32, #tpu.memory_space<hbm>> -> memref<80x64xi32, #tpu.memory_space<hbm>>
      tpu.wait_dma2 semaphore(%run_scoped3A : memref<!tpu.dma_semaphore, #tpu.memory_space<semaphore_mem>>) src(%dma_wait3A_77 : memref<80x64xi32, #tpu.memory_space<hbm>>) dst(%arg8 : memref<80x64xi32, #tpu.memory_space<vmem>>)
      tpu.yield
    }) : () -> ()
    %mul3A_5 = arith.constant 80 : i32
    %mul3A_6 = arith.muli %add3A, %mul3A_5 : i32
    "tpu.region"() ({
      %run_scoped3A = tpu.sem_alloc : memref<!tpu.dma_semaphore, #tpu.memory_space<semaphore_mem>>
      %dma_start3A_70 = arith.constant 0 : i32
      %dma_start3A_71 = tpu.memref_slice %arg5[%mul3A_6, %dma_start3A_70] : memref<2560x64xi32, #tpu.memory_space<hbm>> -> memref<80x64xi32, #tpu.memory_space<hbm>>
      %dma_start3A_72 = arith.constant 0 : i32
      %dma_start3A_73 = tpu.memref_slice %arg5[%mul3A_6, %dma_start3A_72] : memref<2560x64xi32, #tpu.memory_space<hbm>> -> memref<80x64xi32, #tpu.memory_space<hbm>>
      tpu.enqueue_dma source(%dma_start3A_73 : memref<80x64xi32, #tpu.memory_space<hbm>>) target(%arg9 : memref<80x64xi32, #tpu.memory_space<vmem>>) target_semaphore(%run_scoped3A : memref<!tpu.dma_semaphore, #tpu.memory_space<semaphore_mem>>)
      %dma_wait3A_74 = arith.constant 0 : i32
      %dma_wait3A_75 = tpu.memref_slice %arg5[%mul3A_6, %dma_wait3A_74] : memref<2560x64xi32, #tpu.memory_space<hbm>> -> memref<80x64xi32, #tpu.memory_space<hbm>>
      %dma_wait3A_76 = arith.constant 0 : i32
      %dma_wait3A_77 = tpu.memref_slice %arg5[%mul3A_6, %dma_wait3A_76] : memref<2560x64xi32, #tpu.memory_space<hbm>> -> memref<80x64xi32, #tpu.memory_space<hbm>>
      tpu.wait_dma2 semaphore(%run_scoped3A : memref<!tpu.dma_semaphore, #tpu.memory_space<semaphore_mem>>) src(%dma_wait3A_77 : memref<80x64xi32, #tpu.memory_space<hbm>>) dst(%arg9 : memref<80x64xi32, #tpu.memory_space<vmem>>)
      tpu.yield
    }) : () -> ()
    %dma_start3A = arith.constant 0 : i32
    %dma_start3A_7 = arith.constant 0 : i32
    %dma_start3A_8 = tpu.memref_slice %arg8[%dma_start3A, %dma_start3A_7] : memref<80x64xi32, #tpu.memory_space<vmem>> -> memref<1x64xi32, #tpu.memory_space<vmem>>
    %dma_start3A_9 = tpu.memref_squeeze %dma_start3A_8 : memref<1x64xi32, #tpu.memory_space<vmem>> -> memref<64xi32, #tpu.memory_space<vmem>>
    %dma_start3A_10 = arith.constant 0 : i32
    %dma_start3A_11 = arith.constant 0 : i32
    %dma_start3A_12 = tpu.memref_slice %arg2[%dma_start3A_10, %dma_start3A_11] : memref<10000x128xi32, #tpu.memory_space<hbm>> -> memref<10000x128xi32, #tpu.memory_space<hbm>>
    tpu.enqueue_indirect_dma source(%dma_start3A_12 : memref<10000x128xi32, #tpu.memory_space<hbm>>) target(%arg10 : memref<64x128xi32, #tpu.memory_space<vmem>>) offsets(%dma_start3A_9 : memref<64xi32, #tpu.memory_space<vmem>>) semaphore(%arg14 : memref<!tpu.dma_semaphore, #tpu.memory_space<semaphore_mem>>)
    %dma_start3A_13 = arith.constant 0 : i32
    %dma_start3A_14 = arith.constant 0 : i32
    %dma_start3A_15 = tpu.memref_slice %arg9[%dma_start3A_13, %dma_start3A_14] : memref<80x64xi32, #tpu.memory_space<vmem>> -> memref<1x64xi32, #tpu.memory_space<vmem>>
    %dma_start3A_16 = tpu.memref_squeeze %dma_start3A_15 : memref<1x64xi32, #tpu.memory_space<vmem>> -> memref<64xi32, #tpu.memory_space<vmem>>
    %dma_start3A_17 = arith.constant 0 : i32
    %dma_start3A_18 = arith.constant 0 : i32
    %dma_start3A_19 = tpu.memref_slice %arg3[%dma_start3A_17, %dma_start3A_18] : memref<10000x128xi32, #tpu.memory_space<hbm>> -> memref<10000x128xi32, #tpu.memory_space<hbm>>
    tpu.enqueue_indirect_dma source(%dma_start3A_19 : memref<10000x128xi32, #tpu.memory_space<hbm>>) target(%arg11 : memref<64x128xi32, #tpu.memory_space<vmem>>) offsets(%dma_start3A_16 : memref<64xi32, #tpu.memory_space<vmem>>) semaphore(%arg14 : memref<!tpu.dma_semaphore, #tpu.memory_space<semaphore_mem>>)
    %dma_start3A_20 = arith.constant 1 : i32
    %dma_start3A_21 = arith.constant 0 : i32
    %dma_start3A_22 = tpu.memref_slice %arg8[%dma_start3A_20, %dma_start3A_21] : memref<80x64xi32, #tpu.memory_space<vmem>> -> memref<1x64xi32, #tpu.memory_space<vmem>>
    %dma_start3A_23 = tpu.memref_squeeze %dma_start3A_22 : memref<1x64xi32, #tpu.memory_space<vmem>> -> memref<64xi32, #tpu.memory_space<vmem>>
    %dma_start3A_24 = arith.constant 0 : i32
    %dma_start3A_25 = arith.constant 0 : i32
    %dma_start3A_26 = tpu.memref_slice %arg2[%dma_start3A_24, %dma_start3A_25] : memref<10000x128xi32, #tpu.memory_space<hbm>> -> memref<10000x128xi32, #tpu.memory_space<hbm>>
    tpu.enqueue_indirect_dma source(%dma_start3A_26 : memref<10000x128xi32, #tpu.memory_space<hbm>>) target(%arg12 : memref<64x128xi32, #tpu.memory_space<vmem>>) offsets(%dma_start3A_23 : memref<64xi32, #tpu.memory_space<vmem>>) semaphore(%arg15 : memref<!tpu.dma_semaphore, #tpu.memory_space<semaphore_mem>>)
    %dma_start3A_27 = arith.constant 1 : i32
    %dma_start3A_28 = arith.constant 0 : i32
    %dma_start3A_29 = tpu.memref_slice %arg9[%dma_start3A_27, %dma_start3A_28] : memref<80x64xi32, #tpu.memory_space<vmem>> -> memref<1x64xi32, #tpu.memory_space<vmem>>
    %dma_start3A_30 = tpu.memref_squeeze %dma_start3A_29 : memref<1x64xi32, #tpu.memory_space<vmem>> -> memref<64xi32, #tpu.memory_space<vmem>>
    %dma_start3A_31 = arith.constant 0 : i32
    %dma_start3A_32 = arith.constant 0 : i32
    %dma_start3A_33 = tpu.memref_slice %arg3[%dma_start3A_31, %dma_start3A_32] : memref<10000x128xi32, #tpu.memory_space<hbm>> -> memref<10000x128xi32, #tpu.memory_space<hbm>>
    tpu.enqueue_indirect_dma source(%dma_start3A_33 : memref<10000x128xi32, #tpu.memory_space<hbm>>) target(%arg13 : memref<64x128xi32, #tpu.memory_space<vmem>>) offsets(%dma_start3A_30 : memref<64xi32, #tpu.memory_space<vmem>>) semaphore(%arg15 : memref<!tpu.dma_semaphore, #tpu.memory_space<semaphore_mem>>)
    %scan3A = arith.constant 0 : i32
    %scan3A_34 = arith.constant 0 : i32
    %scan3A_35 = arith.constant 39 : i32
    %scan3A_36 = arith.addi %scan3A_34, %scan3A_35 : i32
    %scan3A_37 = arith.constant 1 : i32
    scf.for %scan3A_70 = %scan3A_34 to %scan3A_36 step %scan3A_37  : i32 {
      %mul3A_71 = arith.constant 2 : i32
      %mul3A_72 = arith.muli %mul3A_71, %scan3A_70 : i32
      %dma_wait3A_73 = arith.constant 0 : i32
      %dma_wait3A_74 = arith.constant 0 : i32
      %dma_wait3A_75 = tpu.memref_slice %arg8[%dma_wait3A_73, %dma_wait3A_74] : memref<80x64xi32, #tpu.memory_space<vmem>> -> memref<1x64xi32, #tpu.memory_space<vmem>>
      %dma_wait3A_76 = tpu.memref_squeeze %dma_wait3A_75 : memref<1x64xi32, #tpu.memory_space<vmem>> -> memref<64xi32, #tpu.memory_space<vmem>>
      %dma_wait3A_77 = arith.constant 0 : i32
      %dma_wait3A_78 = arith.constant 0 : i32
      %dma_wait3A_79 = tpu.memref_slice %arg2[%dma_wait3A_77, %dma_wait3A_78] : memref<10000x128xi32, #tpu.memory_space<hbm>> -> memref<10000x128xi32, #tpu.memory_space<hbm>>
      tpu.wait_indirect_dma semaphore(%arg14 : memref<!tpu.dma_semaphore, #tpu.memory_space<semaphore_mem>>) src(%dma_wait3A_79 : memref<10000x128xi32, #tpu.memory_space<hbm>>) dst(%arg10 : memref<64x128xi32, #tpu.memory_space<vmem>>)
      %dma_wait3A_80 = arith.constant 0 : i32
      %dma_wait3A_81 = arith.constant 0 : i32
      %dma_wait3A_82 = tpu.memref_slice %arg8[%dma_wait3A_80, %dma_wait3A_81] : memref<80x64xi32, #tpu.memory_space<vmem>> -> memref<1x64xi32, #tpu.memory_space<vmem>>
      %dma_wait3A_83 = tpu.memref_squeeze %dma_wait3A_82 : memref<1x64xi32, #tpu.memory_space<vmem>> -> memref<64xi32, #tpu.memory_space<vmem>>
      %dma_wait3A_84 = arith.constant 0 : i32
      %dma_wait3A_85 = arith.constant 0 : i32
      %dma_wait3A_86 = tpu.memref_slice %arg2[%dma_wait3A_84, %dma_wait3A_85] : memref<10000x128xi32, #tpu.memory_space<hbm>> -> memref<10000x128xi32, #tpu.memory_space<hbm>>
      tpu.wait_indirect_dma semaphore(%arg14 : memref<!tpu.dma_semaphore, #tpu.memory_space<semaphore_mem>>) src(%dma_wait3A_86 : memref<10000x128xi32, #tpu.memory_space<hbm>>) dst(%arg11 : memref<64x128xi32, #tpu.memory_space<vmem>>)
      %mul3A_87 = arith.constant 64 : i32
      %mul3A_88 = arith.muli %mul3A_72, %mul3A_87 : i32
      %add3A_89 = arith.addi %mul3A_2, %mul3A_88 : i32
      "tpu.region"() ({
        %run_scoped3A = tpu.sem_alloc : memref<!tpu.dma_semaphore, #tpu.memory_space<semaphore_mem>>
        %dma_start3A_137 = arith.constant 0 : i32
        %dma_start3A_138 = tpu.memref_slice %arg6[%add3A_89, %dma_start3A_137] : memref<163840x128xi32, #tpu.memory_space<hbm>> -> memref<64x128xi32, #tpu.memory_space<hbm>>
        %dma_start3A_139 = arith.constant 0 : i32
        %dma_start3A_140 = tpu.memref_slice %arg6[%add3A_89, %dma_start3A_139] : memref<163840x128xi32, #tpu.memory_space<hbm>> -> memref<64x128xi32, #tpu.memory_space<hbm>>
        tpu.enqueue_dma source(%arg10 : memref<64x128xi32, #tpu.memory_space<vmem>>) target(%dma_start3A_140 : memref<64x128xi32, #tpu.memory_space<hbm>>) target_semaphore(%run_scoped3A : memref<!tpu.dma_semaphore, #tpu.memory_space<semaphore_mem>>)
        %dma_wait3A_141 = arith.constant 0 : i32
        %dma_wait3A_142 = tpu.memref_slice %arg6[%add3A_89, %dma_wait3A_141] : memref<163840x128xi32, #tpu.memory_space<hbm>> -> memref<64x128xi32, #tpu.memory_space<hbm>>
        %dma_wait3A_143 = arith.constant 0 : i32
        %dma_wait3A_144 = tpu.memref_slice %arg6[%add3A_89, %dma_wait3A_143] : memref<163840x128xi32, #tpu.memory_space<hbm>> -> memref<64x128xi32, #tpu.memory_space<hbm>>
        tpu.wait_dma2 semaphore(%run_scoped3A : memref<!tpu.dma_semaphore, #tpu.memory_space<semaphore_mem>>) src(%arg10 : memref<64x128xi32, #tpu.memory_space<vmem>>) dst(%dma_wait3A_144 : memref<64x128xi32, #tpu.memory_space<hbm>>)
        tpu.yield
      }) : () -> ()
      "tpu.region"() ({
        %run_scoped3A = tpu.sem_alloc : memref<!tpu.dma_semaphore, #tpu.memory_space<semaphore_mem>>
        %dma_start3A_137 = arith.constant 0 : i32
        %dma_start3A_138 = tpu.memref_slice %arg7[%add3A_89, %dma_start3A_137] : memref<163840x128xi32, #tpu.memory_space<hbm>> -> memref<64x128xi32, #tpu.memory_space<hbm>>
        %dma_start3A_139 = arith.constant 0 : i32
        %dma_start3A_140 = tpu.memref_slice %arg7[%add3A_89, %dma_start3A_139] : memref<163840x128xi32, #tpu.memory_space<hbm>> -> memref<64x128xi32, #tpu.memory_space<hbm>>
        tpu.enqueue_dma source(%arg11 : memref<64x128xi32, #tpu.memory_space<vmem>>) target(%dma_start3A_140 : memref<64x128xi32, #tpu.memory_space<hbm>>) target_semaphore(%run_scoped3A : memref<!tpu.dma_semaphore, #tpu.memory_space<semaphore_mem>>)
        %dma_wait3A_141 = arith.constant 0 : i32
        %dma_wait3A_142 = tpu.memref_slice %arg7[%add3A_89, %dma_wait3A_141] : memref<163840x128xi32, #tpu.memory_space<hbm>> -> memref<64x128xi32, #tpu.memory_space<hbm>>
        %dma_wait3A_143 = arith.constant 0 : i32
        %dma_wait3A_144 = tpu.memref_slice %arg7[%add3A_89, %dma_wait3A_143] : memref<163840x128xi32, #tpu.memory_space<hbm>> -> memref<64x128xi32, #tpu.memory_space<hbm>>
        tpu.wait_dma2 semaphore(%run_scoped3A : memref<!tpu.dma_semaphore, #tpu.memory_space<semaphore_mem>>) src(%arg11 : memref<64x128xi32, #tpu.memory_space<vmem>>) dst(%dma_wait3A_144 : memref<64x128xi32, #tpu.memory_space<hbm>>)
        tpu.yield
      }) : () -> ()
      %add3A_90 = arith.constant 2 : i32
      %add3A_91 = arith.addi %mul3A_72, %add3A_90 : i32
      %dma_start3A_92 = arith.constant 0 : i32
      %dma_start3A_93 = tpu.memref_slice %arg8[%add3A_91, %dma_start3A_92] : memref<80x64xi32, #tpu.memory_space<vmem>> -> memref<1x64xi32, #tpu.memory_space<vmem>>
      %dma_start3A_94 = tpu.memref_squeeze %dma_start3A_93 : memref<1x64xi32, #tpu.memory_space<vmem>> -> memref<64xi32, #tpu.memory_space<vmem>>
      %dma_start3A_95 = arith.constant 0 : i32
      %dma_start3A_96 = arith.constant 0 : i32
      %dma_start3A_97 = tpu.memref_slice %arg2[%dma_start3A_95, %dma_start3A_96] : memref<10000x128xi32, #tpu.memory_space<hbm>> -> memref<10000x128xi32, #tpu.memory_space<hbm>>
      tpu.enqueue_indirect_dma source(%dma_start3A_97 : memref<10000x128xi32, #tpu.memory_space<hbm>>) target(%arg10 : memref<64x128xi32, #tpu.memory_space<vmem>>) offsets(%dma_start3A_94 : memref<64xi32, #tpu.memory_space<vmem>>) semaphore(%arg14 : memref<!tpu.dma_semaphore, #tpu.memory_space<semaphore_mem>>)
      %dma_start3A_98 = arith.constant 0 : i32
      %dma_start3A_99 = tpu.memref_slice %arg9[%add3A_91, %dma_start3A_98] : memref<80x64xi32, #tpu.memory_space<vmem>> -> memref<1x64xi32, #tpu.memory_space<vmem>>
      %dma_start3A_100 = tpu.memref_squeeze %dma_start3A_99 : memref<1x64xi32, #tpu.memory_space<vmem>> -> memref<64xi32, #tpu.memory_space<vmem>>
      %dma_start3A_101 = arith.constant 0 : i32
      %dma_start3A_102 = arith.constant 0 : i32
      %dma_start3A_103 = tpu.memref_slice %arg3[%dma_start3A_101, %dma_start3A_102] : memref<10000x128xi32, #tpu.memory_space<hbm>> -> memref<10000x128xi32, #tpu.memory_space<hbm>>
      tpu.enqueue_indirect_dma source(%dma_start3A_103 : memref<10000x128xi32, #tpu.memory_space<hbm>>) target(%arg11 : memref<64x128xi32, #tpu.memory_space<vmem>>) offsets(%dma_start3A_100 : memref<64xi32, #tpu.memory_space<vmem>>) semaphore(%arg14 : memref<!tpu.dma_semaphore, #tpu.memory_space<semaphore_mem>>)
      %add3A_104 = arith.constant 1 : i32
      %add3A_105 = arith.addi %mul3A_72, %add3A_104 : i32
      %dma_wait3A_106 = arith.constant 0 : i32
      %dma_wait3A_107 = arith.constant 0 : i32
      %dma_wait3A_108 = tpu.memref_slice %arg8[%dma_wait3A_106, %dma_wait3A_107] : memref<80x64xi32, #tpu.memory_space<vmem>> -> memref<1x64xi32, #tpu.memory_space<vmem>>
      %dma_wait3A_109 = tpu.memref_squeeze %dma_wait3A_108 : memref<1x64xi32, #tpu.memory_space<vmem>> -> memref<64xi32, #tpu.memory_space<vmem>>
      %dma_wait3A_110 = arith.constant 0 : i32
      %dma_wait3A_111 = arith.constant 0 : i32
      %dma_wait3A_112 = tpu.memref_slice %arg2[%dma_wait3A_110, %dma_wait3A_111] : memref<10000x128xi32, #tpu.memory_space<hbm>> -> memref<10000x128xi32, #tpu.memory_space<hbm>>
      tpu.wait_indirect_dma semaphore(%arg15 : memref<!tpu.dma_semaphore, #tpu.memory_space<semaphore_mem>>) src(%dma_wait3A_112 : memref<10000x128xi32, #tpu.memory_space<hbm>>) dst(%arg12 : memref<64x128xi32, #tpu.memory_space<vmem>>)
      %dma_wait3A_113 = arith.constant 0 : i32
      %dma_wait3A_114 = arith.constant 0 : i32
      %dma_wait3A_115 = tpu.memref_slice %arg8[%dma_wait3A_113, %dma_wait3A_114] : memref<80x64xi32, #tpu.memory_space<vmem>> -> memref<1x64xi32, #tpu.memory_space<vmem>>
      %dma_wait3A_116 = tpu.memref_squeeze %dma_wait3A_115 : memref<1x64xi32, #tpu.memory_space<vmem>> -> memref<64xi32, #tpu.memory_space<vmem>>
      %dma_wait3A_117 = arith.constant 0 : i32
      %dma_wait3A_118 = arith.constant 0 : i32
      %dma_wait3A_119 = tpu.memref_slice %arg2[%dma_wait3A_117, %dma_wait3A_118] : memref<10000x128xi32, #tpu.memory_space<hbm>> -> memref<10000x128xi32, #tpu.memory_space<hbm>>
      tpu.wait_indirect_dma semaphore(%arg15 : memref<!tpu.dma_semaphore, #tpu.memory_space<semaphore_mem>>) src(%dma_wait3A_119 : memref<10000x128xi32, #tpu.memory_space<hbm>>) dst(%arg13 : memref<64x128xi32, #tpu.memory_space<vmem>>)
      %mul3A_120 = arith.constant 64 : i32
      %mul3A_121 = arith.muli %add3A_105, %mul3A_120 : i32
      %add3A_122 = arith.addi %mul3A_2, %mul3A_121 : i32
      "tpu.region"() ({
        %run_scoped3A = tpu.sem_alloc : memref<!tpu.dma_semaphore, #tpu.memory_space<semaphore_mem>>
        %dma_start3A_137 = arith.constant 0 : i32
        %dma_start3A_138 = tpu.memref_slice %arg6[%add3A_122, %dma_start3A_137] : memref<163840x128xi32, #tpu.memory_space<hbm>> -> memref<64x128xi32, #tpu.memory_space<hbm>>
        %dma_start3A_139 = arith.constant 0 : i32
        %dma_start3A_140 = tpu.memref_slice %arg6[%add3A_122, %dma_start3A_139] : memref<163840x128xi32, #tpu.memory_space<hbm>> -> memref<64x128xi32, #tpu.memory_space<hbm>>
        tpu.enqueue_dma source(%arg12 : memref<64x128xi32, #tpu.memory_space<vmem>>) target(%dma_start3A_140 : memref<64x128xi32, #tpu.memory_space<hbm>>) target_semaphore(%run_scoped3A : memref<!tpu.dma_semaphore, #tpu.memory_space<semaphore_mem>>)
        %dma_wait3A_141 = arith.constant 0 : i32
        %dma_wait3A_142 = tpu.memref_slice %arg6[%add3A_122, %dma_wait3A_141] : memref<163840x128xi32, #tpu.memory_space<hbm>> -> memref<64x128xi32, #tpu.memory_space<hbm>>
        %dma_wait3A_143 = arith.constant 0 : i32
        %dma_wait3A_144 = tpu.memref_slice %arg6[%add3A_122, %dma_wait3A_143] : memref<163840x128xi32, #tpu.memory_space<hbm>> -> memref<64x128xi32, #tpu.memory_space<hbm>>
        tpu.wait_dma2 semaphore(%run_scoped3A : memref<!tpu.dma_semaphore, #tpu.memory_space<semaphore_mem>>) src(%arg12 : memref<64x128xi32, #tpu.memory_space<vmem>>) dst(%dma_wait3A_144 : memref<64x128xi32, #tpu.memory_space<hbm>>)
        tpu.yield
      }) : () -> ()
      "tpu.region"() ({
        %run_scoped3A = tpu.sem_alloc : memref<!tpu.dma_semaphore, #tpu.memory_space<semaphore_mem>>
        %dma_start3A_137 = arith.constant 0 : i32
        %dma_start3A_138 = tpu.memref_slice %arg7[%add3A_122, %dma_start3A_137] : memref<163840x128xi32, #tpu.memory_space<hbm>> -> memref<64x128xi32, #tpu.memory_space<hbm>>
        %dma_start3A_139 = arith.constant 0 : i32
        %dma_start3A_140 = tpu.memref_slice %arg7[%add3A_122, %dma_start3A_139] : memref<163840x128xi32, #tpu.memory_space<hbm>> -> memref<64x128xi32, #tpu.memory_space<hbm>>
        tpu.enqueue_dma source(%arg13 : memref<64x128xi32, #tpu.memory_space<vmem>>) target(%dma_start3A_140 : memref<64x128xi32, #tpu.memory_space<hbm>>) target_semaphore(%run_scoped3A : memref<!tpu.dma_semaphore, #tpu.memory_space<semaphore_mem>>)
        %dma_wait3A_141 = arith.constant 0 : i32
        %dma_wait3A_142 = tpu.memref_slice %arg7[%add3A_122, %dma_wait3A_141] : memref<163840x128xi32, #tpu.memory_space<hbm>> -> memref<64x128xi32, #tpu.memory_space<hbm>>
        %dma_wait3A_143 = arith.constant 0 : i32
        %dma_wait3A_144 = tpu.memref_slice %arg7[%add3A_122, %dma_wait3A_143] : memref<163840x128xi32, #tpu.memory_space<hbm>> -> memref<64x128xi32, #tpu.memory_space<hbm>>
        tpu.wait_dma2 semaphore(%run_scoped3A : memref<!tpu.dma_semaphore, #tpu.memory_space<semaphore_mem>>) src(%arg13 : memref<64x128xi32, #tpu.memory_space<vmem>>) dst(%dma_wait3A_144 : memref<64x128xi32, #tpu.memory_space<hbm>>)
        tpu.yield
      }) : () -> ()
      %add3A_123 = arith.constant 3 : i32
      %add3A_124 = arith.addi %mul3A_72, %add3A_123 : i32
      %dma_start3A_125 = arith.constant 0 : i32
      %dma_start3A_126 = tpu.memref_slice %arg8[%add3A_124, %dma_start3A_125] : memref<80x64xi32, #tpu.memory_space<vmem>> -> memref<1x64xi32, #tpu.memory_space<vmem>>
      %dma_start3A_127 = tpu.memref_squeeze %dma_start3A_126 : memref<1x64xi32, #tpu.memory_space<vmem>> -> memref<64xi32, #tpu.memory_space<vmem>>
      %dma_start3A_128 = arith.constant 0 : i32
      %dma_start3A_129 = arith.constant 0 : i32
      %dma_start3A_130 = tpu.memref_slice %arg2[%dma_start3A_128, %dma_start3A_129] : memref<10000x128xi32, #tpu.memory_space<hbm>> -> memref<10000x128xi32, #tpu.memory_space<hbm>>
      tpu.enqueue_indirect_dma source(%dma_start3A_130 : memref<10000x128xi32, #tpu.memory_space<hbm>>) target(%arg12 : memref<64x128xi32, #tpu.memory_space<vmem>>) offsets(%dma_start3A_127 : memref<64xi32, #tpu.memory_space<vmem>>) semaphore(%arg15 : memref<!tpu.dma_semaphore, #tpu.memory_space<semaphore_mem>>)
      %dma_start3A_131 = arith.constant 0 : i32
      %dma_start3A_132 = tpu.memref_slice %arg9[%add3A_124, %dma_start3A_131] : memref<80x64xi32, #tpu.memory_space<vmem>> -> memref<1x64xi32, #tpu.memory_space<vmem>>
      %dma_start3A_133 = tpu.memref_squeeze %dma_start3A_132 : memref<1x64xi32, #tpu.memory_space<vmem>> -> memref<64xi32, #tpu.memory_space<vmem>>
      %dma_start3A_134 = arith.constant 0 : i32
      %dma_start3A_135 = arith.constant 0 : i32
      %dma_start3A_136 = tpu.memref_slice %arg3[%dma_start3A_134, %dma_start3A_135] : memref<10000x128xi32, #tpu.memory_space<hbm>> -> memref<10000x128xi32, #tpu.memory_space<hbm>>
      tpu.enqueue_indirect_dma source(%dma_start3A_136 : memref<10000x128xi32, #tpu.memory_space<hbm>>) target(%arg13 : memref<64x128xi32, #tpu.memory_space<vmem>>) offsets(%dma_start3A_133 : memref<64xi32, #tpu.memory_space<vmem>>) semaphore(%arg15 : memref<!tpu.dma_semaphore, #tpu.memory_space<semaphore_mem>>)
    }
    %scan3A_38 = arith.constant 39 : i32
    %dma_wait3A = arith.constant 0 : i32
    %dma_wait3A_39 = arith.constant 0 : i32
    %dma_wait3A_40 = tpu.memref_slice %arg8[%dma_wait3A, %dma_wait3A_39] : memref<80x64xi32, #tpu.memory_space<vmem>> -> memref<1x64xi32, #tpu.memory_space<vmem>>
    %dma_wait3A_41 = tpu.memref_squeeze %dma_wait3A_40 : memref<1x64xi32, #tpu.memory_space<vmem>> -> memref<64xi32, #tpu.memory_space<vmem>>
    %dma_wait3A_42 = arith.constant 0 : i32
    %dma_wait3A_43 = arith.constant 0 : i32
    %dma_wait3A_44 = tpu.memref_slice %arg2[%dma_wait3A_42, %dma_wait3A_43] : memref<10000x128xi32, #tpu.memory_space<hbm>> -> memref<10000x128xi32, #tpu.memory_space<hbm>>
    tpu.wait_indirect_dma semaphore(%arg14 : memref<!tpu.dma_semaphore, #tpu.memory_space<semaphore_mem>>) src(%dma_wait3A_44 : memref<10000x128xi32, #tpu.memory_space<hbm>>) dst(%arg10 : memref<64x128xi32, #tpu.memory_space<vmem>>)
    %dma_wait3A_45 = arith.constant 0 : i32
    %dma_wait3A_46 = arith.constant 0 : i32
    %dma_wait3A_47 = tpu.memref_slice %arg8[%dma_wait3A_45, %dma_wait3A_46] : memref<80x64xi32, #tpu.memory_space<vmem>> -> memref<1x64xi32, #tpu.memory_space<vmem>>
    %dma_wait3A_48 = tpu.memref_squeeze %dma_wait3A_47 : memref<1x64xi32, #tpu.memory_space<vmem>> -> memref<64xi32, #tpu.memory_space<vmem>>
    %dma_wait3A_49 = arith.constant 0 : i32
    %dma_wait3A_50 = arith.constant 0 : i32
    %dma_wait3A_51 = tpu.memref_slice %arg2[%dma_wait3A_49, %dma_wait3A_50] : memref<10000x128xi32, #tpu.memory_space<hbm>> -> memref<10000x128xi32, #tpu.memory_space<hbm>>
    tpu.wait_indirect_dma semaphore(%arg14 : memref<!tpu.dma_semaphore, #tpu.memory_space<semaphore_mem>>) src(%dma_wait3A_51 : memref<10000x128xi32, #tpu.memory_space<hbm>>) dst(%arg11 : memref<64x128xi32, #tpu.memory_space<vmem>>)
    %add3A_52 = arith.constant 4992 : i32
    %add3A_53 = arith.addi %mul3A_2, %add3A_52 : i32
    "tpu.region"() ({
      %run_scoped3A = tpu.sem_alloc : memref<!tpu.dma_semaphore, #tpu.memory_space<semaphore_mem>>
      %dma_start3A_70 = arith.constant 0 : i32
      %dma_start3A_71 = tpu.memref_slice %arg6[%add3A_53, %dma_start3A_70] : memref<163840x128xi32, #tpu.memory_space<hbm>> -> memref<64x128xi32, #tpu.memory_space<hbm>>
      %dma_start3A_72 = arith.constant 0 : i32
      %dma_start3A_73 = tpu.memref_slice %arg6[%add3A_53, %dma_start3A_72] : memref<163840x128xi32, #tpu.memory_space<hbm>> -> memref<64x128xi32, #tpu.memory_space<hbm>>
      tpu.enqueue_dma source(%arg10 : memref<64x128xi32, #tpu.memory_space<vmem>>) target(%dma_start3A_73 : memref<64x128xi32, #tpu.memory_space<hbm>>) target_semaphore(%run_scoped3A : memref<!tpu.dma_semaphore, #tpu.memory_space<semaphore_mem>>)
      %dma_wait3A_74 = arith.constant 0 : i32
      %dma_wait3A_75 = tpu.memref_slice %arg6[%add3A_53, %dma_wait3A_74] : memref<163840x128xi32, #tpu.memory_space<hbm>> -> memref<64x128xi32, #tpu.memory_space<hbm>>
      %dma_wait3A_76 = arith.constant 0 : i32
      %dma_wait3A_77 = tpu.memref_slice %arg6[%add3A_53, %dma_wait3A_76] : memref<163840x128xi32, #tpu.memory_space<hbm>> -> memref<64x128xi32, #tpu.memory_space<hbm>>
      tpu.wait_dma2 semaphore(%run_scoped3A : memref<!tpu.dma_semaphore, #tpu.memory_space<semaphore_mem>>) src(%arg10 : memref<64x128xi32, #tpu.memory_space<vmem>>) dst(%dma_wait3A_77 : memref<64x128xi32, #tpu.memory_space<hbm>>)
      tpu.yield
    }) : () -> ()
    "tpu.region"() ({
      %run_scoped3A = tpu.sem_alloc : memref<!tpu.dma_semaphore, #tpu.memory_space<semaphore_mem>>
      %dma_start3A_70 = arith.constant 0 : i32
      %dma_start3A_71 = tpu.memref_slice %arg7[%add3A_53, %dma_start3A_70] : memref<163840x128xi32, #tpu.memory_space<hbm>> -> memref<64x128xi32, #tpu.memory_space<hbm>>
      %dma_start3A_72 = arith.constant 0 : i32
      %dma_start3A_73 = tpu.memref_slice %arg7[%add3A_53, %dma_start3A_72] : memref<163840x128xi32, #tpu.memory_space<hbm>> -> memref<64x128xi32, #tpu.memory_space<hbm>>
      tpu.enqueue_dma source(%arg11 : memref<64x128xi32, #tpu.memory_space<vmem>>) target(%dma_start3A_73 : memref<64x128xi32, #tpu.memory_space<hbm>>) target_semaphore(%run_scoped3A : memref<!tpu.dma_semaphore, #tpu.memory_space<semaphore_mem>>)
      %dma_wait3A_74 = arith.constant 0 : i32
      %dma_wait3A_75 = tpu.memref_slice %arg7[%add3A_53, %dma_wait3A_74] : memref<163840x128xi32, #tpu.memory_space<hbm>> -> memref<64x128xi32, #tpu.memory_space<hbm>>
      %dma_wait3A_76 = arith.constant 0 : i32
      %dma_wait3A_77 = tpu.memref_slice %arg7[%add3A_53, %dma_wait3A_76] : memref<163840x128xi32, #tpu.memory_space<hbm>> -> memref<64x128xi32, #tpu.memory_space<hbm>>
      tpu.wait_dma2 semaphore(%run_scoped3A : memref<!tpu.dma_semaphore, #tpu.memory_space<semaphore_mem>>) src(%arg11 : memref<64x128xi32, #tpu.memory_space<vmem>>) dst(%dma_wait3A_77 : memref<64x128xi32, #tpu.memory_space<hbm>>)
      tpu.yield
    }) : () -> ()
    %dma_wait3A_54 = arith.constant 0 : i32
    %dma_wait3A_55 = arith.constant 0 : i32
    %dma_wait3A_56 = tpu.memref_slice %arg8[%dma_wait3A_54, %dma_wait3A_55] : memref<80x64xi32, #tpu.memory_space<vmem>> -> memref<1x64xi32, #tpu.memory_space<vmem>>
    %dma_wait3A_57 = tpu.memref_squeeze %dma_wait3A_56 : memref<1x64xi32, #tpu.memory_space<vmem>> -> memref<64xi32, #tpu.memory_space<vmem>>
    %dma_wait3A_58 = arith.constant 0 : i32
    %dma_wait3A_59 = arith.constant 0 : i32
    %dma_wait3A_60 = tpu.memref_slice %arg2[%dma_wait3A_58, %dma_wait3A_59] : memref<10000x128xi32, #tpu.memory_space<hbm>> -> memref<10000x128xi32, #tpu.memory_space<hbm>>
    tpu.wait_indirect_dma semaphore(%arg15 : memref<!tpu.dma_semaphore, #tpu.memory_space<semaphore_mem>>) src(%dma_wait3A_60 : memref<10000x128xi32, #tpu.memory_space<hbm>>) dst(%arg12 : memref<64x128xi32, #tpu.memory_space<vmem>>)
    %dma_wait3A_61 = arith.constant 0 : i32
    %dma_wait3A_62 = arith.constant 0 : i32
    %dma_wait3A_63 = tpu.memref_slice %arg8[%dma_wait3A_61, %dma_wait3A_62] : memref<80x64xi32, #tpu.memory_space<vmem>> -> memref<1x64xi32, #tpu.memory_space<vmem>>
    %dma_wait3A_64 = tpu.memref_squeeze %dma_wait3A_63 : memref<1x64xi32, #tpu.memory_space<vmem>> -> memref<64xi32, #tpu.memory_space<vmem>>
    %dma_wait3A_65 = arith.constant 0 : i32
    %dma_wait3A_66 = arith.constant 0 : i32
    %dma_wait3A_67 = tpu.memref_slice %arg2[%dma_wait3A_65, %dma_wait3A_66] : memref<10000x128xi32, #tpu.memory_space<hbm>> -> memref<10000x128xi32, #tpu.memory_space<hbm>>
    tpu.wait_indirect_dma semaphore(%arg15 : memref<!tpu.dma_semaphore, #tpu.memory_space<semaphore_mem>>) src(%dma_wait3A_67 : memref<10000x128xi32, #tpu.memory_space<hbm>>) dst(%arg13 : memref<64x128xi32, #tpu.memory_space<vmem>>)
    %add3A_68 = arith.constant 5056 : i32
    %add3A_69 = arith.addi %mul3A_2, %add3A_68 : i32
    "tpu.region"() ({
      %run_scoped3A = tpu.sem_alloc : memref<!tpu.dma_semaphore, #tpu.memory_space<semaphore_mem>>
      %dma_start3A_70 = arith.constant 0 : i32
      %dma_start3A_71 = tpu.memref_slice %arg6[%add3A_69, %dma_start3A_70] : memref<163840x128xi32, #tpu.memory_space<hbm>> -> memref<64x128xi32, #tpu.memory_space<hbm>>
      %dma_start3A_72 = arith.constant 0 : i32
      %dma_start3A_73 = tpu.memref_slice %arg6[%add3A_69, %dma_start3A_72] : memref<163840x128xi32, #tpu.memory_space<hbm>> -> memref<64x128xi32, #tpu.memory_space<hbm>>
      tpu.enqueue_dma source(%arg12 : memref<64x128xi32, #tpu.memory_space<vmem>>) target(%dma_start3A_73 : memref<64x128xi32, #tpu.memory_space<hbm>>) target_semaphore(%run_scoped3A : memref<!tpu.dma_semaphore, #tpu.memory_space<semaphore_mem>>)
      %dma_wait3A_74 = arith.constant 0 : i32
      %dma_wait3A_75 = tpu.memref_slice %arg6[%add3A_69, %dma_wait3A_74] : memref<163840x128xi32, #tpu.memory_space<hbm>> -> memref<64x128xi32, #tpu.memory_space<hbm>>
      %dma_wait3A_76 = arith.constant 0 : i32
      %dma_wait3A_77 = tpu.memref_slice %arg6[%add3A_69, %dma_wait3A_76] : memref<163840x128xi32, #tpu.memory_space<hbm>> -> memref<64x128xi32, #tpu.memory_space<hbm>>
      tpu.wait_dma2 semaphore(%run_scoped3A : memref<!tpu.dma_semaphore, #tpu.memory_space<semaphore_mem>>) src(%arg12 : memref<64x128xi32, #tpu.memory_space<vmem>>) dst(%dma_wait3A_77 : memref<64x128xi32, #tpu.memory_space<hbm>>)
      tpu.yield
    }) : () -> ()
    "tpu.region"() ({
      %run_scoped3A = tpu.sem_alloc : memref<!tpu.dma_semaphore, #tpu.memory_space<semaphore_mem>>
      %dma_start3A_70 = arith.constant 0 : i32
      %dma_start3A_71 = tpu.memref_slice %arg7[%add3A_69, %dma_start3A_70] : memref<163840x128xi32, #tpu.memory_space<hbm>> -> memref<64x128xi32, #tpu.memory_space<hbm>>
      %dma_start3A_72 = arith.constant 0 : i32
      %dma_start3A_73 = tpu.memref_slice %arg7[%add3A_69, %dma_start3A_72] : memref<163840x128xi32, #tpu.memory_space<hbm>> -> memref<64x128xi32, #tpu.memory_space<hbm>>
      tpu.enqueue_dma source(%arg13 : memref<64x128xi32, #tpu.memory_space<vmem>>) target(%dma_start3A_73 : memref<64x128xi32, #tpu.memory_space<hbm>>) target_semaphore(%run_scoped3A : memref<!tpu.dma_semaphore, #tpu.memory_space<semaphore_mem>>)
      %dma_wait3A_74 = arith.constant 0 : i32
      %dma_wait3A_75 = tpu.memref_slice %arg7[%add3A_69, %dma_wait3A_74] : memref<163840x128xi32, #tpu.memory_space<hbm>> -> memref<64x128xi32, #tpu.memory_space<hbm>>
      %dma_wait3A_76 = arith.constant 0 : i32
      %dma_wait3A_77 = tpu.memref_slice %arg7[%add3A_69, %dma_wait3A_76] : memref<163840x128xi32, #tpu.memory_space<hbm>> -> memref<64x128xi32, #tpu.memory_space<hbm>>
      tpu.wait_dma2 semaphore(%run_scoped3A : memref<!tpu.dma_semaphore, #tpu.memory_space<semaphore_mem>>) src(%arg13 : memref<64x128xi32, #tpu.memory_space<vmem>>) dst(%dma_wait3A_77 : memref<64x128xi32, #tpu.memory_space<hbm>>)
      tpu.yield
    }) : () -> ()
    return
  }
}

#map = affine_map<(d0, d1) -> (0, 0)>
module attributes {stable_mosaic.version = 14 : i64} {
  func.func @_scatter_body(%arg0: i32, %arg1: i32, %arg2: memref<163840x128xf32, #tpu.memory_space<hbm>>, %arg3: memref<163840x128xf32, #tpu.memory_space<hbm>>, %arg4: memref<2560x64xi32, #tpu.memory_space<hbm>>, %arg5: memref<10240x128xf32, #tpu.memory_space<hbm>>, %arg6: memref<20480x128xf32, #tpu.memory_space<hbm>>, %arg7: memref<2560x128xf32, #tpu.memory_space<hbm>>, %arg8: memref<10240x128xf32, #tpu.memory_space<vmem_shared>>, %arg9: memref<1280x128xf32, #tpu.memory_space<vmem_shared>>, %arg10: memref<1x64xi32, #tpu.memory_space<vmem>>, %arg11: memref<1x64xi32, #tpu.memory_space<vmem>>, %arg12: memref<1x64xi32, #tpu.memory_space<vmem>>, %arg13: memref<1x64xi32, #tpu.memory_space<vmem>>, %arg14: memref<64x128xf32, #tpu.memory_space<vmem>>, %arg15: memref<64x128xf32, #tpu.memory_space<vmem>>, %arg16: memref<64x128xf32, #tpu.memory_space<vmem>>, %arg17: memref<64x128xf32, #tpu.memory_space<vmem>>, %arg18: memref<!tpu.dma_semaphore, #tpu.memory_space<semaphore_mem>>, %arg19: memref<!tpu.dma_semaphore, #tpu.memory_space<semaphore_mem>>) attributes {dimension_semantics = [#tpu.dimension_semantics<core_parallel>, #tpu.dimension_semantics<subcore_parallel>], iteration_bounds = array<i64: 2, 16>, scalar_prefetch = 0 : i64, scratch_operands = 12 : i64, tpu.core_type = #tpu.core_type<sc_vector_subcore>, window_params = [{transform_indices = #map}, {transform_indices = #map}, {transform_indices = #map}, {transform_indices = #map}, {transform_indices = #map}, {transform_indices = #map}]} {
    %mul3A = arith.constant 640 : i32
    %mul3A_0 = arith.muli %arg1, %mul3A : i32
    %mul3A_1 = arith.constant 80 : i32
    %mul3A_2 = arith.muli %arg1, %mul3A_1 : i32
    "tpu.region"() ({
      %run_scoped3A_299 = tpu.sem_alloc : memref<!tpu.dma_semaphore, #tpu.memory_space<semaphore_mem>>
      %dma_start3A_300 = arith.constant 0 : i32
      %dma_start3A_301 = arith.constant 0 : i32
      %dma_start3A_302 = tpu.memref_slice %arg5[%dma_start3A_300, %dma_start3A_301] : memref<10240x128xf32, #tpu.memory_space<hbm>> -> memref<64x128xf32, #tpu.memory_space<hbm>>
      %dma_start3A_303 = arith.constant 0 : i32
      %dma_start3A_304 = arith.constant 0 : i32
      %dma_start3A_305 = tpu.memref_slice %arg5[%dma_start3A_303, %dma_start3A_304] : memref<10240x128xf32, #tpu.memory_space<hbm>> -> memref<64x128xf32, #tpu.memory_space<hbm>>
      tpu.enqueue_dma source(%dma_start3A_305 : memref<64x128xf32, #tpu.memory_space<hbm>>) target(%arg14 : memref<64x128xf32, #tpu.memory_space<vmem>>) target_semaphore(%run_scoped3A_299 : memref<!tpu.dma_semaphore, #tpu.memory_space<semaphore_mem>>)
      %dma_wait3A_306 = arith.constant 0 : i32
      %dma_wait3A_307 = arith.constant 0 : i32
      %dma_wait3A_308 = tpu.memref_slice %arg5[%dma_wait3A_306, %dma_wait3A_307] : memref<10240x128xf32, #tpu.memory_space<hbm>> -> memref<64x128xf32, #tpu.memory_space<hbm>>
      %dma_wait3A_309 = arith.constant 0 : i32
      %dma_wait3A_310 = arith.constant 0 : i32
      %dma_wait3A_311 = tpu.memref_slice %arg5[%dma_wait3A_309, %dma_wait3A_310] : memref<10240x128xf32, #tpu.memory_space<hbm>> -> memref<64x128xf32, #tpu.memory_space<hbm>>
      tpu.wait_dma2 semaphore(%run_scoped3A_299 : memref<!tpu.dma_semaphore, #tpu.memory_space<semaphore_mem>>) src(%dma_wait3A_311 : memref<64x128xf32, #tpu.memory_space<hbm>>) dst(%arg14 : memref<64x128xf32, #tpu.memory_space<vmem>>)
      tpu.yield
    }) : () -> ()
    %add3A = arith.constant 0 : i32
    %add3A_3 = arith.addi %mul3A_0, %add3A : i32
    "tpu.region"() ({
      %run_scoped3A_299 = tpu.sem_alloc : memref<!tpu.dma_semaphore, #tpu.memory_space<semaphore_mem>>
      %dma_start3A_300 = arith.constant 0 : i32
      %dma_start3A_301 = tpu.memref_slice %arg8[%add3A_3, %dma_start3A_300] : memref<10240x128xf32, #tpu.memory_space<vmem_shared>> -> memref<64x128xf32, #tpu.memory_space<vmem_shared>>
      %dma_start3A_302 = arith.constant 0 : i32
      %dma_start3A_303 = tpu.memref_slice %arg8[%add3A_3, %dma_start3A_302] : memref<10240x128xf32, #tpu.memory_space<vmem_shared>> -> memref<64x128xf32, #tpu.memory_space<vmem_shared>>
      tpu.enqueue_dma source(%arg14 : memref<64x128xf32, #tpu.memory_space<vmem>>) target(%dma_start3A_303 : memref<64x128xf32, #tpu.memory_space<vmem_shared>>) target_semaphore(%run_scoped3A_299 : memref<!tpu.dma_semaphore, #tpu.memory_space<semaphore_mem>>)
      %dma_wait3A_304 = arith.constant 0 : i32
      %dma_wait3A_305 = tpu.memref_slice %arg8[%add3A_3, %dma_wait3A_304] : memref<10240x128xf32, #tpu.memory_space<vmem_shared>> -> memref<64x128xf32, #tpu.memory_space<vmem_shared>>
      %dma_wait3A_306 = arith.constant 0 : i32
      %dma_wait3A_307 = tpu.memref_slice %arg8[%add3A_3, %dma_wait3A_306] : memref<10240x128xf32, #tpu.memory_space<vmem_shared>> -> memref<64x128xf32, #tpu.memory_space<vmem_shared>>
      tpu.wait_dma2 semaphore(%run_scoped3A_299 : memref<!tpu.dma_semaphore, #tpu.memory_space<semaphore_mem>>) src(%arg14 : memref<64x128xf32, #tpu.memory_space<vmem>>) dst(%dma_wait3A_307 : memref<64x128xf32, #tpu.memory_space<vmem_shared>>)
      tpu.yield
    }) : () -> ()
    %add3A_4 = arith.constant 64 : i32
    %add3A_5 = arith.addi %mul3A_0, %add3A_4 : i32
    "tpu.region"() ({
      %run_scoped3A_299 = tpu.sem_alloc : memref<!tpu.dma_semaphore, #tpu.memory_space<semaphore_mem>>
      %dma_start3A_300 = arith.constant 0 : i32
      %dma_start3A_301 = tpu.memref_slice %arg8[%add3A_5, %dma_start3A_300] : memref<10240x128xf32, #tpu.memory_space<vmem_shared>> -> memref<64x128xf32, #tpu.memory_space<vmem_shared>>
      %dma_start3A_302 = arith.constant 0 : i32
      %dma_start3A_303 = tpu.memref_slice %arg8[%add3A_5, %dma_start3A_302] : memref<10240x128xf32, #tpu.memory_space<vmem_shared>> -> memref<64x128xf32, #tpu.memory_space<vmem_shared>>
      tpu.enqueue_dma source(%arg14 : memref<64x128xf32, #tpu.memory_space<vmem>>) target(%dma_start3A_303 : memref<64x128xf32, #tpu.memory_space<vmem_shared>>) target_semaphore(%run_scoped3A_299 : memref<!tpu.dma_semaphore, #tpu.memory_space<semaphore_mem>>)
      %dma_wait3A_304 = arith.constant 0 : i32
      %dma_wait3A_305 = tpu.memref_slice %arg8[%add3A_5, %dma_wait3A_304] : memref<10240x128xf32, #tpu.memory_space<vmem_shared>> -> memref<64x128xf32, #tpu.memory_space<vmem_shared>>
      %dma_wait3A_306 = arith.constant 0 : i32
      %dma_wait3A_307 = tpu.memref_slice %arg8[%add3A_5, %dma_wait3A_306] : memref<10240x128xf32, #tpu.memory_space<vmem_shared>> -> memref<64x128xf32, #tpu.memory_space<vmem_shared>>
      tpu.wait_dma2 semaphore(%run_scoped3A_299 : memref<!tpu.dma_semaphore, #tpu.memory_space<semaphore_mem>>) src(%arg14 : memref<64x128xf32, #tpu.memory_space<vmem>>) dst(%dma_wait3A_307 : memref<64x128xf32, #tpu.memory_space<vmem_shared>>)
      tpu.yield
    }) : () -> ()
    %add3A_6 = arith.constant 128 : i32
    %add3A_7 = arith.addi %mul3A_0, %add3A_6 : i32
    "tpu.region"() ({
      %run_scoped3A_299 = tpu.sem_alloc : memref<!tpu.dma_semaphore, #tpu.memory_space<semaphore_mem>>
      %dma_start3A_300 = arith.constant 0 : i32
      %dma_start3A_301 = tpu.memref_slice %arg8[%add3A_7, %dma_start3A_300] : memref<10240x128xf32, #tpu.memory_space<vmem_shared>> -> memref<64x128xf32, #tpu.memory_space<vmem_shared>>
      %dma_start3A_302 = arith.constant 0 : i32
      %dma_start3A_303 = tpu.memref_slice %arg8[%add3A_7, %dma_start3A_302] : memref<10240x128xf32, #tpu.memory_space<vmem_shared>> -> memref<64x128xf32, #tpu.memory_space<vmem_shared>>
      tpu.enqueue_dma source(%arg14 : memref<64x128xf32, #tpu.memory_space<vmem>>) target(%dma_start3A_303 : memref<64x128xf32, #tpu.memory_space<vmem_shared>>) target_semaphore(%run_scoped3A_299 : memref<!tpu.dma_semaphore, #tpu.memory_space<semaphore_mem>>)
      %dma_wait3A_304 = arith.constant 0 : i32
      %dma_wait3A_305 = tpu.memref_slice %arg8[%add3A_7, %dma_wait3A_304] : memref<10240x128xf32, #tpu.memory_space<vmem_shared>> -> memref<64x128xf32, #tpu.memory_space<vmem_shared>>
      %dma_wait3A_306 = arith.constant 0 : i32
      %dma_wait3A_307 = tpu.memref_slice %arg8[%add3A_7, %dma_wait3A_306] : memref<10240x128xf32, #tpu.memory_space<vmem_shared>> -> memref<64x128xf32, #tpu.memory_space<vmem_shared>>
      tpu.wait_dma2 semaphore(%run_scoped3A_299 : memref<!tpu.dma_semaphore, #tpu.memory_space<semaphore_mem>>) src(%arg14 : memref<64x128xf32, #tpu.memory_space<vmem>>) dst(%dma_wait3A_307 : memref<64x128xf32, #tpu.memory_space<vmem_shared>>)
      tpu.yield
    }) : () -> ()
    %add3A_8 = arith.constant 192 : i32
    %add3A_9 = arith.addi %mul3A_0, %add3A_8 : i32
    "tpu.region"() ({
      %run_scoped3A_299 = tpu.sem_alloc : memref<!tpu.dma_semaphore, #tpu.memory_space<semaphore_mem>>
      %dma_start3A_300 = arith.constant 0 : i32
      %dma_start3A_301 = tpu.memref_slice %arg8[%add3A_9, %dma_start3A_300] : memref<10240x128xf32, #tpu.memory_space<vmem_shared>> -> memref<64x128xf32, #tpu.memory_space<vmem_shared>>
      %dma_start3A_302 = arith.constant 0 : i32
      %dma_start3A_303 = tpu.memref_slice %arg8[%add3A_9, %dma_start3A_302] : memref<10240x128xf32, #tpu.memory_space<vmem_shared>> -> memref<64x128xf32, #tpu.memory_space<vmem_shared>>
      tpu.enqueue_dma source(%arg14 : memref<64x128xf32, #tpu.memory_space<vmem>>) target(%dma_start3A_303 : memref<64x128xf32, #tpu.memory_space<vmem_shared>>) target_semaphore(%run_scoped3A_299 : memref<!tpu.dma_semaphore, #tpu.memory_space<semaphore_mem>>)
      %dma_wait3A_304 = arith.constant 0 : i32
      %dma_wait3A_305 = tpu.memref_slice %arg8[%add3A_9, %dma_wait3A_304] : memref<10240x128xf32, #tpu.memory_space<vmem_shared>> -> memref<64x128xf32, #tpu.memory_space<vmem_shared>>
      %dma_wait3A_306 = arith.constant 0 : i32
      %dma_wait3A_307 = tpu.memref_slice %arg8[%add3A_9, %dma_wait3A_306] : memref<10240x128xf32, #tpu.memory_space<vmem_shared>> -> memref<64x128xf32, #tpu.memory_space<vmem_shared>>
      tpu.wait_dma2 semaphore(%run_scoped3A_299 : memref<!tpu.dma_semaphore, #tpu.memory_space<semaphore_mem>>) src(%arg14 : memref<64x128xf32, #tpu.memory_space<vmem>>) dst(%dma_wait3A_307 : memref<64x128xf32, #tpu.memory_space<vmem_shared>>)
      tpu.yield
    }) : () -> ()
    %add3A_10 = arith.constant 256 : i32
    %add3A_11 = arith.addi %mul3A_0, %add3A_10 : i32
    "tpu.region"() ({
      %run_scoped3A_299 = tpu.sem_alloc : memref<!tpu.dma_semaphore, #tpu.memory_space<semaphore_mem>>
      %dma_start3A_300 = arith.constant 0 : i32
      %dma_start3A_301 = tpu.memref_slice %arg8[%add3A_11, %dma_start3A_300] : memref<10240x128xf32, #tpu.memory_space<vmem_shared>> -> memref<64x128xf32, #tpu.memory_space<vmem_shared>>
      %dma_start3A_302 = arith.constant 0 : i32
      %dma_start3A_303 = tpu.memref_slice %arg8[%add3A_11, %dma_start3A_302] : memref<10240x128xf32, #tpu.memory_space<vmem_shared>> -> memref<64x128xf32, #tpu.memory_space<vmem_shared>>
      tpu.enqueue_dma source(%arg14 : memref<64x128xf32, #tpu.memory_space<vmem>>) target(%dma_start3A_303 : memref<64x128xf32, #tpu.memory_space<vmem_shared>>) target_semaphore(%run_scoped3A_299 : memref<!tpu.dma_semaphore, #tpu.memory_space<semaphore_mem>>)
      %dma_wait3A_304 = arith.constant 0 : i32
      %dma_wait3A_305 = tpu.memref_slice %arg8[%add3A_11, %dma_wait3A_304] : memref<10240x128xf32, #tpu.memory_space<vmem_shared>> -> memref<64x128xf32, #tpu.memory_space<vmem_shared>>
      %dma_wait3A_306 = arith.constant 0 : i32
      %dma_wait3A_307 = tpu.memref_slice %arg8[%add3A_11, %dma_wait3A_306] : memref<10240x128xf32, #tpu.memory_space<vmem_shared>> -> memref<64x128xf32, #tpu.memory_space<vmem_shared>>
      tpu.wait_dma2 semaphore(%run_scoped3A_299 : memref<!tpu.dma_semaphore, #tpu.memory_space<semaphore_mem>>) src(%arg14 : memref<64x128xf32, #tpu.memory_space<vmem>>) dst(%dma_wait3A_307 : memref<64x128xf32, #tpu.memory_space<vmem_shared>>)
      tpu.yield
    }) : () -> ()
    %add3A_12 = arith.constant 320 : i32
    %add3A_13 = arith.addi %mul3A_0, %add3A_12 : i32
    "tpu.region"() ({
      %run_scoped3A_299 = tpu.sem_alloc : memref<!tpu.dma_semaphore, #tpu.memory_space<semaphore_mem>>
      %dma_start3A_300 = arith.constant 0 : i32
      %dma_start3A_301 = tpu.memref_slice %arg8[%add3A_13, %dma_start3A_300] : memref<10240x128xf32, #tpu.memory_space<vmem_shared>> -> memref<64x128xf32, #tpu.memory_space<vmem_shared>>
      %dma_start3A_302 = arith.constant 0 : i32
      %dma_start3A_303 = tpu.memref_slice %arg8[%add3A_13, %dma_start3A_302] : memref<10240x128xf32, #tpu.memory_space<vmem_shared>> -> memref<64x128xf32, #tpu.memory_space<vmem_shared>>
      tpu.enqueue_dma source(%arg14 : memref<64x128xf32, #tpu.memory_space<vmem>>) target(%dma_start3A_303 : memref<64x128xf32, #tpu.memory_space<vmem_shared>>) target_semaphore(%run_scoped3A_299 : memref<!tpu.dma_semaphore, #tpu.memory_space<semaphore_mem>>)
      %dma_wait3A_304 = arith.constant 0 : i32
      %dma_wait3A_305 = tpu.memref_slice %arg8[%add3A_13, %dma_wait3A_304] : memref<10240x128xf32, #tpu.memory_space<vmem_shared>> -> memref<64x128xf32, #tpu.memory_space<vmem_shared>>
      %dma_wait3A_306 = arith.constant 0 : i32
      %dma_wait3A_307 = tpu.memref_slice %arg8[%add3A_13, %dma_wait3A_306] : memref<10240x128xf32, #tpu.memory_space<vmem_shared>> -> memref<64x128xf32, #tpu.memory_space<vmem_shared>>
      tpu.wait_dma2 semaphore(%run_scoped3A_299 : memref<!tpu.dma_semaphore, #tpu.memory_space<semaphore_mem>>) src(%arg14 : memref<64x128xf32, #tpu.memory_space<vmem>>) dst(%dma_wait3A_307 : memref<64x128xf32, #tpu.memory_space<vmem_shared>>)
      tpu.yield
    }) : () -> ()
    %add3A_14 = arith.constant 384 : i32
    %add3A_15 = arith.addi %mul3A_0, %add3A_14 : i32
    "tpu.region"() ({
      %run_scoped3A_299 = tpu.sem_alloc : memref<!tpu.dma_semaphore, #tpu.memory_space<semaphore_mem>>
      %dma_start3A_300 = arith.constant 0 : i32
      %dma_start3A_301 = tpu.memref_slice %arg8[%add3A_15, %dma_start3A_300] : memref<10240x128xf32, #tpu.memory_space<vmem_shared>> -> memref<64x128xf32, #tpu.memory_space<vmem_shared>>
      %dma_start3A_302 = arith.constant 0 : i32
      %dma_start3A_303 = tpu.memref_slice %arg8[%add3A_15, %dma_start3A_302] : memref<10240x128xf32, #tpu.memory_space<vmem_shared>> -> memref<64x128xf32, #tpu.memory_space<vmem_shared>>
      tpu.enqueue_dma source(%arg14 : memref<64x128xf32, #tpu.memory_space<vmem>>) target(%dma_start3A_303 : memref<64x128xf32, #tpu.memory_space<vmem_shared>>) target_semaphore(%run_scoped3A_299 : memref<!tpu.dma_semaphore, #tpu.memory_space<semaphore_mem>>)
      %dma_wait3A_304 = arith.constant 0 : i32
      %dma_wait3A_305 = tpu.memref_slice %arg8[%add3A_15, %dma_wait3A_304] : memref<10240x128xf32, #tpu.memory_space<vmem_shared>> -> memref<64x128xf32, #tpu.memory_space<vmem_shared>>
      %dma_wait3A_306 = arith.constant 0 : i32
      %dma_wait3A_307 = tpu.memref_slice %arg8[%add3A_15, %dma_wait3A_306] : memref<10240x128xf32, #tpu.memory_space<vmem_shared>> -> memref<64x128xf32, #tpu.memory_space<vmem_shared>>
      tpu.wait_dma2 semaphore(%run_scoped3A_299 : memref<!tpu.dma_semaphore, #tpu.memory_space<semaphore_mem>>) src(%arg14 : memref<64x128xf32, #tpu.memory_space<vmem>>) dst(%dma_wait3A_307 : memref<64x128xf32, #tpu.memory_space<vmem_shared>>)
      tpu.yield
    }) : () -> ()
    %add3A_16 = arith.constant 448 : i32
    %add3A_17 = arith.addi %mul3A_0, %add3A_16 : i32
    "tpu.region"() ({
      %run_scoped3A_299 = tpu.sem_alloc : memref<!tpu.dma_semaphore, #tpu.memory_space<semaphore_mem>>
      %dma_start3A_300 = arith.constant 0 : i32
      %dma_start3A_301 = tpu.memref_slice %arg8[%add3A_17, %dma_start3A_300] : memref<10240x128xf32, #tpu.memory_space<vmem_shared>> -> memref<64x128xf32, #tpu.memory_space<vmem_shared>>
      %dma_start3A_302 = arith.constant 0 : i32
      %dma_start3A_303 = tpu.memref_slice %arg8[%add3A_17, %dma_start3A_302] : memref<10240x128xf32, #tpu.memory_space<vmem_shared>> -> memref<64x128xf32, #tpu.memory_space<vmem_shared>>
      tpu.enqueue_dma source(%arg14 : memref<64x128xf32, #tpu.memory_space<vmem>>) target(%dma_start3A_303 : memref<64x128xf32, #tpu.memory_space<vmem_shared>>) target_semaphore(%run_scoped3A_299 : memref<!tpu.dma_semaphore, #tpu.memory_space<semaphore_mem>>)
      %dma_wait3A_304 = arith.constant 0 : i32
      %dma_wait3A_305 = tpu.memref_slice %arg8[%add3A_17, %dma_wait3A_304] : memref<10240x128xf32, #tpu.memory_space<vmem_shared>> -> memref<64x128xf32, #tpu.memory_space<vmem_shared>>
      %dma_wait3A_306 = arith.constant 0 : i32
      %dma_wait3A_307 = tpu.memref_slice %arg8[%add3A_17, %dma_wait3A_306] : memref<10240x128xf32, #tpu.memory_space<vmem_shared>> -> memref<64x128xf32, #tpu.memory_space<vmem_shared>>
      tpu.wait_dma2 semaphore(%run_scoped3A_299 : memref<!tpu.dma_semaphore, #tpu.memory_space<semaphore_mem>>) src(%arg14 : memref<64x128xf32, #tpu.memory_space<vmem>>) dst(%dma_wait3A_307 : memref<64x128xf32, #tpu.memory_space<vmem_shared>>)
      tpu.yield
    }) : () -> ()
    %add3A_18 = arith.constant 512 : i32
    %add3A_19 = arith.addi %mul3A_0, %add3A_18 : i32
    "tpu.region"() ({
      %run_scoped3A_299 = tpu.sem_alloc : memref<!tpu.dma_semaphore, #tpu.memory_space<semaphore_mem>>
      %dma_start3A_300 = arith.constant 0 : i32
      %dma_start3A_301 = tpu.memref_slice %arg8[%add3A_19, %dma_start3A_300] : memref<10240x128xf32, #tpu.memory_space<vmem_shared>> -> memref<64x128xf32, #tpu.memory_space<vmem_shared>>
      %dma_start3A_302 = arith.constant 0 : i32
      %dma_start3A_303 = tpu.memref_slice %arg8[%add3A_19, %dma_start3A_302] : memref<10240x128xf32, #tpu.memory_space<vmem_shared>> -> memref<64x128xf32, #tpu.memory_space<vmem_shared>>
      tpu.enqueue_dma source(%arg14 : memref<64x128xf32, #tpu.memory_space<vmem>>) target(%dma_start3A_303 : memref<64x128xf32, #tpu.memory_space<vmem_shared>>) target_semaphore(%run_scoped3A_299 : memref<!tpu.dma_semaphore, #tpu.memory_space<semaphore_mem>>)
      %dma_wait3A_304 = arith.constant 0 : i32
      %dma_wait3A_305 = tpu.memref_slice %arg8[%add3A_19, %dma_wait3A_304] : memref<10240x128xf32, #tpu.memory_space<vmem_shared>> -> memref<64x128xf32, #tpu.memory_space<vmem_shared>>
      %dma_wait3A_306 = arith.constant 0 : i32
      %dma_wait3A_307 = tpu.memref_slice %arg8[%add3A_19, %dma_wait3A_306] : memref<10240x128xf32, #tpu.memory_space<vmem_shared>> -> memref<64x128xf32, #tpu.memory_space<vmem_shared>>
      tpu.wait_dma2 semaphore(%run_scoped3A_299 : memref<!tpu.dma_semaphore, #tpu.memory_space<semaphore_mem>>) src(%arg14 : memref<64x128xf32, #tpu.memory_space<vmem>>) dst(%dma_wait3A_307 : memref<64x128xf32, #tpu.memory_space<vmem_shared>>)
      tpu.yield
    }) : () -> ()
    %add3A_20 = arith.constant 576 : i32
    %add3A_21 = arith.addi %mul3A_0, %add3A_20 : i32
    "tpu.region"() ({
      %run_scoped3A_299 = tpu.sem_alloc : memref<!tpu.dma_semaphore, #tpu.memory_space<semaphore_mem>>
      %dma_start3A_300 = arith.constant 0 : i32
      %dma_start3A_301 = tpu.memref_slice %arg8[%add3A_21, %dma_start3A_300] : memref<10240x128xf32, #tpu.memory_space<vmem_shared>> -> memref<64x128xf32, #tpu.memory_space<vmem_shared>>
      %dma_start3A_302 = arith.constant 0 : i32
      %dma_start3A_303 = tpu.memref_slice %arg8[%add3A_21, %dma_start3A_302] : memref<10240x128xf32, #tpu.memory_space<vmem_shared>> -> memref<64x128xf32, #tpu.memory_space<vmem_shared>>
      tpu.enqueue_dma source(%arg14 : memref<64x128xf32, #tpu.memory_space<vmem>>) target(%dma_start3A_303 : memref<64x128xf32, #tpu.memory_space<vmem_shared>>) target_semaphore(%run_scoped3A_299 : memref<!tpu.dma_semaphore, #tpu.memory_space<semaphore_mem>>)
      %dma_wait3A_304 = arith.constant 0 : i32
      %dma_wait3A_305 = tpu.memref_slice %arg8[%add3A_21, %dma_wait3A_304] : memref<10240x128xf32, #tpu.memory_space<vmem_shared>> -> memref<64x128xf32, #tpu.memory_space<vmem_shared>>
      %dma_wait3A_306 = arith.constant 0 : i32
      %dma_wait3A_307 = tpu.memref_slice %arg8[%add3A_21, %dma_wait3A_306] : memref<10240x128xf32, #tpu.memory_space<vmem_shared>> -> memref<64x128xf32, #tpu.memory_space<vmem_shared>>
      tpu.wait_dma2 semaphore(%run_scoped3A_299 : memref<!tpu.dma_semaphore, #tpu.memory_space<semaphore_mem>>) src(%arg14 : memref<64x128xf32, #tpu.memory_space<vmem>>) dst(%dma_wait3A_307 : memref<64x128xf32, #tpu.memory_space<vmem_shared>>)
      tpu.yield
    }) : () -> ()
    "tpu.region"() ({
      %run_scoped3A_299 = tpu.sem_alloc : memref<!tpu.dma_semaphore, #tpu.memory_space<semaphore_mem>>
      %dma_start3A_300 = arith.constant 0 : i32
      %dma_start3A_301 = tpu.memref_slice %arg9[%mul3A_2, %dma_start3A_300] : memref<1280x128xf32, #tpu.memory_space<vmem_shared>> -> memref<64x128xf32, #tpu.memory_space<vmem_shared>>
      %dma_start3A_302 = arith.constant 0 : i32
      %dma_start3A_303 = tpu.memref_slice %arg9[%mul3A_2, %dma_start3A_302] : memref<1280x128xf32, #tpu.memory_space<vmem_shared>> -> memref<64x128xf32, #tpu.memory_space<vmem_shared>>
      tpu.enqueue_dma source(%arg14 : memref<64x128xf32, #tpu.memory_space<vmem>>) target(%dma_start3A_303 : memref<64x128xf32, #tpu.memory_space<vmem_shared>>) target_semaphore(%run_scoped3A_299 : memref<!tpu.dma_semaphore, #tpu.memory_space<semaphore_mem>>)
      %dma_wait3A_304 = arith.constant 0 : i32
      %dma_wait3A_305 = tpu.memref_slice %arg9[%mul3A_2, %dma_wait3A_304] : memref<1280x128xf32, #tpu.memory_space<vmem_shared>> -> memref<64x128xf32, #tpu.memory_space<vmem_shared>>
      %dma_wait3A_306 = arith.constant 0 : i32
      %dma_wait3A_307 = tpu.memref_slice %arg9[%mul3A_2, %dma_wait3A_306] : memref<1280x128xf32, #tpu.memory_space<vmem_shared>> -> memref<64x128xf32, #tpu.memory_space<vmem_shared>>
      tpu.wait_dma2 semaphore(%run_scoped3A_299 : memref<!tpu.dma_semaphore, #tpu.memory_space<semaphore_mem>>) src(%arg14 : memref<64x128xf32, #tpu.memory_space<vmem>>) dst(%dma_wait3A_307 : memref<64x128xf32, #tpu.memory_space<vmem_shared>>)
      tpu.yield
    }) : () -> ()
    %add3A_22 = arith.constant 64 : i32
    %add3A_23 = arith.addi %mul3A_2, %add3A_22 : i32
    "tpu.region"() ({
      %run_scoped3A_299 = tpu.sem_alloc : memref<!tpu.dma_semaphore, #tpu.memory_space<semaphore_mem>>
      %dma_start3A_300 = arith.constant 0 : i32
      %dma_start3A_301 = arith.constant 0 : i32
      %dma_start3A_302 = tpu.memref_slice %arg14[%dma_start3A_300, %dma_start3A_301] : memref<64x128xf32, #tpu.memory_space<vmem>> -> memref<16x128xf32, #tpu.memory_space<vmem>>
      %dma_start3A_303 = arith.constant 0 : i32
      %dma_start3A_304 = tpu.memref_slice %arg9[%add3A_23, %dma_start3A_303] : memref<1280x128xf32, #tpu.memory_space<vmem_shared>> -> memref<16x128xf32, #tpu.memory_space<vmem_shared>>
      %dma_start3A_305 = arith.constant 0 : i32
      %dma_start3A_306 = tpu.memref_slice %arg9[%add3A_23, %dma_start3A_305] : memref<1280x128xf32, #tpu.memory_space<vmem_shared>> -> memref<16x128xf32, #tpu.memory_space<vmem_shared>>
      %dma_start3A_307 = arith.constant 0 : i32
      %dma_start3A_308 = arith.constant 0 : i32
      %dma_start3A_309 = tpu.memref_slice %arg14[%dma_start3A_307, %dma_start3A_308] : memref<64x128xf32, #tpu.memory_space<vmem>> -> memref<16x128xf32, #tpu.memory_space<vmem>>
      tpu.enqueue_dma source(%dma_start3A_309 : memref<16x128xf32, #tpu.memory_space<vmem>>) target(%dma_start3A_306 : memref<16x128xf32, #tpu.memory_space<vmem_shared>>) target_semaphore(%run_scoped3A_299 : memref<!tpu.dma_semaphore, #tpu.memory_space<semaphore_mem>>)
      %dma_wait3A_310 = arith.constant 0 : i32
      %dma_wait3A_311 = arith.constant 0 : i32
      %dma_wait3A_312 = tpu.memref_slice %arg14[%dma_wait3A_310, %dma_wait3A_311] : memref<64x128xf32, #tpu.memory_space<vmem>> -> memref<16x128xf32, #tpu.memory_space<vmem>>
      %dma_wait3A_313 = arith.constant 0 : i32
      %dma_wait3A_314 = tpu.memref_slice %arg9[%add3A_23, %dma_wait3A_313] : memref<1280x128xf32, #tpu.memory_space<vmem_shared>> -> memref<16x128xf32, #tpu.memory_space<vmem_shared>>
      %dma_wait3A_315 = arith.constant 0 : i32
      %dma_wait3A_316 = tpu.memref_slice %arg9[%add3A_23, %dma_wait3A_315] : memref<1280x128xf32, #tpu.memory_space<vmem_shared>> -> memref<16x128xf32, #tpu.memory_space<vmem_shared>>
      %dma_wait3A_317 = arith.constant 0 : i32
      %dma_wait3A_318 = arith.constant 0 : i32
      %dma_wait3A_319 = tpu.memref_slice %arg14[%dma_wait3A_317, %dma_wait3A_318] : memref<64x128xf32, #tpu.memory_space<vmem>> -> memref<16x128xf32, #tpu.memory_space<vmem>>
      tpu.wait_dma2 semaphore(%run_scoped3A_299 : memref<!tpu.dma_semaphore, #tpu.memory_space<semaphore_mem>>) src(%dma_wait3A_319 : memref<16x128xf32, #tpu.memory_space<vmem>>) dst(%dma_wait3A_316 : memref<16x128xf32, #tpu.memory_space<vmem_shared>>)
      tpu.yield
    }) : () -> ()
    %mul3A_24 = arith.constant 16 : i32
    %mul3A_25 = arith.muli %arg0, %mul3A_24 : i32
    %add3A_26 = arith.addi %mul3A_25, %arg1 : i32
    %mul3A_27 = arith.constant 5120 : i32
    %mul3A_28 = arith.muli %add3A_26, %mul3A_27 : i32
    %barrier3A = arith.constant 0 : index
    tpu.barrier barrier_id(%barrier3A)
    %add3A_29 = arith.constant 0 : i32
    %add3A_30 = arith.addi %mul3A_28, %add3A_29 : i32
    %dma_start3A = arith.constant 0 : i32
    %dma_start3A_31 = tpu.memref_slice %arg2[%add3A_30, %dma_start3A] : memref<163840x128xf32, #tpu.memory_space<hbm>> -> memref<64x128xf32, #tpu.memory_space<hbm>>
    %dma_start3A_32 = arith.constant 0 : i32
    %dma_start3A_33 = tpu.memref_slice %arg2[%add3A_30, %dma_start3A_32] : memref<163840x128xf32, #tpu.memory_space<hbm>> -> memref<64x128xf32, #tpu.memory_space<hbm>>
    tpu.enqueue_dma source(%dma_start3A_33 : memref<64x128xf32, #tpu.memory_space<hbm>>) target(%arg14 : memref<64x128xf32, #tpu.memory_space<vmem>>) target_semaphore(%arg18 : memref<!tpu.dma_semaphore, #tpu.memory_space<semaphore_mem>>)
    %dma_start3A_34 = arith.constant 0 : i32
    %dma_start3A_35 = tpu.memref_slice %arg3[%add3A_30, %dma_start3A_34] : memref<163840x128xf32, #tpu.memory_space<hbm>> -> memref<64x128xf32, #tpu.memory_space<hbm>>
    %dma_start3A_36 = arith.constant 0 : i32
    %dma_start3A_37 = tpu.memref_slice %arg3[%add3A_30, %dma_start3A_36] : memref<163840x128xf32, #tpu.memory_space<hbm>> -> memref<64x128xf32, #tpu.memory_space<hbm>>
    tpu.enqueue_dma source(%dma_start3A_37 : memref<64x128xf32, #tpu.memory_space<hbm>>) target(%arg15 : memref<64x128xf32, #tpu.memory_space<vmem>>) target_semaphore(%arg18 : memref<!tpu.dma_semaphore, #tpu.memory_space<semaphore_mem>>)
    %mul3A_38 = arith.constant 80 : i32
    %mul3A_39 = arith.muli %add3A_26, %mul3A_38 : i32
    %add3A_40 = arith.constant 0 : i32
    %add3A_41 = arith.addi %mul3A_39, %add3A_40 : i32
    %dma_start3A_42 = arith.constant 0 : i32
    %dma_start3A_43 = tpu.memref_slice %arg4[%add3A_41, %dma_start3A_42] : memref<2560x64xi32, #tpu.memory_space<hbm>> -> memref<1x64xi32, #tpu.memory_space<hbm>>
    %dma_start3A_44 = arith.constant 0 : i32
    %dma_start3A_45 = tpu.memref_slice %arg4[%add3A_41, %dma_start3A_44] : memref<2560x64xi32, #tpu.memory_space<hbm>> -> memref<1x64xi32, #tpu.memory_space<hbm>>
    tpu.enqueue_dma source(%dma_start3A_45 : memref<1x64xi32, #tpu.memory_space<hbm>>) target(%arg10 : memref<1x64xi32, #tpu.memory_space<vmem>>) target_semaphore(%arg18 : memref<!tpu.dma_semaphore, #tpu.memory_space<semaphore_mem>>)
    %add3A_46 = arith.constant 64 : i32
    %add3A_47 = arith.addi %mul3A_28, %add3A_46 : i32
    %dma_start3A_48 = arith.constant 0 : i32
    %dma_start3A_49 = tpu.memref_slice %arg2[%add3A_47, %dma_start3A_48] : memref<163840x128xf32, #tpu.memory_space<hbm>> -> memref<64x128xf32, #tpu.memory_space<hbm>>
    %dma_start3A_50 = arith.constant 0 : i32
    %dma_start3A_51 = tpu.memref_slice %arg2[%add3A_47, %dma_start3A_50] : memref<163840x128xf32, #tpu.memory_space<hbm>> -> memref<64x128xf32, #tpu.memory_space<hbm>>
    tpu.enqueue_dma source(%dma_start3A_51 : memref<64x128xf32, #tpu.memory_space<hbm>>) target(%arg16 : memref<64x128xf32, #tpu.memory_space<vmem>>) target_semaphore(%arg19 : memref<!tpu.dma_semaphore, #tpu.memory_space<semaphore_mem>>)
    %dma_start3A_52 = arith.constant 0 : i32
    %dma_start3A_53 = tpu.memref_slice %arg3[%add3A_47, %dma_start3A_52] : memref<163840x128xf32, #tpu.memory_space<hbm>> -> memref<64x128xf32, #tpu.memory_space<hbm>>
    %dma_start3A_54 = arith.constant 0 : i32
    %dma_start3A_55 = tpu.memref_slice %arg3[%add3A_47, %dma_start3A_54] : memref<163840x128xf32, #tpu.memory_space<hbm>> -> memref<64x128xf32, #tpu.memory_space<hbm>>
    tpu.enqueue_dma source(%dma_start3A_55 : memref<64x128xf32, #tpu.memory_space<hbm>>) target(%arg17 : memref<64x128xf32, #tpu.memory_space<vmem>>) target_semaphore(%arg19 : memref<!tpu.dma_semaphore, #tpu.memory_space<semaphore_mem>>)
    %mul3A_56 = arith.constant 80 : i32
    %mul3A_57 = arith.muli %add3A_26, %mul3A_56 : i32
    %add3A_58 = arith.constant 1 : i32
    %add3A_59 = arith.addi %mul3A_57, %add3A_58 : i32
    %dma_start3A_60 = arith.constant 0 : i32
    %dma_start3A_61 = tpu.memref_slice %arg4[%add3A_59, %dma_start3A_60] : memref<2560x64xi32, #tpu.memory_space<hbm>> -> memref<1x64xi32, #tpu.memory_space<hbm>>
    %dma_start3A_62 = arith.constant 0 : i32
    %dma_start3A_63 = tpu.memref_slice %arg4[%add3A_59, %dma_start3A_62] : memref<2560x64xi32, #tpu.memory_space<hbm>> -> memref<1x64xi32, #tpu.memory_space<hbm>>
    tpu.enqueue_dma source(%dma_start3A_63 : memref<1x64xi32, #tpu.memory_space<hbm>>) target(%arg11 : memref<1x64xi32, #tpu.memory_space<vmem>>) target_semaphore(%arg19 : memref<!tpu.dma_semaphore, #tpu.memory_space<semaphore_mem>>)
    %scan3A = arith.constant 0 : i32
    %scan3A_64 = arith.constant 0 : i32
    %scan3A_65 = arith.constant 39 : i32
    %scan3A_66 = arith.addi %scan3A_64, %scan3A_65 : i32
    %scan3A_67 = arith.constant 1 : i32
    scf.for %scan3A_299 = %scan3A_64 to %scan3A_66 step %scan3A_67  : i32 {
      %mul3A_300 = arith.constant 2 : i32
      %mul3A_301 = arith.muli %mul3A_300, %scan3A_299 : i32
      %dma_wait3A_302 = arith.constant 0 : i32
      %dma_wait3A_303 = arith.constant 0 : i32
      %dma_wait3A_304 = tpu.memref_slice %arg2[%dma_wait3A_302, %dma_wait3A_303] : memref<163840x128xf32, #tpu.memory_space<hbm>> -> memref<64x128xf32, #tpu.memory_space<hbm>>
      %dma_wait3A_305 = arith.constant 0 : i32
      %dma_wait3A_306 = arith.constant 0 : i32
      %dma_wait3A_307 = tpu.memref_slice %arg2[%dma_wait3A_305, %dma_wait3A_306] : memref<163840x128xf32, #tpu.memory_space<hbm>> -> memref<64x128xf32, #tpu.memory_space<hbm>>
      tpu.wait_dma2 semaphore(%arg18 : memref<!tpu.dma_semaphore, #tpu.memory_space<semaphore_mem>>) src(%dma_wait3A_307 : memref<64x128xf32, #tpu.memory_space<hbm>>) dst(%arg14 : memref<64x128xf32, #tpu.memory_space<vmem>>)
      %dma_wait3A_308 = arith.constant 0 : i32
      %dma_wait3A_309 = arith.constant 0 : i32
      %dma_wait3A_310 = tpu.memref_slice %arg2[%dma_wait3A_308, %dma_wait3A_309] : memref<163840x128xf32, #tpu.memory_space<hbm>> -> memref<64x128xf32, #tpu.memory_space<hbm>>
      %dma_wait3A_311 = arith.constant 0 : i32
      %dma_wait3A_312 = arith.constant 0 : i32
      %dma_wait3A_313 = tpu.memref_slice %arg2[%dma_wait3A_311, %dma_wait3A_312] : memref<163840x128xf32, #tpu.memory_space<hbm>> -> memref<64x128xf32, #tpu.memory_space<hbm>>
      tpu.wait_dma2 semaphore(%arg18 : memref<!tpu.dma_semaphore, #tpu.memory_space<semaphore_mem>>) src(%dma_wait3A_313 : memref<64x128xf32, #tpu.memory_space<hbm>>) dst(%arg15 : memref<64x128xf32, #tpu.memory_space<vmem>>)
      %dma_wait3A_314 = arith.constant 0 : i32
      %dma_wait3A_315 = arith.constant 0 : i32
      %dma_wait3A_316 = tpu.memref_slice %arg4[%dma_wait3A_314, %dma_wait3A_315] : memref<2560x64xi32, #tpu.memory_space<hbm>> -> memref<1x64xi32, #tpu.memory_space<hbm>>
      %dma_wait3A_317 = arith.constant 0 : i32
      %dma_wait3A_318 = arith.constant 0 : i32
      %dma_wait3A_319 = tpu.memref_slice %arg4[%dma_wait3A_317, %dma_wait3A_318] : memref<2560x64xi32, #tpu.memory_space<hbm>> -> memref<1x64xi32, #tpu.memory_space<hbm>>
      tpu.wait_dma2 semaphore(%arg18 : memref<!tpu.dma_semaphore, #tpu.memory_space<semaphore_mem>>) src(%dma_wait3A_319 : memref<1x64xi32, #tpu.memory_space<hbm>>) dst(%arg10 : memref<1x64xi32, #tpu.memory_space<vmem>>)
      %get3A_320 = arith.constant 0 : i32
      %get3A_321 = arith.constant 0 : i32
      %get3A_322 = tpu.memref_slice %arg10[%get3A_320, %get3A_321] : memref<1x64xi32, #tpu.memory_space<vmem>> -> memref<1x64xi32, #tpu.memory_space<vmem>>
      %get3A_323 = tpu.memref_squeeze %get3A_322 : memref<1x64xi32, #tpu.memory_space<vmem>> -> memref<64xi32, #tpu.memory_space<vmem>>
      %get3A_324 = arith.constant 0 : index
      %get3A_325 = tpu.vector_load %get3A_323[%get3A_324] {strides = array<i32>} : memref<64xi32, #tpu.memory_space<vmem>>, vector<16xi32>,
      %get3A_326 = vector.shape_cast %get3A_325 : vector<16xi32> to vector<16xi32>
      %shift_right_arithmetic3A_327 = arith.constant 3 : i32
      %shift_right_arithmetic3A_328 = vector.broadcast %shift_right_arithmetic3A_327 : i32 to vector<16xi32>
      %shift_right_arithmetic3A_329 = arith.shrsi %get3A_326, %shift_right_arithmetic3A_328 : vector<16xi32>
      %swap3A_330 = arith.constant 0 : i32
      %swap3A_331 = arith.constant 0 : i32
      %swap3A_332 = tpu.memref_slice %arg12[%swap3A_330, %swap3A_331] : memref<1x64xi32, #tpu.memory_space<vmem>> -> memref<1x64xi32, #tpu.memory_space<vmem>>
      %swap3A_333 = tpu.memref_squeeze %swap3A_332 : memref<1x64xi32, #tpu.memory_space<vmem>> -> memref<64xi32, #tpu.memory_space<vmem>>
      %swap3A_334 = arith.constant 0 : index
      %swap3A_335 = tpu.vector_load %swap3A_333[%swap3A_334] {strides = array<i32>} : memref<64xi32, #tpu.memory_space<vmem>>, vector<16xi32>,
      %swap3A_336 = vector.shape_cast %swap3A_335 : vector<16xi32> to vector<16xi32>
      %swap3A_337 = vector.shape_cast %shift_right_arithmetic3A_329 : vector<16xi32> to vector<16xi32>
      tpu.vector_store %swap3A_333[%swap3A_334], %swap3A_337 {strides = array<i32>} : memref<64xi32, #tpu.memory_space<vmem>>, vector<16xi32>,
      %get3A_338 = arith.constant 0 : i32
      %get3A_339 = arith.constant 0 : i32
      %get3A_340 = tpu.memref_slice %arg10[%get3A_338, %get3A_339] : memref<1x64xi32, #tpu.memory_space<vmem>> -> memref<1x64xi32, #tpu.memory_space<vmem>>
      %get3A_341 = tpu.memref_squeeze %get3A_340 : memref<1x64xi32, #tpu.memory_space<vmem>> -> memref<64xi32, #tpu.memory_space<vmem>>
      %get3A_342 = arith.constant 16 : index
      %get3A_343 = tpu.vector_load %get3A_341[%get3A_342] {strides = array<i32>} : memref<64xi32, #tpu.memory_space<vmem>>, vector<16xi32>,
      %get3A_344 = vector.shape_cast %get3A_343 : vector<16xi32> to vector<16xi32>
      %shift_right_arithmetic3A_345 = arith.constant 3 : i32
      %shift_right_arithmetic3A_346 = vector.broadcast %shift_right_arithmetic3A_345 : i32 to vector<16xi32>
      %shift_right_arithmetic3A_347 = arith.shrsi %get3A_344, %shift_right_arithmetic3A_346 : vector<16xi32>
      %swap3A_348 = arith.constant 0 : i32
      %swap3A_349 = arith.constant 0 : i32
      %swap3A_350 = tpu.memref_slice %arg12[%swap3A_348, %swap3A_349] : memref<1x64xi32, #tpu.memory_space<vmem>> -> memref<1x64xi32, #tpu.memory_space<vmem>>
      %swap3A_351 = tpu.memref_squeeze %swap3A_350 : memref<1x64xi32, #tpu.memory_space<vmem>> -> memref<64xi32, #tpu.memory_space<vmem>>
      %swap3A_352 = arith.constant 16 : index
      %swap3A_353 = tpu.vector_load %swap3A_351[%swap3A_352] {strides = array<i32>} : memref<64xi32, #tpu.memory_space<vmem>>, vector<16xi32>,
      %swap3A_354 = vector.shape_cast %swap3A_353 : vector<16xi32> to vector<16xi32>
      %swap3A_355 = vector.shape_cast %shift_right_arithmetic3A_347 : vector<16xi32> to vector<16xi32>
      tpu.vector_store %swap3A_351[%swap3A_352], %swap3A_355 {strides = array<i32>} : memref<64xi32, #tpu.memory_space<vmem>>, vector<16xi32>,
      %get3A_356 = arith.constant 0 : i32
      %get3A_357 = arith.constant 0 : i32
      %get3A_358 = tpu.memref_slice %arg10[%get3A_356, %get3A_357] : memref<1x64xi32, #tpu.memory_space<vmem>> -> memref<1x64xi32, #tpu.memory_space<vmem>>
      %get3A_359 = tpu.memref_squeeze %get3A_358 : memref<1x64xi32, #tpu.memory_space<vmem>> -> memref<64xi32, #tpu.memory_space<vmem>>
      %get3A_360 = arith.constant 32 : index
      %get3A_361 = tpu.vector_load %get3A_359[%get3A_360] {strides = array<i32>} : memref<64xi32, #tpu.memory_space<vmem>>, vector<16xi32>,
      %get3A_362 = vector.shape_cast %get3A_361 : vector<16xi32> to vector<16xi32>
      %shift_right_arithmetic3A_363 = arith.constant 3 : i32
      %shift_right_arithmetic3A_364 = vector.broadcast %shift_right_arithmetic3A_363 : i32 to vector<16xi32>
      %shift_right_arithmetic3A_365 = arith.shrsi %get3A_362, %shift_right_arithmetic3A_364 : vector<16xi32>
      %swap3A_366 = arith.constant 0 : i32
      %swap3A_367 = arith.constant 0 : i32
      %swap3A_368 = tpu.memref_slice %arg12[%swap3A_366, %swap3A_367] : memref<1x64xi32, #tpu.memory_space<vmem>> -> memref<1x64xi32, #tpu.memory_space<vmem>>
      %swap3A_369 = tpu.memref_squeeze %swap3A_368 : memref<1x64xi32, #tpu.memory_space<vmem>> -> memref<64xi32, #tpu.memory_space<vmem>>
      %swap3A_370 = arith.constant 32 : index
      %swap3A_371 = tpu.vector_load %swap3A_369[%swap3A_370] {strides = array<i32>} : memref<64xi32, #tpu.memory_space<vmem>>, vector<16xi32>,
      %swap3A_372 = vector.shape_cast %swap3A_371 : vector<16xi32> to vector<16xi32>
      %swap3A_373 = vector.shape_cast %shift_right_arithmetic3A_365 : vector<16xi32> to vector<16xi32>
      tpu.vector_store %swap3A_369[%swap3A_370], %swap3A_373 {strides = array<i32>} : memref<64xi32, #tpu.memory_space<vmem>>, vector<16xi32>,
      %get3A_374 = arith.constant 0 : i32
      %get3A_375 = arith.constant 0 : i32
      %get3A_376 = tpu.memref_slice %arg10[%get3A_374, %get3A_375] : memref<1x64xi32, #tpu.memory_space<vmem>> -> memref<1x64xi32, #tpu.memory_space<vmem>>
      %get3A_377 = tpu.memref_squeeze %get3A_376 : memref<1x64xi32, #tpu.memory_space<vmem>> -> memref<64xi32, #tpu.memory_space<vmem>>
      %get3A_378 = arith.constant 48 : index
      %get3A_379 = tpu.vector_load %get3A_377[%get3A_378] {strides = array<i32>} : memref<64xi32, #tpu.memory_space<vmem>>, vector<16xi32>,
      %get3A_380 = vector.shape_cast %get3A_379 : vector<16xi32> to vector<16xi32>
      %shift_right_arithmetic3A_381 = arith.constant 3 : i32
      %shift_right_arithmetic3A_382 = vector.broadcast %shift_right_arithmetic3A_381 : i32 to vector<16xi32>
      %shift_right_arithmetic3A_383 = arith.shrsi %get3A_380, %shift_right_arithmetic3A_382 : vector<16xi32>
      %swap3A_384 = arith.constant 0 : i32
      %swap3A_385 = arith.constant 0 : i32
      %swap3A_386 = tpu.memref_slice %arg12[%swap3A_384, %swap3A_385] : memref<1x64xi32, #tpu.memory_space<vmem>> -> memref<1x64xi32, #tpu.memory_space<vmem>>
      %swap3A_387 = tpu.memref_squeeze %swap3A_386 : memref<1x64xi32, #tpu.memory_space<vmem>> -> memref<64xi32, #tpu.memory_space<vmem>>
      %swap3A_388 = arith.constant 48 : index
      %swap3A_389 = tpu.vector_load %swap3A_387[%swap3A_388] {strides = array<i32>} : memref<64xi32, #tpu.memory_space<vmem>>, vector<16xi32>,
      %swap3A_390 = vector.shape_cast %swap3A_389 : vector<16xi32> to vector<16xi32>
      %swap3A_391 = vector.shape_cast %shift_right_arithmetic3A_383 : vector<16xi32> to vector<16xi32>
      tpu.vector_store %swap3A_387[%swap3A_388], %swap3A_391 {strides = array<i32>} : memref<64xi32, #tpu.memory_space<vmem>>, vector<16xi32>,
      %run_scoped3A_392 = arith.constant 0 : i32
      "tpu.region"() ({
        %run_scoped3A_528 = tpu.sem_alloc : memref<!tpu.dma_semaphore, #tpu.memory_space<semaphore_mem>>
        %dma_start3A_529 = arith.constant 0 : i32
        %dma_start3A_530 = tpu.memref_slice %arg10[%run_scoped3A_392, %dma_start3A_529] : memref<1x64xi32, #tpu.memory_space<vmem>> -> memref<1x64xi32, #tpu.memory_space<vmem>>
        %dma_start3A_531 = tpu.memref_squeeze %dma_start3A_530 : memref<1x64xi32, #tpu.memory_space<vmem>> -> memref<64xi32, #tpu.memory_space<vmem>>
        %dma_start3A_532 = arith.constant 0 : i32
        %dma_start3A_533 = arith.constant 0 : i32
        %dma_start3A_534 = tpu.memref_slice %arg8[%dma_start3A_532, %dma_start3A_533] : memref<10240x128xf32, #tpu.memory_space<vmem_shared>> -> memref<10240x128xf32, #tpu.memory_space<vmem_shared>>
        tpu.enqueue_indirect_dma source(%arg14 : memref<64x128xf32, #tpu.memory_space<vmem>>) target(%dma_start3A_534 : memref<10240x128xf32, #tpu.memory_space<vmem_shared>>) offsets(%dma_start3A_531 : memref<64xi32, #tpu.memory_space<vmem>>) semaphore(%run_scoped3A_528 : memref<!tpu.dma_semaphore, #tpu.memory_space<semaphore_mem>>) {add = true}
        %dma_wait3A_535 = arith.constant 0 : i32
        %dma_wait3A_536 = tpu.memref_slice %arg10[%run_scoped3A_392, %dma_wait3A_535] : memref<1x64xi32, #tpu.memory_space<vmem>> -> memref<1x64xi32, #tpu.memory_space<vmem>>
        %dma_wait3A_537 = tpu.memref_squeeze %dma_wait3A_536 : memref<1x64xi32, #tpu.memory_space<vmem>> -> memref<64xi32, #tpu.memory_space<vmem>>
        %dma_wait3A_538 = arith.constant 0 : i32
        %dma_wait3A_539 = arith.constant 0 : i32
        %dma_wait3A_540 = tpu.memref_slice %arg8[%dma_wait3A_538, %dma_wait3A_539] : memref<10240x128xf32, #tpu.memory_space<vmem_shared>> -> memref<10240x128xf32, #tpu.memory_space<vmem_shared>>
        tpu.wait_indirect_dma semaphore(%run_scoped3A_528 : memref<!tpu.dma_semaphore, #tpu.memory_space<semaphore_mem>>) src(%arg14 : memref<64x128xf32, #tpu.memory_space<vmem>>) dst(%dma_wait3A_540 : memref<10240x128xf32, #tpu.memory_space<vmem_shared>>)
        tpu.yield
      }) : () -> ()
      %run_scoped3A_393 = arith.constant 0 : i32
      "tpu.region"() ({
        %run_scoped3A_528 = tpu.sem_alloc : memref<!tpu.dma_semaphore, #tpu.memory_space<semaphore_mem>>
        %dma_start3A_529 = arith.constant 0 : i32
        %dma_start3A_530 = tpu.memref_slice %arg12[%run_scoped3A_393, %dma_start3A_529] : memref<1x64xi32, #tpu.memory_space<vmem>> -> memref<1x64xi32, #tpu.memory_space<vmem>>
        %dma_start3A_531 = tpu.memref_squeeze %dma_start3A_530 : memref<1x64xi32, #tpu.memory_space<vmem>> -> memref<64xi32, #tpu.memory_space<vmem>>
        %dma_start3A_532 = arith.constant 0 : i32
        %dma_start3A_533 = arith.constant 0 : i32
        %dma_start3A_534 = tpu.memref_slice %arg9[%dma_start3A_532, %dma_start3A_533] : memref<1280x128xf32, #tpu.memory_space<vmem_shared>> -> memref<1280x128xf32, #tpu.memory_space<vmem_shared>>
        tpu.enqueue_indirect_dma source(%arg15 : memref<64x128xf32, #tpu.memory_space<vmem>>) target(%dma_start3A_534 : memref<1280x128xf32, #tpu.memory_space<vmem_shared>>) offsets(%dma_start3A_531 : memref<64xi32, #tpu.memory_space<vmem>>) semaphore(%run_scoped3A_528 : memref<!tpu.dma_semaphore, #tpu.memory_space<semaphore_mem>>) {add = true}
        %dma_wait3A_535 = arith.constant 0 : i32
        %dma_wait3A_536 = tpu.memref_slice %arg12[%run_scoped3A_393, %dma_wait3A_535] : memref<1x64xi32, #tpu.memory_space<vmem>> -> memref<1x64xi32, #tpu.memory_space<vmem>>
        %dma_wait3A_537 = tpu.memref_squeeze %dma_wait3A_536 : memref<1x64xi32, #tpu.memory_space<vmem>> -> memref<64xi32, #tpu.memory_space<vmem>>
        %dma_wait3A_538 = arith.constant 0 : i32
        %dma_wait3A_539 = arith.constant 0 : i32
        %dma_wait3A_540 = tpu.memref_slice %arg9[%dma_wait3A_538, %dma_wait3A_539] : memref<1280x128xf32, #tpu.memory_space<vmem_shared>> -> memref<1280x128xf32, #tpu.memory_space<vmem_shared>>
        tpu.wait_indirect_dma semaphore(%run_scoped3A_528 : memref<!tpu.dma_semaphore, #tpu.memory_space<semaphore_mem>>) src(%arg15 : memref<64x128xf32, #tpu.memory_space<vmem>>) dst(%dma_wait3A_540 : memref<1280x128xf32, #tpu.memory_space<vmem_shared>>)
        tpu.yield
      }) : () -> ()
      %add3A_394 = arith.constant 2 : i32
      %add3A_395 = arith.addi %mul3A_301, %add3A_394 : i32
      %mul3A_396 = arith.constant 64 : i32
      %mul3A_397 = arith.muli %add3A_395, %mul3A_396 : i32
      %add3A_398 = arith.addi %mul3A_28, %mul3A_397 : i32
      %dma_start3A_399 = arith.constant 0 : i32
      %dma_start3A_400 = tpu.memref_slice %arg2[%add3A_398, %dma_start3A_399] : memref<163840x128xf32, #tpu.memory_space<hbm>> -> memref<64x128xf32, #tpu.memory_space<hbm>>
      %dma_start3A_401 = arith.constant 0 : i32
      %dma_start3A_402 = tpu.memref_slice %arg2[%add3A_398, %dma_start3A_401] : memref<163840x128xf32, #tpu.memory_space<hbm>> -> memref<64x128xf32, #tpu.memory_space<hbm>>
      tpu.enqueue_dma source(%dma_start3A_402 : memref<64x128xf32, #tpu.memory_space<hbm>>) target(%arg14 : memref<64x128xf32, #tpu.memory_space<vmem>>) target_semaphore(%arg18 : memref<!tpu.dma_semaphore, #tpu.memory_space<semaphore_mem>>)
      %dma_start3A_403 = arith.constant 0 : i32
      %dma_start3A_404 = tpu.memref_slice %arg3[%add3A_398, %dma_start3A_403] : memref<163840x128xf32, #tpu.memory_space<hbm>> -> memref<64x128xf32, #tpu.memory_space<hbm>>
      %dma_start3A_405 = arith.constant 0 : i32
      %dma_start3A_406 = tpu.memref_slice %arg3[%add3A_398, %dma_start3A_405] : memref<163840x128xf32, #tpu.memory_space<hbm>> -> memref<64x128xf32, #tpu.memory_space<hbm>>
      tpu.enqueue_dma source(%dma_start3A_406 : memref<64x128xf32, #tpu.memory_space<hbm>>) target(%arg15 : memref<64x128xf32, #tpu.memory_space<vmem>>) target_semaphore(%arg18 : memref<!tpu.dma_semaphore, #tpu.memory_space<semaphore_mem>>)
      %mul3A_407 = arith.constant 80 : i32
      %mul3A_408 = arith.muli %add3A_26, %mul3A_407 : i32
      %add3A_409 = arith.addi %mul3A_408, %add3A_395 : i32
      %dma_start3A_410 = arith.constant 0 : i32
      %dma_start3A_411 = tpu.memref_slice %arg4[%add3A_409, %dma_start3A_410] : memref<2560x64xi32, #tpu.memory_space<hbm>> -> memref<1x64xi32, #tpu.memory_space<hbm>>
      %dma_start3A_412 = arith.constant 0 : i32
      %dma_start3A_413 = tpu.memref_slice %arg4[%add3A_409, %dma_start3A_412] : memref<2560x64xi32, #tpu.memory_space<hbm>> -> memref<1x64xi32, #tpu.memory_space<hbm>>
      tpu.enqueue_dma source(%dma_start3A_413 : memref<1x64xi32, #tpu.memory_space<hbm>>) target(%arg10 : memref<1x64xi32, #tpu.memory_space<vmem>>) target_semaphore(%arg18 : memref<!tpu.dma_semaphore, #tpu.memory_space<semaphore_mem>>)
      %add3A_414 = arith.constant 1 : i32
      %add3A_415 = arith.addi %mul3A_301, %add3A_414 : i32
      %dma_wait3A_416 = arith.constant 0 : i32
      %dma_wait3A_417 = arith.constant 0 : i32
      %dma_wait3A_418 = tpu.memref_slice %arg2[%dma_wait3A_416, %dma_wait3A_417] : memref<163840x128xf32, #tpu.memory_space<hbm>> -> memref<64x128xf32, #tpu.memory_space<hbm>>
      %dma_wait3A_419 = arith.constant 0 : i32
      %dma_wait3A_420 = arith.constant 0 : i32
      %dma_wait3A_421 = tpu.memref_slice %arg2[%dma_wait3A_419, %dma_wait3A_420] : memref<163840x128xf32, #tpu.memory_space<hbm>> -> memref<64x128xf32, #tpu.memory_space<hbm>>
      tpu.wait_dma2 semaphore(%arg19 : memref<!tpu.dma_semaphore, #tpu.memory_space<semaphore_mem>>) src(%dma_wait3A_421 : memref<64x128xf32, #tpu.memory_space<hbm>>) dst(%arg16 : memref<64x128xf32, #tpu.memory_space<vmem>>)
      %dma_wait3A_422 = arith.constant 0 : i32
      %dma_wait3A_423 = arith.constant 0 : i32
      %dma_wait3A_424 = tpu.memref_slice %arg2[%dma_wait3A_422, %dma_wait3A_423] : memref<163840x128xf32, #tpu.memory_space<hbm>> -> memref<64x128xf32, #tpu.memory_space<hbm>>
      %dma_wait3A_425 = arith.constant 0 : i32
      %dma_wait3A_426 = arith.constant 0 : i32
      %dma_wait3A_427 = tpu.memref_slice %arg2[%dma_wait3A_425, %dma_wait3A_426] : memref<163840x128xf32, #tpu.memory_space<hbm>> -> memref<64x128xf32, #tpu.memory_space<hbm>>
      tpu.wait_dma2 semaphore(%arg19 : memref<!tpu.dma_semaphore, #tpu.memory_space<semaphore_mem>>) src(%dma_wait3A_427 : memref<64x128xf32, #tpu.memory_space<hbm>>) dst(%arg17 : memref<64x128xf32, #tpu.memory_space<vmem>>)
      %dma_wait3A_428 = arith.constant 0 : i32
      %dma_wait3A_429 = arith.constant 0 : i32
      %dma_wait3A_430 = tpu.memref_slice %arg4[%dma_wait3A_428, %dma_wait3A_429] : memref<2560x64xi32, #tpu.memory_space<hbm>> -> memref<1x64xi32, #tpu.memory_space<hbm>>
      %dma_wait3A_431 = arith.constant 0 : i32
      %dma_wait3A_432 = arith.constant 0 : i32
      %dma_wait3A_433 = tpu.memref_slice %arg4[%dma_wait3A_431, %dma_wait3A_432] : memref<2560x64xi32, #tpu.memory_space<hbm>> -> memref<1x64xi32, #tpu.memory_space<hbm>>
      tpu.wait_dma2 semaphore(%arg19 : memref<!tpu.dma_semaphore, #tpu.memory_space<semaphore_mem>>) src(%dma_wait3A_433 : memref<1x64xi32, #tpu.memory_space<hbm>>) dst(%arg11 : memref<1x64xi32, #tpu.memory_space<vmem>>)
      %get3A_434 = arith.constant 0 : i32
      %get3A_435 = arith.constant 0 : i32
      %get3A_436 = tpu.memref_slice %arg11[%get3A_434, %get3A_435] : memref<1x64xi32, #tpu.memory_space<vmem>> -> memref<1x64xi32, #tpu.memory_space<vmem>>
      %get3A_437 = tpu.memref_squeeze %get3A_436 : memref<1x64xi32, #tpu.memory_space<vmem>> -> memref<64xi32, #tpu.memory_space<vmem>>
      %get3A_438 = arith.constant 0 : index
      %get3A_439 = tpu.vector_load %get3A_437[%get3A_438] {strides = array<i32>} : memref<64xi32, #tpu.memory_space<vmem>>, vector<16xi32>,
      %get3A_440 = vector.shape_cast %get3A_439 : vector<16xi32> to vector<16xi32>
      %shift_right_arithmetic3A_441 = arith.constant 3 : i32
      %shift_right_arithmetic3A_442 = vector.broadcast %shift_right_arithmetic3A_441 : i32 to vector<16xi32>
      %shift_right_arithmetic3A_443 = arith.shrsi %get3A_440, %shift_right_arithmetic3A_442 : vector<16xi32>
      %swap3A_444 = arith.constant 0 : i32
      %swap3A_445 = arith.constant 0 : i32
      %swap3A_446 = tpu.memref_slice %arg13[%swap3A_444, %swap3A_445] : memref<1x64xi32, #tpu.memory_space<vmem>> -> memref<1x64xi32, #tpu.memory_space<vmem>>
      %swap3A_447 = tpu.memref_squeeze %swap3A_446 : memref<1x64xi32, #tpu.memory_space<vmem>> -> memref<64xi32, #tpu.memory_space<vmem>>
      %swap3A_448 = arith.constant 0 : index
      %swap3A_449 = tpu.vector_load %swap3A_447[%swap3A_448] {strides = array<i32>} : memref<64xi32, #tpu.memory_space<vmem>>, vector<16xi32>,
      %swap3A_450 = vector.shape_cast %swap3A_449 : vector<16xi32> to vector<16xi32>
      %swap3A_451 = vector.shape_cast %shift_right_arithmetic3A_443 : vector<16xi32> to vector<16xi32>
      tpu.vector_store %swap3A_447[%swap3A_448], %swap3A_451 {strides = array<i32>} : memref<64xi32, #tpu.memory_space<vmem>>, vector<16xi32>,
      %get3A_452 = arith.constant 0 : i32
      %get3A_453 = arith.constant 0 : i32
      %get3A_454 = tpu.memref_slice %arg11[%get3A_452, %get3A_453] : memref<1x64xi32, #tpu.memory_space<vmem>> -> memref<1x64xi32, #tpu.memory_space<vmem>>
      %get3A_455 = tpu.memref_squeeze %get3A_454 : memref<1x64xi32, #tpu.memory_space<vmem>> -> memref<64xi32, #tpu.memory_space<vmem>>
      %get3A_456 = arith.constant 16 : index
      %get3A_457 = tpu.vector_load %get3A_455[%get3A_456] {strides = array<i32>} : memref<64xi32, #tpu.memory_space<vmem>>, vector<16xi32>,
      %get3A_458 = vector.shape_cast %get3A_457 : vector<16xi32> to vector<16xi32>
      %shift_right_arithmetic3A_459 = arith.constant 3 : i32
      %shift_right_arithmetic3A_460 = vector.broadcast %shift_right_arithmetic3A_459 : i32 to vector<16xi32>
      %shift_right_arithmetic3A_461 = arith.shrsi %get3A_458, %shift_right_arithmetic3A_460 : vector<16xi32>
      %swap3A_462 = arith.constant 0 : i32
      %swap3A_463 = arith.constant 0 : i32
      %swap3A_464 = tpu.memref_slice %arg13[%swap3A_462, %swap3A_463] : memref<1x64xi32, #tpu.memory_space<vmem>> -> memref<1x64xi32, #tpu.memory_space<vmem>>
      %swap3A_465 = tpu.memref_squeeze %swap3A_464 : memref<1x64xi32, #tpu.memory_space<vmem>> -> memref<64xi32, #tpu.memory_space<vmem>>
      %swap3A_466 = arith.constant 16 : index
      %swap3A_467 = tpu.vector_load %swap3A_465[%swap3A_466] {strides = array<i32>} : memref<64xi32, #tpu.memory_space<vmem>>, vector<16xi32>,
      %swap3A_468 = vector.shape_cast %swap3A_467 : vector<16xi32> to vector<16xi32>
      %swap3A_469 = vector.shape_cast %shift_right_arithmetic3A_461 : vector<16xi32> to vector<16xi32>
      tpu.vector_store %swap3A_465[%swap3A_466], %swap3A_469 {strides = array<i32>} : memref<64xi32, #tpu.memory_space<vmem>>, vector<16xi32>,
      %get3A_470 = arith.constant 0 : i32
      %get3A_471 = arith.constant 0 : i32
      %get3A_472 = tpu.memref_slice %arg11[%get3A_470, %get3A_471] : memref<1x64xi32, #tpu.memory_space<vmem>> -> memref<1x64xi32, #tpu.memory_space<vmem>>
      %get3A_473 = tpu.memref_squeeze %get3A_472 : memref<1x64xi32, #tpu.memory_space<vmem>> -> memref<64xi32, #tpu.memory_space<vmem>>
      %get3A_474 = arith.constant 32 : index
      %get3A_475 = tpu.vector_load %get3A_473[%get3A_474] {strides = array<i32>} : memref<64xi32, #tpu.memory_space<vmem>>, vector<16xi32>,
      %get3A_476 = vector.shape_cast %get3A_475 : vector<16xi32> to vector<16xi32>
      %shift_right_arithmetic3A_477 = arith.constant 3 : i32
      %shift_right_arithmetic3A_478 = vector.broadcast %shift_right_arithmetic3A_477 : i32 to vector<16xi32>
      %shift_right_arithmetic3A_479 = arith.shrsi %get3A_476, %shift_right_arithmetic3A_478 : vector<16xi32>
      %swap3A_480 = arith.constant 0 : i32
      %swap3A_481 = arith.constant 0 : i32
      %swap3A_482 = tpu.memref_slice %arg13[%swap3A_480, %swap3A_481] : memref<1x64xi32, #tpu.memory_space<vmem>> -> memref<1x64xi32, #tpu.memory_space<vmem>>
      %swap3A_483 = tpu.memref_squeeze %swap3A_482 : memref<1x64xi32, #tpu.memory_space<vmem>> -> memref<64xi32, #tpu.memory_space<vmem>>
      %swap3A_484 = arith.constant 32 : index
      %swap3A_485 = tpu.vector_load %swap3A_483[%swap3A_484] {strides = array<i32>} : memref<64xi32, #tpu.memory_space<vmem>>, vector<16xi32>,
      %swap3A_486 = vector.shape_cast %swap3A_485 : vector<16xi32> to vector<16xi32>
      %swap3A_487 = vector.shape_cast %shift_right_arithmetic3A_479 : vector<16xi32> to vector<16xi32>
      tpu.vector_store %swap3A_483[%swap3A_484], %swap3A_487 {strides = array<i32>} : memref<64xi32, #tpu.memory_space<vmem>>, vector<16xi32>,
      %get3A_488 = arith.constant 0 : i32
      %get3A_489 = arith.constant 0 : i32
      %get3A_490 = tpu.memref_slice %arg11[%get3A_488, %get3A_489] : memref<1x64xi32, #tpu.memory_space<vmem>> -> memref<1x64xi32, #tpu.memory_space<vmem>>
      %get3A_491 = tpu.memref_squeeze %get3A_490 : memref<1x64xi32, #tpu.memory_space<vmem>> -> memref<64xi32, #tpu.memory_space<vmem>>
      %get3A_492 = arith.constant 48 : index
      %get3A_493 = tpu.vector_load %get3A_491[%get3A_492] {strides = array<i32>} : memref<64xi32, #tpu.memory_space<vmem>>, vector<16xi32>,
      %get3A_494 = vector.shape_cast %get3A_493 : vector<16xi32> to vector<16xi32>
      %shift_right_arithmetic3A_495 = arith.constant 3 : i32
      %shift_right_arithmetic3A_496 = vector.broadcast %shift_right_arithmetic3A_495 : i32 to vector<16xi32>
      %shift_right_arithmetic3A_497 = arith.shrsi %get3A_494, %shift_right_arithmetic3A_496 : vector<16xi32>
      %swap3A_498 = arith.constant 0 : i32
      %swap3A_499 = arith.constant 0 : i32
      %swap3A_500 = tpu.memref_slice %arg13[%swap3A_498, %swap3A_499] : memref<1x64xi32, #tpu.memory_space<vmem>> -> memref<1x64xi32, #tpu.memory_space<vmem>>
      %swap3A_501 = tpu.memref_squeeze %swap3A_500 : memref<1x64xi32, #tpu.memory_space<vmem>> -> memref<64xi32, #tpu.memory_space<vmem>>
      %swap3A_502 = arith.constant 48 : index
      %swap3A_503 = tpu.vector_load %swap3A_501[%swap3A_502] {strides = array<i32>} : memref<64xi32, #tpu.memory_space<vmem>>, vector<16xi32>,
      %swap3A_504 = vector.shape_cast %swap3A_503 : vector<16xi32> to vector<16xi32>
      %swap3A_505 = vector.shape_cast %shift_right_arithmetic3A_497 : vector<16xi32> to vector<16xi32>
      tpu.vector_store %swap3A_501[%swap3A_502], %swap3A_505 {strides = array<i32>} : memref<64xi32, #tpu.memory_space<vmem>>, vector<16xi32>,
      %run_scoped3A_506 = arith.constant 0 : i32
      "tpu.region"() ({
        %run_scoped3A_528 = tpu.sem_alloc : memref<!tpu.dma_semaphore, #tpu.memory_space<semaphore_mem>>
        %dma_start3A_529 = arith.constant 0 : i32
        %dma_start3A_530 = tpu.memref_slice %arg11[%run_scoped3A_506, %dma_start3A_529] : memref<1x64xi32, #tpu.memory_space<vmem>> -> memref<1x64xi32, #tpu.memory_space<vmem>>
        %dma_start3A_531 = tpu.memref_squeeze %dma_start3A_530 : memref<1x64xi32, #tpu.memory_space<vmem>> -> memref<64xi32, #tpu.memory_space<vmem>>
        %dma_start3A_532 = arith.constant 0 : i32
        %dma_start3A_533 = arith.constant 0 : i32
        %dma_start3A_534 = tpu.memref_slice %arg8[%dma_start3A_532, %dma_start3A_533] : memref<10240x128xf32, #tpu.memory_space<vmem_shared>> -> memref<10240x128xf32, #tpu.memory_space<vmem_shared>>
        tpu.enqueue_indirect_dma source(%arg16 : memref<64x128xf32, #tpu.memory_space<vmem>>) target(%dma_start3A_534 : memref<10240x128xf32, #tpu.memory_space<vmem_shared>>) offsets(%dma_start3A_531 : memref<64xi32, #tpu.memory_space<vmem>>) semaphore(%run_scoped3A_528 : memref<!tpu.dma_semaphore, #tpu.memory_space<semaphore_mem>>) {add = true}
        %dma_wait3A_535 = arith.constant 0 : i32
        %dma_wait3A_536 = tpu.memref_slice %arg11[%run_scoped3A_506, %dma_wait3A_535] : memref<1x64xi32, #tpu.memory_space<vmem>> -> memref<1x64xi32, #tpu.memory_space<vmem>>
        %dma_wait3A_537 = tpu.memref_squeeze %dma_wait3A_536 : memref<1x64xi32, #tpu.memory_space<vmem>> -> memref<64xi32, #tpu.memory_space<vmem>>
        %dma_wait3A_538 = arith.constant 0 : i32
        %dma_wait3A_539 = arith.constant 0 : i32
        %dma_wait3A_540 = tpu.memref_slice %arg8[%dma_wait3A_538, %dma_wait3A_539] : memref<10240x128xf32, #tpu.memory_space<vmem_shared>> -> memref<10240x128xf32, #tpu.memory_space<vmem_shared>>
        tpu.wait_indirect_dma semaphore(%run_scoped3A_528 : memref<!tpu.dma_semaphore, #tpu.memory_space<semaphore_mem>>) src(%arg16 : memref<64x128xf32, #tpu.memory_space<vmem>>) dst(%dma_wait3A_540 : memref<10240x128xf32, #tpu.memory_space<vmem_shared>>)
        tpu.yield
      }) : () -> ()
      %run_scoped3A_507 = arith.constant 0 : i32
      "tpu.region"() ({
        %run_scoped3A_528 = tpu.sem_alloc : memref<!tpu.dma_semaphore, #tpu.memory_space<semaphore_mem>>
        %dma_start3A_529 = arith.constant 0 : i32
        %dma_start3A_530 = tpu.memref_slice %arg13[%run_scoped3A_507, %dma_start3A_529] : memref<1x64xi32, #tpu.memory_space<vmem>> -> memref<1x64xi32, #tpu.memory_space<vmem>>
        %dma_start3A_531 = tpu.memref_squeeze %dma_start3A_530 : memref<1x64xi32, #tpu.memory_space<vmem>> -> memref<64xi32, #tpu.memory_space<vmem>>
        %dma_start3A_532 = arith.constant 0 : i32
        %dma_start3A_533 = arith.constant 0 : i32
        %dma_start3A_534 = tpu.memref_slice %arg9[%dma_start3A_532, %dma_start3A_533] : memref<1280x128xf32, #tpu.memory_space<vmem_shared>> -> memref<1280x128xf32, #tpu.memory_space<vmem_shared>>
        tpu.enqueue_indirect_dma source(%arg17 : memref<64x128xf32, #tpu.memory_space<vmem>>) target(%dma_start3A_534 : memref<1280x128xf32, #tpu.memory_space<vmem_shared>>) offsets(%dma_start3A_531 : memref<64xi32, #tpu.memory_space<vmem>>) semaphore(%run_scoped3A_528 : memref<!tpu.dma_semaphore, #tpu.memory_space<semaphore_mem>>) {add = true}
        %dma_wait3A_535 = arith.constant 0 : i32
        %dma_wait3A_536 = tpu.memref_slice %arg13[%run_scoped3A_507, %dma_wait3A_535] : memref<1x64xi32, #tpu.memory_space<vmem>> -> memref<1x64xi32, #tpu.memory_space<vmem>>
        %dma_wait3A_537 = tpu.memref_squeeze %dma_wait3A_536 : memref<1x64xi32, #tpu.memory_space<vmem>> -> memref<64xi32, #tpu.memory_space<vmem>>
        %dma_wait3A_538 = arith.constant 0 : i32
        %dma_wait3A_539 = arith.constant 0 : i32
        %dma_wait3A_540 = tpu.memref_slice %arg9[%dma_wait3A_538, %dma_wait3A_539] : memref<1280x128xf32, #tpu.memory_space<vmem_shared>> -> memref<1280x128xf32, #tpu.memory_space<vmem_shared>>
        tpu.wait_indirect_dma semaphore(%run_scoped3A_528 : memref<!tpu.dma_semaphore, #tpu.memory_space<semaphore_mem>>) src(%arg17 : memref<64x128xf32, #tpu.memory_space<vmem>>) dst(%dma_wait3A_540 : memref<1280x128xf32, #tpu.memory_space<vmem_shared>>)
        tpu.yield
      }) : () -> ()
      %add3A_508 = arith.constant 3 : i32
      %add3A_509 = arith.addi %mul3A_301, %add3A_508 : i32
      %mul3A_510 = arith.constant 64 : i32
      %mul3A_511 = arith.muli %add3A_509, %mul3A_510 : i32
      %add3A_512 = arith.addi %mul3A_28, %mul3A_511 : i32
      %dma_start3A_513 = arith.constant 0 : i32
      %dma_start3A_514 = tpu.memref_slice %arg2[%add3A_512, %dma_start3A_513] : memref<163840x128xf32, #tpu.memory_space<hbm>> -> memref<64x128xf32, #tpu.memory_space<hbm>>
      %dma_start3A_515 = arith.constant 0 : i32
      %dma_start3A_516 = tpu.memref_slice %arg2[%add3A_512, %dma_start3A_515] : memref<163840x128xf32, #tpu.memory_space<hbm>> -> memref<64x128xf32, #tpu.memory_space<hbm>>
      tpu.enqueue_dma source(%dma_start3A_516 : memref<64x128xf32, #tpu.memory_space<hbm>>) target(%arg16 : memref<64x128xf32, #tpu.memory_space<vmem>>) target_semaphore(%arg19 : memref<!tpu.dma_semaphore, #tpu.memory_space<semaphore_mem>>)
      %dma_start3A_517 = arith.constant 0 : i32
      %dma_start3A_518 = tpu.memref_slice %arg3[%add3A_512, %dma_start3A_517] : memref<163840x128xf32, #tpu.memory_space<hbm>> -> memref<64x128xf32, #tpu.memory_space<hbm>>
      %dma_start3A_519 = arith.constant 0 : i32
      %dma_start3A_520 = tpu.memref_slice %arg3[%add3A_512, %dma_start3A_519] : memref<163840x128xf32, #tpu.memory_space<hbm>> -> memref<64x128xf32, #tpu.memory_space<hbm>>
      tpu.enqueue_dma source(%dma_start3A_520 : memref<64x128xf32, #tpu.memory_space<hbm>>) target(%arg17 : memref<64x128xf32, #tpu.memory_space<vmem>>) target_semaphore(%arg19 : memref<!tpu.dma_semaphore, #tpu.memory_space<semaphore_mem>>)
      %mul3A_521 = arith.constant 80 : i32
      %mul3A_522 = arith.muli %add3A_26, %mul3A_521 : i32
      %add3A_523 = arith.addi %mul3A_522, %add3A_509 : i32
      %dma_start3A_524 = arith.constant 0 : i32
      %dma_start3A_525 = tpu.memref_slice %arg4[%add3A_523, %dma_start3A_524] : memref<2560x64xi32, #tpu.memory_space<hbm>> -> memref<1x64xi32, #tpu.memory_space<hbm>>
      %dma_start3A_526 = arith.constant 0 : i32
      %dma_start3A_527 = tpu.memref_slice %arg4[%add3A_523, %dma_start3A_526] : memref<2560x64xi32, #tpu.memory_space<hbm>> -> memref<1x64xi32, #tpu.memory_space<hbm>>
      tpu.enqueue_dma source(%dma_start3A_527 : memref<1x64xi32, #tpu.memory_space<hbm>>) target(%arg11 : memref<1x64xi32, #tpu.memory_space<vmem>>) target_semaphore(%arg19 : memref<!tpu.dma_semaphore, #tpu.memory_space<semaphore_mem>>)
    }
    %scan3A_68 = arith.constant 39 : i32
    %dma_wait3A = arith.constant 0 : i32
    %dma_wait3A_69 = arith.constant 0 : i32
    %dma_wait3A_70 = tpu.memref_slice %arg2[%dma_wait3A, %dma_wait3A_69] : memref<163840x128xf32, #tpu.memory_space<hbm>> -> memref<64x128xf32, #tpu.memory_space<hbm>>
    %dma_wait3A_71 = arith.constant 0 : i32
    %dma_wait3A_72 = arith.constant 0 : i32
    %dma_wait3A_73 = tpu.memref_slice %arg2[%dma_wait3A_71, %dma_wait3A_72] : memref<163840x128xf32, #tpu.memory_space<hbm>> -> memref<64x128xf32, #tpu.memory_space<hbm>>
    tpu.wait_dma2 semaphore(%arg18 : memref<!tpu.dma_semaphore, #tpu.memory_space<semaphore_mem>>) src(%dma_wait3A_73 : memref<64x128xf32, #tpu.memory_space<hbm>>) dst(%arg14 : memref<64x128xf32, #tpu.memory_space<vmem>>)
    %dma_wait3A_74 = arith.constant 0 : i32
    %dma_wait3A_75 = arith.constant 0 : i32
    %dma_wait3A_76 = tpu.memref_slice %arg2[%dma_wait3A_74, %dma_wait3A_75] : memref<163840x128xf32, #tpu.memory_space<hbm>> -> memref<64x128xf32, #tpu.memory_space<hbm>>
    %dma_wait3A_77 = arith.constant 0 : i32
    %dma_wait3A_78 = arith.constant 0 : i32
    %dma_wait3A_79 = tpu.memref_slice %arg2[%dma_wait3A_77, %dma_wait3A_78] : memref<163840x128xf32, #tpu.memory_space<hbm>> -> memref<64x128xf32, #tpu.memory_space<hbm>>
    tpu.wait_dma2 semaphore(%arg18 : memref<!tpu.dma_semaphore, #tpu.memory_space<semaphore_mem>>) src(%dma_wait3A_79 : memref<64x128xf32, #tpu.memory_space<hbm>>) dst(%arg15 : memref<64x128xf32, #tpu.memory_space<vmem>>)
    %dma_wait3A_80 = arith.constant 0 : i32
    %dma_wait3A_81 = arith.constant 0 : i32
    %dma_wait3A_82 = tpu.memref_slice %arg4[%dma_wait3A_80, %dma_wait3A_81] : memref<2560x64xi32, #tpu.memory_space<hbm>> -> memref<1x64xi32, #tpu.memory_space<hbm>>
    %dma_wait3A_83 = arith.constant 0 : i32
    %dma_wait3A_84 = arith.constant 0 : i32
    %dma_wait3A_85 = tpu.memref_slice %arg4[%dma_wait3A_83, %dma_wait3A_84] : memref<2560x64xi32, #tpu.memory_space<hbm>> -> memref<1x64xi32, #tpu.memory_space<hbm>>
    tpu.wait_dma2 semaphore(%arg18 : memref<!tpu.dma_semaphore, #tpu.memory_space<semaphore_mem>>) src(%dma_wait3A_85 : memref<1x64xi32, #tpu.memory_space<hbm>>) dst(%arg10 : memref<1x64xi32, #tpu.memory_space<vmem>>)
    %get3A = arith.constant 0 : i32
    %get3A_86 = arith.constant 0 : i32
    %get3A_87 = tpu.memref_slice %arg10[%get3A, %get3A_86] : memref<1x64xi32, #tpu.memory_space<vmem>> -> memref<1x64xi32, #tpu.memory_space<vmem>>
    %get3A_88 = tpu.memref_squeeze %get3A_87 : memref<1x64xi32, #tpu.memory_space<vmem>> -> memref<64xi32, #tpu.memory_space<vmem>>
    %get3A_89 = arith.constant 0 : index
    %get3A_90 = tpu.vector_load %get3A_88[%get3A_89] {strides = array<i32>} : memref<64xi32, #tpu.memory_space<vmem>>, vector<16xi32>,
    %get3A_91 = vector.shape_cast %get3A_90 : vector<16xi32> to vector<16xi32>
    %shift_right_arithmetic3A = arith.constant 3 : i32
    %shift_right_arithmetic3A_92 = vector.broadcast %shift_right_arithmetic3A : i32 to vector<16xi32>
    %shift_right_arithmetic3A_93 = arith.shrsi %get3A_91, %shift_right_arithmetic3A_92 : vector<16xi32>
    %swap3A = arith.constant 0 : i32
    %swap3A_94 = arith.constant 0 : i32
    %swap3A_95 = tpu.memref_slice %arg12[%swap3A, %swap3A_94] : memref<1x64xi32, #tpu.memory_space<vmem>> -> memref<1x64xi32, #tpu.memory_space<vmem>>
    %swap3A_96 = tpu.memref_squeeze %swap3A_95 : memref<1x64xi32, #tpu.memory_space<vmem>> -> memref<64xi32, #tpu.memory_space<vmem>>
    %swap3A_97 = arith.constant 0 : index
    %swap3A_98 = tpu.vector_load %swap3A_96[%swap3A_97] {strides = array<i32>} : memref<64xi32, #tpu.memory_space<vmem>>, vector<16xi32>,
    %swap3A_99 = vector.shape_cast %swap3A_98 : vector<16xi32> to vector<16xi32>
    %swap3A_100 = vector.shape_cast %shift_right_arithmetic3A_93 : vector<16xi32> to vector<16xi32>
    tpu.vector_store %swap3A_96[%swap3A_97], %swap3A_100 {strides = array<i32>} : memref<64xi32, #tpu.memory_space<vmem>>, vector<16xi32>,
    %get3A_101 = arith.constant 0 : i32
    %get3A_102 = arith.constant 0 : i32
    %get3A_103 = tpu.memref_slice %arg10[%get3A_101, %get3A_102] : memref<1x64xi32, #tpu.memory_space<vmem>> -> memref<1x64xi32, #tpu.memory_space<vmem>>
    %get3A_104 = tpu.memref_squeeze %get3A_103 : memref<1x64xi32, #tpu.memory_space<vmem>> -> memref<64xi32, #tpu.memory_space<vmem>>
    %get3A_105 = arith.constant 16 : index
    %get3A_106 = tpu.vector_load %get3A_104[%get3A_105] {strides = array<i32>} : memref<64xi32, #tpu.memory_space<vmem>>, vector<16xi32>,
    %get3A_107 = vector.shape_cast %get3A_106 : vector<16xi32> to vector<16xi32>
    %shift_right_arithmetic3A_108 = arith.constant 3 : i32
    %shift_right_arithmetic3A_109 = vector.broadcast %shift_right_arithmetic3A_108 : i32 to vector<16xi32>
    %shift_right_arithmetic3A_110 = arith.shrsi %get3A_107, %shift_right_arithmetic3A_109 : vector<16xi32>
    %swap3A_111 = arith.constant 0 : i32
    %swap3A_112 = arith.constant 0 : i32
    %swap3A_113 = tpu.memref_slice %arg12[%swap3A_111, %swap3A_112] : memref<1x64xi32, #tpu.memory_space<vmem>> -> memref<1x64xi32, #tpu.memory_space<vmem>>
    %swap3A_114 = tpu.memref_squeeze %swap3A_113 : memref<1x64xi32, #tpu.memory_space<vmem>> -> memref<64xi32, #tpu.memory_space<vmem>>
    %swap3A_115 = arith.constant 16 : index
    %swap3A_116 = tpu.vector_load %swap3A_114[%swap3A_115] {strides = array<i32>} : memref<64xi32, #tpu.memory_space<vmem>>, vector<16xi32>,
    %swap3A_117 = vector.shape_cast %swap3A_116 : vector<16xi32> to vector<16xi32>
    %swap3A_118 = vector.shape_cast %shift_right_arithmetic3A_110 : vector<16xi32> to vector<16xi32>
    tpu.vector_store %swap3A_114[%swap3A_115], %swap3A_118 {strides = array<i32>} : memref<64xi32, #tpu.memory_space<vmem>>, vector<16xi32>,
    %get3A_119 = arith.constant 0 : i32
    %get3A_120 = arith.constant 0 : i32
    %get3A_121 = tpu.memref_slice %arg10[%get3A_119, %get3A_120] : memref<1x64xi32, #tpu.memory_space<vmem>> -> memref<1x64xi32, #tpu.memory_space<vmem>>
    %get3A_122 = tpu.memref_squeeze %get3A_121 : memref<1x64xi32, #tpu.memory_space<vmem>> -> memref<64xi32, #tpu.memory_space<vmem>>
    %get3A_123 = arith.constant 32 : index
    %get3A_124 = tpu.vector_load %get3A_122[%get3A_123] {strides = array<i32>} : memref<64xi32, #tpu.memory_space<vmem>>, vector<16xi32>,
    %get3A_125 = vector.shape_cast %get3A_124 : vector<16xi32> to vector<16xi32>
    %shift_right_arithmetic3A_126 = arith.constant 3 : i32
    %shift_right_arithmetic3A_127 = vector.broadcast %shift_right_arithmetic3A_126 : i32 to vector<16xi32>
    %shift_right_arithmetic3A_128 = arith.shrsi %get3A_125, %shift_right_arithmetic3A_127 : vector<16xi32>
    %swap3A_129 = arith.constant 0 : i32
    %swap3A_130 = arith.constant 0 : i32
    %swap3A_131 = tpu.memref_slice %arg12[%swap3A_129, %swap3A_130] : memref<1x64xi32, #tpu.memory_space<vmem>> -> memref<1x64xi32, #tpu.memory_space<vmem>>
    %swap3A_132 = tpu.memref_squeeze %swap3A_131 : memref<1x64xi32, #tpu.memory_space<vmem>> -> memref<64xi32, #tpu.memory_space<vmem>>
    %swap3A_133 = arith.constant 32 : index
    %swap3A_134 = tpu.vector_load %swap3A_132[%swap3A_133] {strides = array<i32>} : memref<64xi32, #tpu.memory_space<vmem>>, vector<16xi32>,
    %swap3A_135 = vector.shape_cast %swap3A_134 : vector<16xi32> to vector<16xi32>
    %swap3A_136 = vector.shape_cast %shift_right_arithmetic3A_128 : vector<16xi32> to vector<16xi32>
    tpu.vector_store %swap3A_132[%swap3A_133], %swap3A_136 {strides = array<i32>} : memref<64xi32, #tpu.memory_space<vmem>>, vector<16xi32>,
    %get3A_137 = arith.constant 0 : i32
    %get3A_138 = arith.constant 0 : i32
    %get3A_139 = tpu.memref_slice %arg10[%get3A_137, %get3A_138] : memref<1x64xi32, #tpu.memory_space<vmem>> -> memref<1x64xi32, #tpu.memory_space<vmem>>
    %get3A_140 = tpu.memref_squeeze %get3A_139 : memref<1x64xi32, #tpu.memory_space<vmem>> -> memref<64xi32, #tpu.memory_space<vmem>>
    %get3A_141 = arith.constant 48 : index
    %get3A_142 = tpu.vector_load %get3A_140[%get3A_141] {strides = array<i32>} : memref<64xi32, #tpu.memory_space<vmem>>, vector<16xi32>,
    %get3A_143 = vector.shape_cast %get3A_142 : vector<16xi32> to vector<16xi32>
    %shift_right_arithmetic3A_144 = arith.constant 3 : i32
    %shift_right_arithmetic3A_145 = vector.broadcast %shift_right_arithmetic3A_144 : i32 to vector<16xi32>
    %shift_right_arithmetic3A_146 = arith.shrsi %get3A_143, %shift_right_arithmetic3A_145 : vector<16xi32>
    %swap3A_147 = arith.constant 0 : i32
    %swap3A_148 = arith.constant 0 : i32
    %swap3A_149 = tpu.memref_slice %arg12[%swap3A_147, %swap3A_148] : memref<1x64xi32, #tpu.memory_space<vmem>> -> memref<1x64xi32, #tpu.memory_space<vmem>>
    %swap3A_150 = tpu.memref_squeeze %swap3A_149 : memref<1x64xi32, #tpu.memory_space<vmem>> -> memref<64xi32, #tpu.memory_space<vmem>>
    %swap3A_151 = arith.constant 48 : index
    %swap3A_152 = tpu.vector_load %swap3A_150[%swap3A_151] {strides = array<i32>} : memref<64xi32, #tpu.memory_space<vmem>>, vector<16xi32>,
    %swap3A_153 = vector.shape_cast %swap3A_152 : vector<16xi32> to vector<16xi32>
    %swap3A_154 = vector.shape_cast %shift_right_arithmetic3A_146 : vector<16xi32> to vector<16xi32>
    tpu.vector_store %swap3A_150[%swap3A_151], %swap3A_154 {strides = array<i32>} : memref<64xi32, #tpu.memory_space<vmem>>, vector<16xi32>,
    %run_scoped3A = arith.constant 0 : i32
    "tpu.region"() ({
      %run_scoped3A_299 = tpu.sem_alloc : memref<!tpu.dma_semaphore, #tpu.memory_space<semaphore_mem>>
      %dma_start3A_300 = arith.constant 0 : i32
      %dma_start3A_301 = tpu.memref_slice %arg10[%run_scoped3A, %dma_start3A_300] : memref<1x64xi32, #tpu.memory_space<vmem>> -> memref<1x64xi32, #tpu.memory_space<vmem>>
      %dma_start3A_302 = tpu.memref_squeeze %dma_start3A_301 : memref<1x64xi32, #tpu.memory_space<vmem>> -> memref<64xi32, #tpu.memory_space<vmem>>
      %dma_start3A_303 = arith.constant 0 : i32
      %dma_start3A_304 = arith.constant 0 : i32
      %dma_start3A_305 = tpu.memref_slice %arg8[%dma_start3A_303, %dma_start3A_304] : memref<10240x128xf32, #tpu.memory_space<vmem_shared>> -> memref<10240x128xf32, #tpu.memory_space<vmem_shared>>
      tpu.enqueue_indirect_dma source(%arg14 : memref<64x128xf32, #tpu.memory_space<vmem>>) target(%dma_start3A_305 : memref<10240x128xf32, #tpu.memory_space<vmem_shared>>) offsets(%dma_start3A_302 : memref<64xi32, #tpu.memory_space<vmem>>) semaphore(%run_scoped3A_299 : memref<!tpu.dma_semaphore, #tpu.memory_space<semaphore_mem>>) {add = true}
      %dma_wait3A_306 = arith.constant 0 : i32
      %dma_wait3A_307 = tpu.memref_slice %arg10[%run_scoped3A, %dma_wait3A_306] : memref<1x64xi32, #tpu.memory_space<vmem>> -> memref<1x64xi32, #tpu.memory_space<vmem>>
      %dma_wait3A_308 = tpu.memref_squeeze %dma_wait3A_307 : memref<1x64xi32, #tpu.memory_space<vmem>> -> memref<64xi32, #tpu.memory_space<vmem>>
      %dma_wait3A_309 = arith.constant 0 : i32
      %dma_wait3A_310 = arith.constant 0 : i32
      %dma_wait3A_311 = tpu.memref_slice %arg8[%dma_wait3A_309, %dma_wait3A_310] : memref<10240x128xf32, #tpu.memory_space<vmem_shared>> -> memref<10240x128xf32, #tpu.memory_space<vmem_shared>>
      tpu.wait_indirect_dma semaphore(%run_scoped3A_299 : memref<!tpu.dma_semaphore, #tpu.memory_space<semaphore_mem>>) src(%arg14 : memref<64x128xf32, #tpu.memory_space<vmem>>) dst(%dma_wait3A_311 : memref<10240x128xf32, #tpu.memory_space<vmem_shared>>)
      tpu.yield
    }) : () -> ()
    %run_scoped3A_155 = arith.constant 0 : i32
    "tpu.region"() ({
      %run_scoped3A_299 = tpu.sem_alloc : memref<!tpu.dma_semaphore, #tpu.memory_space<semaphore_mem>>
      %dma_start3A_300 = arith.constant 0 : i32
      %dma_start3A_301 = tpu.memref_slice %arg12[%run_scoped3A_155, %dma_start3A_300] : memref<1x64xi32, #tpu.memory_space<vmem>> -> memref<1x64xi32, #tpu.memory_space<vmem>>
      %dma_start3A_302 = tpu.memref_squeeze %dma_start3A_301 : memref<1x64xi32, #tpu.memory_space<vmem>> -> memref<64xi32, #tpu.memory_space<vmem>>
      %dma_start3A_303 = arith.constant 0 : i32
      %dma_start3A_304 = arith.constant 0 : i32
      %dma_start3A_305 = tpu.memref_slice %arg9[%dma_start3A_303, %dma_start3A_304] : memref<1280x128xf32, #tpu.memory_space<vmem_shared>> -> memref<1280x128xf32, #tpu.memory_space<vmem_shared>>
      tpu.enqueue_indirect_dma source(%arg15 : memref<64x128xf32, #tpu.memory_space<vmem>>) target(%dma_start3A_305 : memref<1280x128xf32, #tpu.memory_space<vmem_shared>>) offsets(%dma_start3A_302 : memref<64xi32, #tpu.memory_space<vmem>>) semaphore(%run_scoped3A_299 : memref<!tpu.dma_semaphore, #tpu.memory_space<semaphore_mem>>) {add = true}
      %dma_wait3A_306 = arith.constant 0 : i32
      %dma_wait3A_307 = tpu.memref_slice %arg12[%run_scoped3A_155, %dma_wait3A_306] : memref<1x64xi32, #tpu.memory_space<vmem>> -> memref<1x64xi32, #tpu.memory_space<vmem>>
      %dma_wait3A_308 = tpu.memref_squeeze %dma_wait3A_307 : memref<1x64xi32, #tpu.memory_space<vmem>> -> memref<64xi32, #tpu.memory_space<vmem>>
      %dma_wait3A_309 = arith.constant 0 : i32
      %dma_wait3A_310 = arith.constant 0 : i32
      %dma_wait3A_311 = tpu.memref_slice %arg9[%dma_wait3A_309, %dma_wait3A_310] : memref<1280x128xf32, #tpu.memory_space<vmem_shared>> -> memref<1280x128xf32, #tpu.memory_space<vmem_shared>>
      tpu.wait_indirect_dma semaphore(%run_scoped3A_299 : memref<!tpu.dma_semaphore, #tpu.memory_space<semaphore_mem>>) src(%arg15 : memref<64x128xf32, #tpu.memory_space<vmem>>) dst(%dma_wait3A_311 : memref<1280x128xf32, #tpu.memory_space<vmem_shared>>)
      tpu.yield
    }) : () -> ()
    %dma_wait3A_156 = arith.constant 0 : i32
    %dma_wait3A_157 = arith.constant 0 : i32
    %dma_wait3A_158 = tpu.memref_slice %arg2[%dma_wait3A_156, %dma_wait3A_157] : memref<163840x128xf32, #tpu.memory_space<hbm>> -> memref<64x128xf32, #tpu.memory_space<hbm>>
    %dma_wait3A_159 = arith.constant 0 : i32
    %dma_wait3A_160 = arith.constant 0 : i32
    %dma_wait3A_161 = tpu.memref_slice %arg2[%dma_wait3A_159, %dma_wait3A_160] : memref<163840x128xf32, #tpu.memory_space<hbm>> -> memref<64x128xf32, #tpu.memory_space<hbm>>
    tpu.wait_dma2 semaphore(%arg19 : memref<!tpu.dma_semaphore, #tpu.memory_space<semaphore_mem>>) src(%dma_wait3A_161 : memref<64x128xf32, #tpu.memory_space<hbm>>) dst(%arg16 : memref<64x128xf32, #tpu.memory_space<vmem>>)
    %dma_wait3A_162 = arith.constant 0 : i32
    %dma_wait3A_163 = arith.constant 0 : i32
    %dma_wait3A_164 = tpu.memref_slice %arg2[%dma_wait3A_162, %dma_wait3A_163] : memref<163840x128xf32, #tpu.memory_space<hbm>> -> memref<64x128xf32, #tpu.memory_space<hbm>>
    %dma_wait3A_165 = arith.constant 0 : i32
    %dma_wait3A_166 = arith.constant 0 : i32
    %dma_wait3A_167 = tpu.memref_slice %arg2[%dma_wait3A_165, %dma_wait3A_166] : memref<163840x128xf32, #tpu.memory_space<hbm>> -> memref<64x128xf32, #tpu.memory_space<hbm>>
    tpu.wait_dma2 semaphore(%arg19 : memref<!tpu.dma_semaphore, #tpu.memory_space<semaphore_mem>>) src(%dma_wait3A_167 : memref<64x128xf32, #tpu.memory_space<hbm>>) dst(%arg17 : memref<64x128xf32, #tpu.memory_space<vmem>>)
    %dma_wait3A_168 = arith.constant 0 : i32
    %dma_wait3A_169 = arith.constant 0 : i32
    %dma_wait3A_170 = tpu.memref_slice %arg4[%dma_wait3A_168, %dma_wait3A_169] : memref<2560x64xi32, #tpu.memory_space<hbm>> -> memref<1x64xi32, #tpu.memory_space<hbm>>
    %dma_wait3A_171 = arith.constant 0 : i32
    %dma_wait3A_172 = arith.constant 0 : i32
    %dma_wait3A_173 = tpu.memref_slice %arg4[%dma_wait3A_171, %dma_wait3A_172] : memref<2560x64xi32, #tpu.memory_space<hbm>> -> memref<1x64xi32, #tpu.memory_space<hbm>>
    tpu.wait_dma2 semaphore(%arg19 : memref<!tpu.dma_semaphore, #tpu.memory_space<semaphore_mem>>) src(%dma_wait3A_173 : memref<1x64xi32, #tpu.memory_space<hbm>>) dst(%arg11 : memref<1x64xi32, #tpu.memory_space<vmem>>)
    %get3A_174 = arith.constant 0 : i32
    %get3A_175 = arith.constant 0 : i32
    %get3A_176 = tpu.memref_slice %arg11[%get3A_174, %get3A_175] : memref<1x64xi32, #tpu.memory_space<vmem>> -> memref<1x64xi32, #tpu.memory_space<vmem>>
    %get3A_177 = tpu.memref_squeeze %get3A_176 : memref<1x64xi32, #tpu.memory_space<vmem>> -> memref<64xi32, #tpu.memory_space<vmem>>
    %get3A_178 = arith.constant 0 : index
    %get3A_179 = tpu.vector_load %get3A_177[%get3A_178] {strides = array<i32>} : memref<64xi32, #tpu.memory_space<vmem>>, vector<16xi32>,
    %get3A_180 = vector.shape_cast %get3A_179 : vector<16xi32> to vector<16xi32>
    %shift_right_arithmetic3A_181 = arith.constant 3 : i32
    %shift_right_arithmetic3A_182 = vector.broadcast %shift_right_arithmetic3A_181 : i32 to vector<16xi32>
    %shift_right_arithmetic3A_183 = arith.shrsi %get3A_180, %shift_right_arithmetic3A_182 : vector<16xi32>
    %swap3A_184 = arith.constant 0 : i32
    %swap3A_185 = arith.constant 0 : i32
    %swap3A_186 = tpu.memref_slice %arg13[%swap3A_184, %swap3A_185] : memref<1x64xi32, #tpu.memory_space<vmem>> -> memref<1x64xi32, #tpu.memory_space<vmem>>
    %swap3A_187 = tpu.memref_squeeze %swap3A_186 : memref<1x64xi32, #tpu.memory_space<vmem>> -> memref<64xi32, #tpu.memory_space<vmem>>
    %swap3A_188 = arith.constant 0 : index
    %swap3A_189 = tpu.vector_load %swap3A_187[%swap3A_188] {strides = array<i32>} : memref<64xi32, #tpu.memory_space<vmem>>, vector<16xi32>,
    %swap3A_190 = vector.shape_cast %swap3A_189 : vector<16xi32> to vector<16xi32>
    %swap3A_191 = vector.shape_cast %shift_right_arithmetic3A_183 : vector<16xi32> to vector<16xi32>
    tpu.vector_store %swap3A_187[%swap3A_188], %swap3A_191 {strides = array<i32>} : memref<64xi32, #tpu.memory_space<vmem>>, vector<16xi32>,
    %get3A_192 = arith.constant 0 : i32
    %get3A_193 = arith.constant 0 : i32
    %get3A_194 = tpu.memref_slice %arg11[%get3A_192, %get3A_193] : memref<1x64xi32, #tpu.memory_space<vmem>> -> memref<1x64xi32, #tpu.memory_space<vmem>>
    %get3A_195 = tpu.memref_squeeze %get3A_194 : memref<1x64xi32, #tpu.memory_space<vmem>> -> memref<64xi32, #tpu.memory_space<vmem>>
    %get3A_196 = arith.constant 16 : index
    %get3A_197 = tpu.vector_load %get3A_195[%get3A_196] {strides = array<i32>} : memref<64xi32, #tpu.memory_space<vmem>>, vector<16xi32>,
    %get3A_198 = vector.shape_cast %get3A_197 : vector<16xi32> to vector<16xi32>
    %shift_right_arithmetic3A_199 = arith.constant 3 : i32
    %shift_right_arithmetic3A_200 = vector.broadcast %shift_right_arithmetic3A_199 : i32 to vector<16xi32>
    %shift_right_arithmetic3A_201 = arith.shrsi %get3A_198, %shift_right_arithmetic3A_200 : vector<16xi32>
    %swap3A_202 = arith.constant 0 : i32
    %swap3A_203 = arith.constant 0 : i32
    %swap3A_204 = tpu.memref_slice %arg13[%swap3A_202, %swap3A_203] : memref<1x64xi32, #tpu.memory_space<vmem>> -> memref<1x64xi32, #tpu.memory_space<vmem>>
    %swap3A_205 = tpu.memref_squeeze %swap3A_204 : memref<1x64xi32, #tpu.memory_space<vmem>> -> memref<64xi32, #tpu.memory_space<vmem>>
    %swap3A_206 = arith.constant 16 : index
    %swap3A_207 = tpu.vector_load %swap3A_205[%swap3A_206] {strides = array<i32>} : memref<64xi32, #tpu.memory_space<vmem>>, vector<16xi32>,
    %swap3A_208 = vector.shape_cast %swap3A_207 : vector<16xi32> to vector<16xi32>
    %swap3A_209 = vector.shape_cast %shift_right_arithmetic3A_201 : vector<16xi32> to vector<16xi32>
    tpu.vector_store %swap3A_205[%swap3A_206], %swap3A_209 {strides = array<i32>} : memref<64xi32, #tpu.memory_space<vmem>>, vector<16xi32>,
    %get3A_210 = arith.constant 0 : i32
    %get3A_211 = arith.constant 0 : i32
    %get3A_212 = tpu.memref_slice %arg11[%get3A_210, %get3A_211] : memref<1x64xi32, #tpu.memory_space<vmem>> -> memref<1x64xi32, #tpu.memory_space<vmem>>
    %get3A_213 = tpu.memref_squeeze %get3A_212 : memref<1x64xi32, #tpu.memory_space<vmem>> -> memref<64xi32, #tpu.memory_space<vmem>>
    %get3A_214 = arith.constant 32 : index
    %get3A_215 = tpu.vector_load %get3A_213[%get3A_214] {strides = array<i32>} : memref<64xi32, #tpu.memory_space<vmem>>, vector<16xi32>,
    %get3A_216 = vector.shape_cast %get3A_215 : vector<16xi32> to vector<16xi32>
    %shift_right_arithmetic3A_217 = arith.constant 3 : i32
    %shift_right_arithmetic3A_218 = vector.broadcast %shift_right_arithmetic3A_217 : i32 to vector<16xi32>
    %shift_right_arithmetic3A_219 = arith.shrsi %get3A_216, %shift_right_arithmetic3A_218 : vector<16xi32>
    %swap3A_220 = arith.constant 0 : i32
    %swap3A_221 = arith.constant 0 : i32
    %swap3A_222 = tpu.memref_slice %arg13[%swap3A_220, %swap3A_221] : memref<1x64xi32, #tpu.memory_space<vmem>> -> memref<1x64xi32, #tpu.memory_space<vmem>>
    %swap3A_223 = tpu.memref_squeeze %swap3A_222 : memref<1x64xi32, #tpu.memory_space<vmem>> -> memref<64xi32, #tpu.memory_space<vmem>>
    %swap3A_224 = arith.constant 32 : index
    %swap3A_225 = tpu.vector_load %swap3A_223[%swap3A_224] {strides = array<i32>} : memref<64xi32, #tpu.memory_space<vmem>>, vector<16xi32>,
    %swap3A_226 = vector.shape_cast %swap3A_225 : vector<16xi32> to vector<16xi32>
    %swap3A_227 = vector.shape_cast %shift_right_arithmetic3A_219 : vector<16xi32> to vector<16xi32>
    tpu.vector_store %swap3A_223[%swap3A_224], %swap3A_227 {strides = array<i32>} : memref<64xi32, #tpu.memory_space<vmem>>, vector<16xi32>,
    %get3A_228 = arith.constant 0 : i32
    %get3A_229 = arith.constant 0 : i32
    %get3A_230 = tpu.memref_slice %arg11[%get3A_228, %get3A_229] : memref<1x64xi32, #tpu.memory_space<vmem>> -> memref<1x64xi32, #tpu.memory_space<vmem>>
    %get3A_231 = tpu.memref_squeeze %get3A_230 : memref<1x64xi32, #tpu.memory_space<vmem>> -> memref<64xi32, #tpu.memory_space<vmem>>
    %get3A_232 = arith.constant 48 : index
    %get3A_233 = tpu.vector_load %get3A_231[%get3A_232] {strides = array<i32>} : memref<64xi32, #tpu.memory_space<vmem>>, vector<16xi32>,
    %get3A_234 = vector.shape_cast %get3A_233 : vector<16xi32> to vector<16xi32>
    %shift_right_arithmetic3A_235 = arith.constant 3 : i32
    %shift_right_arithmetic3A_236 = vector.broadcast %shift_right_arithmetic3A_235 : i32 to vector<16xi32>
    %shift_right_arithmetic3A_237 = arith.shrsi %get3A_234, %shift_right_arithmetic3A_236 : vector<16xi32>
    %swap3A_238 = arith.constant 0 : i32
    %swap3A_239 = arith.constant 0 : i32
    %swap3A_240 = tpu.memref_slice %arg13[%swap3A_238, %swap3A_239] : memref<1x64xi32, #tpu.memory_space<vmem>> -> memref<1x64xi32, #tpu.memory_space<vmem>>
    %swap3A_241 = tpu.memref_squeeze %swap3A_240 : memref<1x64xi32, #tpu.memory_space<vmem>> -> memref<64xi32, #tpu.memory_space<vmem>>
    %swap3A_242 = arith.constant 48 : index
    %swap3A_243 = tpu.vector_load %swap3A_241[%swap3A_242] {strides = array<i32>} : memref<64xi32, #tpu.memory_space<vmem>>, vector<16xi32>,
    %swap3A_244 = vector.shape_cast %swap3A_243 : vector<16xi32> to vector<16xi32>
    %swap3A_245 = vector.shape_cast %shift_right_arithmetic3A_237 : vector<16xi32> to vector<16xi32>
    tpu.vector_store %swap3A_241[%swap3A_242], %swap3A_245 {strides = array<i32>} : memref<64xi32, #tpu.memory_space<vmem>>, vector<16xi32>,
    %run_scoped3A_246 = arith.constant 0 : i32
    "tpu.region"() ({
      %run_scoped3A_299 = tpu.sem_alloc : memref<!tpu.dma_semaphore, #tpu.memory_space<semaphore_mem>>
      %dma_start3A_300 = arith.constant 0 : i32
      %dma_start3A_301 = tpu.memref_slice %arg11[%run_scoped3A_246, %dma_start3A_300] : memref<1x64xi32, #tpu.memory_space<vmem>> -> memref<1x64xi32, #tpu.memory_space<vmem>>
      %dma_start3A_302 = tpu.memref_squeeze %dma_start3A_301 : memref<1x64xi32, #tpu.memory_space<vmem>> -> memref<64xi32, #tpu.memory_space<vmem>>
      %dma_start3A_303 = arith.constant 0 : i32
      %dma_start3A_304 = arith.constant 0 : i32
      %dma_start3A_305 = tpu.memref_slice %arg8[%dma_start3A_303, %dma_start3A_304] : memref<10240x128xf32, #tpu.memory_space<vmem_shared>> -> memref<10240x128xf32, #tpu.memory_space<vmem_shared>>
      tpu.enqueue_indirect_dma source(%arg16 : memref<64x128xf32, #tpu.memory_space<vmem>>) target(%dma_start3A_305 : memref<10240x128xf32, #tpu.memory_space<vmem_shared>>) offsets(%dma_start3A_302 : memref<64xi32, #tpu.memory_space<vmem>>) semaphore(%run_scoped3A_299 : memref<!tpu.dma_semaphore, #tpu.memory_space<semaphore_mem>>) {add = true}
      %dma_wait3A_306 = arith.constant 0 : i32
      %dma_wait3A_307 = tpu.memref_slice %arg11[%run_scoped3A_246, %dma_wait3A_306] : memref<1x64xi32, #tpu.memory_space<vmem>> -> memref<1x64xi32, #tpu.memory_space<vmem>>
      %dma_wait3A_308 = tpu.memref_squeeze %dma_wait3A_307 : memref<1x64xi32, #tpu.memory_space<vmem>> -> memref<64xi32, #tpu.memory_space<vmem>>
      %dma_wait3A_309 = arith.constant 0 : i32
      %dma_wait3A_310 = arith.constant 0 : i32
      %dma_wait3A_311 = tpu.memref_slice %arg8[%dma_wait3A_309, %dma_wait3A_310] : memref<10240x128xf32, #tpu.memory_space<vmem_shared>> -> memref<10240x128xf32, #tpu.memory_space<vmem_shared>>
      tpu.wait_indirect_dma semaphore(%run_scoped3A_299 : memref<!tpu.dma_semaphore, #tpu.memory_space<semaphore_mem>>) src(%arg16 : memref<64x128xf32, #tpu.memory_space<vmem>>) dst(%dma_wait3A_311 : memref<10240x128xf32, #tpu.memory_space<vmem_shared>>)
      tpu.yield
    }) : () -> ()
    %run_scoped3A_247 = arith.constant 0 : i32
    "tpu.region"() ({
      %run_scoped3A_299 = tpu.sem_alloc : memref<!tpu.dma_semaphore, #tpu.memory_space<semaphore_mem>>
      %dma_start3A_300 = arith.constant 0 : i32
      %dma_start3A_301 = tpu.memref_slice %arg13[%run_scoped3A_247, %dma_start3A_300] : memref<1x64xi32, #tpu.memory_space<vmem>> -> memref<1x64xi32, #tpu.memory_space<vmem>>
      %dma_start3A_302 = tpu.memref_squeeze %dma_start3A_301 : memref<1x64xi32, #tpu.memory_space<vmem>> -> memref<64xi32, #tpu.memory_space<vmem>>
      %dma_start3A_303 = arith.constant 0 : i32
      %dma_start3A_304 = arith.constant 0 : i32
      %dma_start3A_305 = tpu.memref_slice %arg9[%dma_start3A_303, %dma_start3A_304] : memref<1280x128xf32, #tpu.memory_space<vmem_shared>> -> memref<1280x128xf32, #tpu.memory_space<vmem_shared>>
      tpu.enqueue_indirect_dma source(%arg17 : memref<64x128xf32, #tpu.memory_space<vmem>>) target(%dma_start3A_305 : memref<1280x128xf32, #tpu.memory_space<vmem_shared>>) offsets(%dma_start3A_302 : memref<64xi32, #tpu.memory_space<vmem>>) semaphore(%run_scoped3A_299 : memref<!tpu.dma_semaphore, #tpu.memory_space<semaphore_mem>>) {add = true}
      %dma_wait3A_306 = arith.constant 0 : i32
      %dma_wait3A_307 = tpu.memref_slice %arg13[%run_scoped3A_247, %dma_wait3A_306] : memref<1x64xi32, #tpu.memory_space<vmem>> -> memref<1x64xi32, #tpu.memory_space<vmem>>
      %dma_wait3A_308 = tpu.memref_squeeze %dma_wait3A_307 : memref<1x64xi32, #tpu.memory_space<vmem>> -> memref<64xi32, #tpu.memory_space<vmem>>
      %dma_wait3A_309 = arith.constant 0 : i32
      %dma_wait3A_310 = arith.constant 0 : i32
      %dma_wait3A_311 = tpu.memref_slice %arg9[%dma_wait3A_309, %dma_wait3A_310] : memref<1280x128xf32, #tpu.memory_space<vmem_shared>> -> memref<1280x128xf32, #tpu.memory_space<vmem_shared>>
      tpu.wait_indirect_dma semaphore(%run_scoped3A_299 : memref<!tpu.dma_semaphore, #tpu.memory_space<semaphore_mem>>) src(%arg17 : memref<64x128xf32, #tpu.memory_space<vmem>>) dst(%dma_wait3A_311 : memref<1280x128xf32, #tpu.memory_space<vmem_shared>>)
      tpu.yield
    }) : () -> ()
    %barrier3A_248 = arith.constant 0 : index
    tpu.barrier barrier_id(%barrier3A_248)
    %mul3A_249 = arith.constant 10240 : i32
    %mul3A_250 = arith.muli %arg0, %mul3A_249 : i32
    %add3A_251 = arith.addi %mul3A_250, %mul3A_0 : i32
    %add3A_252 = arith.constant 0 : i32
    %add3A_253 = arith.addi %mul3A_0, %add3A_252 : i32
    "tpu.region"() ({
      %run_scoped3A_299 = tpu.sem_alloc : memref<!tpu.dma_semaphore, #tpu.memory_space<semaphore_mem>>
      %dma_start3A_300 = arith.constant 0 : i32
      %dma_start3A_301 = tpu.memref_slice %arg8[%add3A_253, %dma_start3A_300] : memref<10240x128xf32, #tpu.memory_space<vmem_shared>> -> memref<64x128xf32, #tpu.memory_space<vmem_shared>>
      %dma_start3A_302 = arith.constant 0 : i32
      %dma_start3A_303 = tpu.memref_slice %arg8[%add3A_253, %dma_start3A_302] : memref<10240x128xf32, #tpu.memory_space<vmem_shared>> -> memref<64x128xf32, #tpu.memory_space<vmem_shared>>
      tpu.enqueue_dma source(%dma_start3A_303 : memref<64x128xf32, #tpu.memory_space<vmem_shared>>) target(%arg14 : memref<64x128xf32, #tpu.memory_space<vmem>>) target_semaphore(%run_scoped3A_299 : memref<!tpu.dma_semaphore, #tpu.memory_space<semaphore_mem>>)
      %dma_wait3A_304 = arith.constant 0 : i32
      %dma_wait3A_305 = tpu.memref_slice %arg8[%add3A_253, %dma_wait3A_304] : memref<10240x128xf32, #tpu.memory_space<vmem_shared>> -> memref<64x128xf32, #tpu.memory_space<vmem_shared>>
      %dma_wait3A_306 = arith.constant 0 : i32
      %dma_wait3A_307 = tpu.memref_slice %arg8[%add3A_253, %dma_wait3A_306] : memref<10240x128xf32, #tpu.memory_space<vmem_shared>> -> memref<64x128xf32, #tpu.memory_space<vmem_shared>>
      tpu.wait_dma2 semaphore(%run_scoped3A_299 : memref<!tpu.dma_semaphore, #tpu.memory_space<semaphore_mem>>) src(%dma_wait3A_307 : memref<64x128xf32, #tpu.memory_space<vmem_shared>>) dst(%arg14 : memref<64x128xf32, #tpu.memory_space<vmem>>)
      tpu.yield
    }) : () -> ()
    %add3A_254 = arith.constant 0 : i32
    %add3A_255 = arith.addi %add3A_251, %add3A_254 : i32
    "tpu.region"() ({
      %run_scoped3A_299 = tpu.sem_alloc : memref<!tpu.dma_semaphore, #tpu.memory_space<semaphore_mem>>
      %dma_start3A_300 = arith.constant 0 : i32
      %dma_start3A_301 = tpu.memref_slice %arg6[%add3A_255, %dma_start3A_300] : memref<20480x128xf32, #tpu.memory_space<hbm>> -> memref<64x128xf32, #tpu.memory_space<hbm>>
      %dma_start3A_302 = arith.constant 0 : i32
      %dma_start3A_303 = tpu.memref_slice %arg6[%add3A_255, %dma_start3A_302] : memref<20480x128xf32, #tpu.memory_space<hbm>> -> memref<64x128xf32, #tpu.memory_space<hbm>>
      tpu.enqueue_dma source(%arg14 : memref<64x128xf32, #tpu.memory_space<vmem>>) target(%dma_start3A_303 : memref<64x128xf32, #tpu.memory_space<hbm>>) target_semaphore(%run_scoped3A_299 : memref<!tpu.dma_semaphore, #tpu.memory_space<semaphore_mem>>)
      %dma_wait3A_304 = arith.constant 0 : i32
      %dma_wait3A_305 = tpu.memref_slice %arg6[%add3A_255, %dma_wait3A_304] : memref<20480x128xf32, #tpu.memory_space<hbm>> -> memref<64x128xf32, #tpu.memory_space<hbm>>
      %dma_wait3A_306 = arith.constant 0 : i32
      %dma_wait3A_307 = tpu.memref_slice %arg6[%add3A_255, %dma_wait3A_306] : memref<20480x128xf32, #tpu.memory_space<hbm>> -> memref<64x128xf32, #tpu.memory_space<hbm>>
      tpu.wait_dma2 semaphore(%run_scoped3A_299 : memref<!tpu.dma_semaphore, #tpu.memory_space<semaphore_mem>>) src(%arg14 : memref<64x128xf32, #tpu.memory_space<vmem>>) dst(%dma_wait3A_307 : memref<64x128xf32, #tpu.memory_space<hbm>>)
      tpu.yield
    }) : () -> ()
    %add3A_256 = arith.constant 64 : i32
    %add3A_257 = arith.addi %mul3A_0, %add3A_256 : i32
    "tpu.region"() ({
      %run_scoped3A_299 = tpu.sem_alloc : memref<!tpu.dma_semaphore, #tpu.memory_space<semaphore_mem>>
      %dma_start3A_300 = arith.constant 0 : i32
      %dma_start3A_301 = tpu.memref_slice %arg8[%add3A_257, %dma_start3A_300] : memref<10240x128xf32, #tpu.memory_space<vmem_shared>> -> memref<64x128xf32, #tpu.memory_space<vmem_shared>>
      %dma_start3A_302 = arith.constant 0 : i32
      %dma_start3A_303 = tpu.memref_slice %arg8[%add3A_257, %dma_start3A_302] : memref<10240x128xf32, #tpu.memory_space<vmem_shared>> -> memref<64x128xf32, #tpu.memory_space<vmem_shared>>
      tpu.enqueue_dma source(%dma_start3A_303 : memref<64x128xf32, #tpu.memory_space<vmem_shared>>) target(%arg14 : memref<64x128xf32, #tpu.memory_space<vmem>>) target_semaphore(%run_scoped3A_299 : memref<!tpu.dma_semaphore, #tpu.memory_space<semaphore_mem>>)
      %dma_wait3A_304 = arith.constant 0 : i32
      %dma_wait3A_305 = tpu.memref_slice %arg8[%add3A_257, %dma_wait3A_304] : memref<10240x128xf32, #tpu.memory_space<vmem_shared>> -> memref<64x128xf32, #tpu.memory_space<vmem_shared>>
      %dma_wait3A_306 = arith.constant 0 : i32
      %dma_wait3A_307 = tpu.memref_slice %arg8[%add3A_257, %dma_wait3A_306] : memref<10240x128xf32, #tpu.memory_space<vmem_shared>> -> memref<64x128xf32, #tpu.memory_space<vmem_shared>>
      tpu.wait_dma2 semaphore(%run_scoped3A_299 : memref<!tpu.dma_semaphore, #tpu.memory_space<semaphore_mem>>) src(%dma_wait3A_307 : memref<64x128xf32, #tpu.memory_space<vmem_shared>>) dst(%arg14 : memref<64x128xf32, #tpu.memory_space<vmem>>)
      tpu.yield
    }) : () -> ()
    %add3A_258 = arith.constant 64 : i32
    %add3A_259 = arith.addi %add3A_251, %add3A_258 : i32
    "tpu.region"() ({
      %run_scoped3A_299 = tpu.sem_alloc : memref<!tpu.dma_semaphore, #tpu.memory_space<semaphore_mem>>
      %dma_start3A_300 = arith.constant 0 : i32
      %dma_start3A_301 = tpu.memref_slice %arg6[%add3A_259, %dma_start3A_300] : memref<20480x128xf32, #tpu.memory_space<hbm>> -> memref<64x128xf32, #tpu.memory_space<hbm>>
      %dma_start3A_302 = arith.constant 0 : i32
      %dma_start3A_303 = tpu.memref_slice %arg6[%add3A_259, %dma_start3A_302] : memref<20480x128xf32, #tpu.memory_space<hbm>> -> memref<64x128xf32, #tpu.memory_space<hbm>>
      tpu.enqueue_dma source(%arg14 : memref<64x128xf32, #tpu.memory_space<vmem>>) target(%dma_start3A_303 : memref<64x128xf32, #tpu.memory_space<hbm>>) target_semaphore(%run_scoped3A_299 : memref<!tpu.dma_semaphore, #tpu.memory_space<semaphore_mem>>)
      %dma_wait3A_304 = arith.constant 0 : i32
      %dma_wait3A_305 = tpu.memref_slice %arg6[%add3A_259, %dma_wait3A_304] : memref<20480x128xf32, #tpu.memory_space<hbm>> -> memref<64x128xf32, #tpu.memory_space<hbm>>
      %dma_wait3A_306 = arith.constant 0 : i32
      %dma_wait3A_307 = tpu.memref_slice %arg6[%add3A_259, %dma_wait3A_306] : memref<20480x128xf32, #tpu.memory_space<hbm>> -> memref<64x128xf32, #tpu.memory_space<hbm>>
      tpu.wait_dma2 semaphore(%run_scoped3A_299 : memref<!tpu.dma_semaphore, #tpu.memory_space<semaphore_mem>>) src(%arg14 : memref<64x128xf32, #tpu.memory_space<vmem>>) dst(%dma_wait3A_307 : memref<64x128xf32, #tpu.memory_space<hbm>>)
      tpu.yield
    }) : () -> ()
    %add3A_260 = arith.constant 128 : i32
    %add3A_261 = arith.addi %mul3A_0, %add3A_260 : i32
    "tpu.region"() ({
      %run_scoped3A_299 = tpu.sem_alloc : memref<!tpu.dma_semaphore, #tpu.memory_space<semaphore_mem>>
      %dma_start3A_300 = arith.constant 0 : i32
      %dma_start3A_301 = tpu.memref_slice %arg8[%add3A_261, %dma_start3A_300] : memref<10240x128xf32, #tpu.memory_space<vmem_shared>> -> memref<64x128xf32, #tpu.memory_space<vmem_shared>>
      %dma_start3A_302 = arith.constant 0 : i32
      %dma_start3A_303 = tpu.memref_slice %arg8[%add3A_261, %dma_start3A_302] : memref<10240x128xf32, #tpu.memory_space<vmem_shared>> -> memref<64x128xf32, #tpu.memory_space<vmem_shared>>
      tpu.enqueue_dma source(%dma_start3A_303 : memref<64x128xf32, #tpu.memory_space<vmem_shared>>) target(%arg14 : memref<64x128xf32, #tpu.memory_space<vmem>>) target_semaphore(%run_scoped3A_299 : memref<!tpu.dma_semaphore, #tpu.memory_space<semaphore_mem>>)
      %dma_wait3A_304 = arith.constant 0 : i32
      %dma_wait3A_305 = tpu.memref_slice %arg8[%add3A_261, %dma_wait3A_304] : memref<10240x128xf32, #tpu.memory_space<vmem_shared>> -> memref<64x128xf32, #tpu.memory_space<vmem_shared>>
      %dma_wait3A_306 = arith.constant 0 : i32
      %dma_wait3A_307 = tpu.memref_slice %arg8[%add3A_261, %dma_wait3A_306] : memref<10240x128xf32, #tpu.memory_space<vmem_shared>> -> memref<64x128xf32, #tpu.memory_space<vmem_shared>>
      tpu.wait_dma2 semaphore(%run_scoped3A_299 : memref<!tpu.dma_semaphore, #tpu.memory_space<semaphore_mem>>) src(%dma_wait3A_307 : memref<64x128xf32, #tpu.memory_space<vmem_shared>>) dst(%arg14 : memref<64x128xf32, #tpu.memory_space<vmem>>)
      tpu.yield
    }) : () -> ()
    %add3A_262 = arith.constant 128 : i32
    %add3A_263 = arith.addi %add3A_251, %add3A_262 : i32
    "tpu.region"() ({
      %run_scoped3A_299 = tpu.sem_alloc : memref<!tpu.dma_semaphore, #tpu.memory_space<semaphore_mem>>
      %dma_start3A_300 = arith.constant 0 : i32
      %dma_start3A_301 = tpu.memref_slice %arg6[%add3A_263, %dma_start3A_300] : memref<20480x128xf32, #tpu.memory_space<hbm>> -> memref<64x128xf32, #tpu.memory_space<hbm>>
      %dma_start3A_302 = arith.constant 0 : i32
      %dma_start3A_303 = tpu.memref_slice %arg6[%add3A_263, %dma_start3A_302] : memref<20480x128xf32, #tpu.memory_space<hbm>> -> memref<64x128xf32, #tpu.memory_space<hbm>>
      tpu.enqueue_dma source(%arg14 : memref<64x128xf32, #tpu.memory_space<vmem>>) target(%dma_start3A_303 : memref<64x128xf32, #tpu.memory_space<hbm>>) target_semaphore(%run_scoped3A_299 : memref<!tpu.dma_semaphore, #tpu.memory_space<semaphore_mem>>)
      %dma_wait3A_304 = arith.constant 0 : i32
      %dma_wait3A_305 = tpu.memref_slice %arg6[%add3A_263, %dma_wait3A_304] : memref<20480x128xf32, #tpu.memory_space<hbm>> -> memref<64x128xf32, #tpu.memory_space<hbm>>
      %dma_wait3A_306 = arith.constant 0 : i32
      %dma_wait3A_307 = tpu.memref_slice %arg6[%add3A_263, %dma_wait3A_306] : memref<20480x128xf32, #tpu.memory_space<hbm>> -> memref<64x128xf32, #tpu.memory_space<hbm>>
      tpu.wait_dma2 semaphore(%run_scoped3A_299 : memref<!tpu.dma_semaphore, #tpu.memory_space<semaphore_mem>>) src(%arg14 : memref<64x128xf32, #tpu.memory_space<vmem>>) dst(%dma_wait3A_307 : memref<64x128xf32, #tpu.memory_space<hbm>>)
      tpu.yield
    }) : () -> ()
    %add3A_264 = arith.constant 192 : i32
    %add3A_265 = arith.addi %mul3A_0, %add3A_264 : i32
    "tpu.region"() ({
      %run_scoped3A_299 = tpu.sem_alloc : memref<!tpu.dma_semaphore, #tpu.memory_space<semaphore_mem>>
      %dma_start3A_300 = arith.constant 0 : i32
      %dma_start3A_301 = tpu.memref_slice %arg8[%add3A_265, %dma_start3A_300] : memref<10240x128xf32, #tpu.memory_space<vmem_shared>> -> memref<64x128xf32, #tpu.memory_space<vmem_shared>>
      %dma_start3A_302 = arith.constant 0 : i32
      %dma_start3A_303 = tpu.memref_slice %arg8[%add3A_265, %dma_start3A_302] : memref<10240x128xf32, #tpu.memory_space<vmem_shared>> -> memref<64x128xf32, #tpu.memory_space<vmem_shared>>
      tpu.enqueue_dma source(%dma_start3A_303 : memref<64x128xf32, #tpu.memory_space<vmem_shared>>) target(%arg14 : memref<64x128xf32, #tpu.memory_space<vmem>>) target_semaphore(%run_scoped3A_299 : memref<!tpu.dma_semaphore, #tpu.memory_space<semaphore_mem>>)
      %dma_wait3A_304 = arith.constant 0 : i32
      %dma_wait3A_305 = tpu.memref_slice %arg8[%add3A_265, %dma_wait3A_304] : memref<10240x128xf32, #tpu.memory_space<vmem_shared>> -> memref<64x128xf32, #tpu.memory_space<vmem_shared>>
      %dma_wait3A_306 = arith.constant 0 : i32
      %dma_wait3A_307 = tpu.memref_slice %arg8[%add3A_265, %dma_wait3A_306] : memref<10240x128xf32, #tpu.memory_space<vmem_shared>> -> memref<64x128xf32, #tpu.memory_space<vmem_shared>>
      tpu.wait_dma2 semaphore(%run_scoped3A_299 : memref<!tpu.dma_semaphore, #tpu.memory_space<semaphore_mem>>) src(%dma_wait3A_307 : memref<64x128xf32, #tpu.memory_space<vmem_shared>>) dst(%arg14 : memref<64x128xf32, #tpu.memory_space<vmem>>)
      tpu.yield
    }) : () -> ()
    %add3A_266 = arith.constant 192 : i32
    %add3A_267 = arith.addi %add3A_251, %add3A_266 : i32
    "tpu.region"() ({
      %run_scoped3A_299 = tpu.sem_alloc : memref<!tpu.dma_semaphore, #tpu.memory_space<semaphore_mem>>
      %dma_start3A_300 = arith.constant 0 : i32
      %dma_start3A_301 = tpu.memref_slice %arg6[%add3A_267, %dma_start3A_300] : memref<20480x128xf32, #tpu.memory_space<hbm>> -> memref<64x128xf32, #tpu.memory_space<hbm>>
      %dma_start3A_302 = arith.constant 0 : i32
      %dma_start3A_303 = tpu.memref_slice %arg6[%add3A_267, %dma_start3A_302] : memref<20480x128xf32, #tpu.memory_space<hbm>> -> memref<64x128xf32, #tpu.memory_space<hbm>>
      tpu.enqueue_dma source(%arg14 : memref<64x128xf32, #tpu.memory_space<vmem>>) target(%dma_start3A_303 : memref<64x128xf32, #tpu.memory_space<hbm>>) target_semaphore(%run_scoped3A_299 : memref<!tpu.dma_semaphore, #tpu.memory_space<semaphore_mem>>)
      %dma_wait3A_304 = arith.constant 0 : i32
      %dma_wait3A_305 = tpu.memref_slice %arg6[%add3A_267, %dma_wait3A_304] : memref<20480x128xf32, #tpu.memory_space<hbm>> -> memref<64x128xf32, #tpu.memory_space<hbm>>
      %dma_wait3A_306 = arith.constant 0 : i32
      %dma_wait3A_307 = tpu.memref_slice %arg6[%add3A_267, %dma_wait3A_306] : memref<20480x128xf32, #tpu.memory_space<hbm>> -> memref<64x128xf32, #tpu.memory_space<hbm>>
      tpu.wait_dma2 semaphore(%run_scoped3A_299 : memref<!tpu.dma_semaphore, #tpu.memory_space<semaphore_mem>>) src(%arg14 : memref<64x128xf32, #tpu.memory_space<vmem>>) dst(%dma_wait3A_307 : memref<64x128xf32, #tpu.memory_space<hbm>>)
      tpu.yield
    }) : () -> ()
    %add3A_268 = arith.constant 256 : i32
    %add3A_269 = arith.addi %mul3A_0, %add3A_268 : i32
    "tpu.region"() ({
      %run_scoped3A_299 = tpu.sem_alloc : memref<!tpu.dma_semaphore, #tpu.memory_space<semaphore_mem>>
      %dma_start3A_300 = arith.constant 0 : i32
      %dma_start3A_301 = tpu.memref_slice %arg8[%add3A_269, %dma_start3A_300] : memref<10240x128xf32, #tpu.memory_space<vmem_shared>> -> memref<64x128xf32, #tpu.memory_space<vmem_shared>>
      %dma_start3A_302 = arith.constant 0 : i32
      %dma_start3A_303 = tpu.memref_slice %arg8[%add3A_269, %dma_start3A_302] : memref<10240x128xf32, #tpu.memory_space<vmem_shared>> -> memref<64x128xf32, #tpu.memory_space<vmem_shared>>
      tpu.enqueue_dma source(%dma_start3A_303 : memref<64x128xf32, #tpu.memory_space<vmem_shared>>) target(%arg14 : memref<64x128xf32, #tpu.memory_space<vmem>>) target_semaphore(%run_scoped3A_299 : memref<!tpu.dma_semaphore, #tpu.memory_space<semaphore_mem>>)
      %dma_wait3A_304 = arith.constant 0 : i32
      %dma_wait3A_305 = tpu.memref_slice %arg8[%add3A_269, %dma_wait3A_304] : memref<10240x128xf32, #tpu.memory_space<vmem_shared>> -> memref<64x128xf32, #tpu.memory_space<vmem_shared>>
      %dma_wait3A_306 = arith.constant 0 : i32
      %dma_wait3A_307 = tpu.memref_slice %arg8[%add3A_269, %dma_wait3A_306] : memref<10240x128xf32, #tpu.memory_space<vmem_shared>> -> memref<64x128xf32, #tpu.memory_space<vmem_shared>>
      tpu.wait_dma2 semaphore(%run_scoped3A_299 : memref<!tpu.dma_semaphore, #tpu.memory_space<semaphore_mem>>) src(%dma_wait3A_307 : memref<64x128xf32, #tpu.memory_space<vmem_shared>>) dst(%arg14 : memref<64x128xf32, #tpu.memory_space<vmem>>)
      tpu.yield
    }) : () -> ()
    %add3A_270 = arith.constant 256 : i32
    %add3A_271 = arith.addi %add3A_251, %add3A_270 : i32
    "tpu.region"() ({
      %run_scoped3A_299 = tpu.sem_alloc : memref<!tpu.dma_semaphore, #tpu.memory_space<semaphore_mem>>
      %dma_start3A_300 = arith.constant 0 : i32
      %dma_start3A_301 = tpu.memref_slice %arg6[%add3A_271, %dma_start3A_300] : memref<20480x128xf32, #tpu.memory_space<hbm>> -> memref<64x128xf32, #tpu.memory_space<hbm>>
      %dma_start3A_302 = arith.constant 0 : i32
      %dma_start3A_303 = tpu.memref_slice %arg6[%add3A_271, %dma_start3A_302] : memref<20480x128xf32, #tpu.memory_space<hbm>> -> memref<64x128xf32, #tpu.memory_space<hbm>>
      tpu.enqueue_dma source(%arg14 : memref<64x128xf32, #tpu.memory_space<vmem>>) target(%dma_start3A_303 : memref<64x128xf32, #tpu.memory_space<hbm>>) target_semaphore(%run_scoped3A_299 : memref<!tpu.dma_semaphore, #tpu.memory_space<semaphore_mem>>)
      %dma_wait3A_304 = arith.constant 0 : i32
      %dma_wait3A_305 = tpu.memref_slice %arg6[%add3A_271, %dma_wait3A_304] : memref<20480x128xf32, #tpu.memory_space<hbm>> -> memref<64x128xf32, #tpu.memory_space<hbm>>
      %dma_wait3A_306 = arith.constant 0 : i32
      %dma_wait3A_307 = tpu.memref_slice %arg6[%add3A_271, %dma_wait3A_306] : memref<20480x128xf32, #tpu.memory_space<hbm>> -> memref<64x128xf32, #tpu.memory_space<hbm>>
      tpu.wait_dma2 semaphore(%run_scoped3A_299 : memref<!tpu.dma_semaphore, #tpu.memory_space<semaphore_mem>>) src(%arg14 : memref<64x128xf32, #tpu.memory_space<vmem>>) dst(%dma_wait3A_307 : memref<64x128xf32, #tpu.memory_space<hbm>>)
      tpu.yield
    }) : () -> ()
    %add3A_272 = arith.constant 320 : i32
    %add3A_273 = arith.addi %mul3A_0, %add3A_272 : i32
    "tpu.region"() ({
      %run_scoped3A_299 = tpu.sem_alloc : memref<!tpu.dma_semaphore, #tpu.memory_space<semaphore_mem>>
      %dma_start3A_300 = arith.constant 0 : i32
      %dma_start3A_301 = tpu.memref_slice %arg8[%add3A_273, %dma_start3A_300] : memref<10240x128xf32, #tpu.memory_space<vmem_shared>> -> memref<64x128xf32, #tpu.memory_space<vmem_shared>>
      %dma_start3A_302 = arith.constant 0 : i32
      %dma_start3A_303 = tpu.memref_slice %arg8[%add3A_273, %dma_start3A_302] : memref<10240x128xf32, #tpu.memory_space<vmem_shared>> -> memref<64x128xf32, #tpu.memory_space<vmem_shared>>
      tpu.enqueue_dma source(%dma_start3A_303 : memref<64x128xf32, #tpu.memory_space<vmem_shared>>) target(%arg14 : memref<64x128xf32, #tpu.memory_space<vmem>>) target_semaphore(%run_scoped3A_299 : memref<!tpu.dma_semaphore, #tpu.memory_space<semaphore_mem>>)
      %dma_wait3A_304 = arith.constant 0 : i32
      %dma_wait3A_305 = tpu.memref_slice %arg8[%add3A_273, %dma_wait3A_304] : memref<10240x128xf32, #tpu.memory_space<vmem_shared>> -> memref<64x128xf32, #tpu.memory_space<vmem_shared>>
      %dma_wait3A_306 = arith.constant 0 : i32
      %dma_wait3A_307 = tpu.memref_slice %arg8[%add3A_273, %dma_wait3A_306] : memref<10240x128xf32, #tpu.memory_space<vmem_shared>> -> memref<64x128xf32, #tpu.memory_space<vmem_shared>>
      tpu.wait_dma2 semaphore(%run_scoped3A_299 : memref<!tpu.dma_semaphore, #tpu.memory_space<semaphore_mem>>) src(%dma_wait3A_307 : memref<64x128xf32, #tpu.memory_space<vmem_shared>>) dst(%arg14 : memref<64x128xf32, #tpu.memory_space<vmem>>)
      tpu.yield
    }) : () -> ()
    %add3A_274 = arith.constant 320 : i32
    %add3A_275 = arith.addi %add3A_251, %add3A_274 : i32
    "tpu.region"() ({
      %run_scoped3A_299 = tpu.sem_alloc : memref<!tpu.dma_semaphore, #tpu.memory_space<semaphore_mem>>
      %dma_start3A_300 = arith.constant 0 : i32
      %dma_start3A_301 = tpu.memref_slice %arg6[%add3A_275, %dma_start3A_300] : memref<20480x128xf32, #tpu.memory_space<hbm>> -> memref<64x128xf32, #tpu.memory_space<hbm>>
      %dma_start3A_302 = arith.constant 0 : i32
      %dma_start3A_303 = tpu.memref_slice %arg6[%add3A_275, %dma_start3A_302] : memref<20480x128xf32, #tpu.memory_space<hbm>> -> memref<64x128xf32, #tpu.memory_space<hbm>>
      tpu.enqueue_dma source(%arg14 : memref<64x128xf32, #tpu.memory_space<vmem>>) target(%dma_start3A_303 : memref<64x128xf32, #tpu.memory_space<hbm>>) target_semaphore(%run_scoped3A_299 : memref<!tpu.dma_semaphore, #tpu.memory_space<semaphore_mem>>)
      %dma_wait3A_304 = arith.constant 0 : i32
      %dma_wait3A_305 = tpu.memref_slice %arg6[%add3A_275, %dma_wait3A_304] : memref<20480x128xf32, #tpu.memory_space<hbm>> -> memref<64x128xf32, #tpu.memory_space<hbm>>
      %dma_wait3A_306 = arith.constant 0 : i32
      %dma_wait3A_307 = tpu.memref_slice %arg6[%add3A_275, %dma_wait3A_306] : memref<20480x128xf32, #tpu.memory_space<hbm>> -> memref<64x128xf32, #tpu.memory_space<hbm>>
      tpu.wait_dma2 semaphore(%run_scoped3A_299 : memref<!tpu.dma_semaphore, #tpu.memory_space<semaphore_mem>>) src(%arg14 : memref<64x128xf32, #tpu.memory_space<vmem>>) dst(%dma_wait3A_307 : memref<64x128xf32, #tpu.memory_space<hbm>>)
      tpu.yield
    }) : () -> ()
    %add3A_276 = arith.constant 384 : i32
    %add3A_277 = arith.addi %mul3A_0, %add3A_276 : i32
    "tpu.region"() ({
      %run_scoped3A_299 = tpu.sem_alloc : memref<!tpu.dma_semaphore, #tpu.memory_space<semaphore_mem>>
      %dma_start3A_300 = arith.constant 0 : i32
      %dma_start3A_301 = tpu.memref_slice %arg8[%add3A_277, %dma_start3A_300] : memref<10240x128xf32, #tpu.memory_space<vmem_shared>> -> memref<64x128xf32, #tpu.memory_space<vmem_shared>>
      %dma_start3A_302 = arith.constant 0 : i32
      %dma_start3A_303 = tpu.memref_slice %arg8[%add3A_277, %dma_start3A_302] : memref<10240x128xf32, #tpu.memory_space<vmem_shared>> -> memref<64x128xf32, #tpu.memory_space<vmem_shared>>
      tpu.enqueue_dma source(%dma_start3A_303 : memref<64x128xf32, #tpu.memory_space<vmem_shared>>) target(%arg14 : memref<64x128xf32, #tpu.memory_space<vmem>>) target_semaphore(%run_scoped3A_299 : memref<!tpu.dma_semaphore, #tpu.memory_space<semaphore_mem>>)
      %dma_wait3A_304 = arith.constant 0 : i32
      %dma_wait3A_305 = tpu.memref_slice %arg8[%add3A_277, %dma_wait3A_304] : memref<10240x128xf32, #tpu.memory_space<vmem_shared>> -> memref<64x128xf32, #tpu.memory_space<vmem_shared>>
      %dma_wait3A_306 = arith.constant 0 : i32
      %dma_wait3A_307 = tpu.memref_slice %arg8[%add3A_277, %dma_wait3A_306] : memref<10240x128xf32, #tpu.memory_space<vmem_shared>> -> memref<64x128xf32, #tpu.memory_space<vmem_shared>>
      tpu.wait_dma2 semaphore(%run_scoped3A_299 : memref<!tpu.dma_semaphore, #tpu.memory_space<semaphore_mem>>) src(%dma_wait3A_307 : memref<64x128xf32, #tpu.memory_space<vmem_shared>>) dst(%arg14 : memref<64x128xf32, #tpu.memory_space<vmem>>)
      tpu.yield
    }) : () -> ()
    %add3A_278 = arith.constant 384 : i32
    %add3A_279 = arith.addi %add3A_251, %add3A_278 : i32
    "tpu.region"() ({
      %run_scoped3A_299 = tpu.sem_alloc : memref<!tpu.dma_semaphore, #tpu.memory_space<semaphore_mem>>
      %dma_start3A_300 = arith.constant 0 : i32
      %dma_start3A_301 = tpu.memref_slice %arg6[%add3A_279, %dma_start3A_300] : memref<20480x128xf32, #tpu.memory_space<hbm>> -> memref<64x128xf32, #tpu.memory_space<hbm>>
      %dma_start3A_302 = arith.constant 0 : i32
      %dma_start3A_303 = tpu.memref_slice %arg6[%add3A_279, %dma_start3A_302] : memref<20480x128xf32, #tpu.memory_space<hbm>> -> memref<64x128xf32, #tpu.memory_space<hbm>>
      tpu.enqueue_dma source(%arg14 : memref<64x128xf32, #tpu.memory_space<vmem>>) target(%dma_start3A_303 : memref<64x128xf32, #tpu.memory_space<hbm>>) target_semaphore(%run_scoped3A_299 : memref<!tpu.dma_semaphore, #tpu.memory_space<semaphore_mem>>)
      %dma_wait3A_304 = arith.constant 0 : i32
      %dma_wait3A_305 = tpu.memref_slice %arg6[%add3A_279, %dma_wait3A_304] : memref<20480x128xf32, #tpu.memory_space<hbm>> -> memref<64x128xf32, #tpu.memory_space<hbm>>
      %dma_wait3A_306 = arith.constant 0 : i32
      %dma_wait3A_307 = tpu.memref_slice %arg6[%add3A_279, %dma_wait3A_306] : memref<20480x128xf32, #tpu.memory_space<hbm>> -> memref<64x128xf32, #tpu.memory_space<hbm>>
      tpu.wait_dma2 semaphore(%run_scoped3A_299 : memref<!tpu.dma_semaphore, #tpu.memory_space<semaphore_mem>>) src(%arg14 : memref<64x128xf32, #tpu.memory_space<vmem>>) dst(%dma_wait3A_307 : memref<64x128xf32, #tpu.memory_space<hbm>>)
      tpu.yield
    }) : () -> ()
    %add3A_280 = arith.constant 448 : i32
    %add3A_281 = arith.addi %mul3A_0, %add3A_280 : i32
    "tpu.region"() ({
      %run_scoped3A_299 = tpu.sem_alloc : memref<!tpu.dma_semaphore, #tpu.memory_space<semaphore_mem>>
      %dma_start3A_300 = arith.constant 0 : i32
      %dma_start3A_301 = tpu.memref_slice %arg8[%add3A_281, %dma_start3A_300] : memref<10240x128xf32, #tpu.memory_space<vmem_shared>> -> memref<64x128xf32, #tpu.memory_space<vmem_shared>>
      %dma_start3A_302 = arith.constant 0 : i32
      %dma_start3A_303 = tpu.memref_slice %arg8[%add3A_281, %dma_start3A_302] : memref<10240x128xf32, #tpu.memory_space<vmem_shared>> -> memref<64x128xf32, #tpu.memory_space<vmem_shared>>
      tpu.enqueue_dma source(%dma_start3A_303 : memref<64x128xf32, #tpu.memory_space<vmem_shared>>) target(%arg14 : memref<64x128xf32, #tpu.memory_space<vmem>>) target_semaphore(%run_scoped3A_299 : memref<!tpu.dma_semaphore, #tpu.memory_space<semaphore_mem>>)
      %dma_wait3A_304 = arith.constant 0 : i32
      %dma_wait3A_305 = tpu.memref_slice %arg8[%add3A_281, %dma_wait3A_304] : memref<10240x128xf32, #tpu.memory_space<vmem_shared>> -> memref<64x128xf32, #tpu.memory_space<vmem_shared>>
      %dma_wait3A_306 = arith.constant 0 : i32
      %dma_wait3A_307 = tpu.memref_slice %arg8[%add3A_281, %dma_wait3A_306] : memref<10240x128xf32, #tpu.memory_space<vmem_shared>> -> memref<64x128xf32, #tpu.memory_space<vmem_shared>>
      tpu.wait_dma2 semaphore(%run_scoped3A_299 : memref<!tpu.dma_semaphore, #tpu.memory_space<semaphore_mem>>) src(%dma_wait3A_307 : memref<64x128xf32, #tpu.memory_space<vmem_shared>>) dst(%arg14 : memref<64x128xf32, #tpu.memory_space<vmem>>)
      tpu.yield
    }) : () -> ()
    %add3A_282 = arith.constant 448 : i32
    %add3A_283 = arith.addi %add3A_251, %add3A_282 : i32
    "tpu.region"() ({
      %run_scoped3A_299 = tpu.sem_alloc : memref<!tpu.dma_semaphore, #tpu.memory_space<semaphore_mem>>
      %dma_start3A_300 = arith.constant 0 : i32
      %dma_start3A_301 = tpu.memref_slice %arg6[%add3A_283, %dma_start3A_300] : memref<20480x128xf32, #tpu.memory_space<hbm>> -> memref<64x128xf32, #tpu.memory_space<hbm>>
      %dma_start3A_302 = arith.constant 0 : i32
      %dma_start3A_303 = tpu.memref_slice %arg6[%add3A_283, %dma_start3A_302] : memref<20480x128xf32, #tpu.memory_space<hbm>> -> memref<64x128xf32, #tpu.memory_space<hbm>>
      tpu.enqueue_dma source(%arg14 : memref<64x128xf32, #tpu.memory_space<vmem>>) target(%dma_start3A_303 : memref<64x128xf32, #tpu.memory_space<hbm>>) target_semaphore(%run_scoped3A_299 : memref<!tpu.dma_semaphore, #tpu.memory_space<semaphore_mem>>)
      %dma_wait3A_304 = arith.constant 0 : i32
      %dma_wait3A_305 = tpu.memref_slice %arg6[%add3A_283, %dma_wait3A_304] : memref<20480x128xf32, #tpu.memory_space<hbm>> -> memref<64x128xf32, #tpu.memory_space<hbm>>
      %dma_wait3A_306 = arith.constant 0 : i32
      %dma_wait3A_307 = tpu.memref_slice %arg6[%add3A_283, %dma_wait3A_306] : memref<20480x128xf32, #tpu.memory_space<hbm>> -> memref<64x128xf32, #tpu.memory_space<hbm>>
      tpu.wait_dma2 semaphore(%run_scoped3A_299 : memref<!tpu.dma_semaphore, #tpu.memory_space<semaphore_mem>>) src(%arg14 : memref<64x128xf32, #tpu.memory_space<vmem>>) dst(%dma_wait3A_307 : memref<64x128xf32, #tpu.memory_space<hbm>>)
      tpu.yield
    }) : () -> ()
    %add3A_284 = arith.constant 512 : i32
    %add3A_285 = arith.addi %mul3A_0, %add3A_284 : i32
    "tpu.region"() ({
      %run_scoped3A_299 = tpu.sem_alloc : memref<!tpu.dma_semaphore, #tpu.memory_space<semaphore_mem>>
      %dma_start3A_300 = arith.constant 0 : i32
      %dma_start3A_301 = tpu.memref_slice %arg8[%add3A_285, %dma_start3A_300] : memref<10240x128xf32, #tpu.memory_space<vmem_shared>> -> memref<64x128xf32, #tpu.memory_space<vmem_shared>>
      %dma_start3A_302 = arith.constant 0 : i32
      %dma_start3A_303 = tpu.memref_slice %arg8[%add3A_285, %dma_start3A_302] : memref<10240x128xf32, #tpu.memory_space<vmem_shared>> -> memref<64x128xf32, #tpu.memory_space<vmem_shared>>
      tpu.enqueue_dma source(%dma_start3A_303 : memref<64x128xf32, #tpu.memory_space<vmem_shared>>) target(%arg14 : memref<64x128xf32, #tpu.memory_space<vmem>>) target_semaphore(%run_scoped3A_299 : memref<!tpu.dma_semaphore, #tpu.memory_space<semaphore_mem>>)
      %dma_wait3A_304 = arith.constant 0 : i32
      %dma_wait3A_305 = tpu.memref_slice %arg8[%add3A_285, %dma_wait3A_304] : memref<10240x128xf32, #tpu.memory_space<vmem_shared>> -> memref<64x128xf32, #tpu.memory_space<vmem_shared>>
      %dma_wait3A_306 = arith.constant 0 : i32
      %dma_wait3A_307 = tpu.memref_slice %arg8[%add3A_285, %dma_wait3A_306] : memref<10240x128xf32, #tpu.memory_space<vmem_shared>> -> memref<64x128xf32, #tpu.memory_space<vmem_shared>>
      tpu.wait_dma2 semaphore(%run_scoped3A_299 : memref<!tpu.dma_semaphore, #tpu.memory_space<semaphore_mem>>) src(%dma_wait3A_307 : memref<64x128xf32, #tpu.memory_space<vmem_shared>>) dst(%arg14 : memref<64x128xf32, #tpu.memory_space<vmem>>)
      tpu.yield
    }) : () -> ()
    %add3A_286 = arith.constant 512 : i32
    %add3A_287 = arith.addi %add3A_251, %add3A_286 : i32
    "tpu.region"() ({
      %run_scoped3A_299 = tpu.sem_alloc : memref<!tpu.dma_semaphore, #tpu.memory_space<semaphore_mem>>
      %dma_start3A_300 = arith.constant 0 : i32
      %dma_start3A_301 = tpu.memref_slice %arg6[%add3A_287, %dma_start3A_300] : memref<20480x128xf32, #tpu.memory_space<hbm>> -> memref<64x128xf32, #tpu.memory_space<hbm>>
      %dma_start3A_302 = arith.constant 0 : i32
      %dma_start3A_303 = tpu.memref_slice %arg6[%add3A_287, %dma_start3A_302] : memref<20480x128xf32, #tpu.memory_space<hbm>> -> memref<64x128xf32, #tpu.memory_space<hbm>>
      tpu.enqueue_dma source(%arg14 : memref<64x128xf32, #tpu.memory_space<vmem>>) target(%dma_start3A_303 : memref<64x128xf32, #tpu.memory_space<hbm>>) target_semaphore(%run_scoped3A_299 : memref<!tpu.dma_semaphore, #tpu.memory_space<semaphore_mem>>)
      %dma_wait3A_304 = arith.constant 0 : i32
      %dma_wait3A_305 = tpu.memref_slice %arg6[%add3A_287, %dma_wait3A_304] : memref<20480x128xf32, #tpu.memory_space<hbm>> -> memref<64x128xf32, #tpu.memory_space<hbm>>
      %dma_wait3A_306 = arith.constant 0 : i32
      %dma_wait3A_307 = tpu.memref_slice %arg6[%add3A_287, %dma_wait3A_306] : memref<20480x128xf32, #tpu.memory_space<hbm>> -> memref<64x128xf32, #tpu.memory_space<hbm>>
      tpu.wait_dma2 semaphore(%run_scoped3A_299 : memref<!tpu.dma_semaphore, #tpu.memory_space<semaphore_mem>>) src(%arg14 : memref<64x128xf32, #tpu.memory_space<vmem>>) dst(%dma_wait3A_307 : memref<64x128xf32, #tpu.memory_space<hbm>>)
      tpu.yield
    }) : () -> ()
    %add3A_288 = arith.constant 576 : i32
    %add3A_289 = arith.addi %mul3A_0, %add3A_288 : i32
    "tpu.region"() ({
      %run_scoped3A_299 = tpu.sem_alloc : memref<!tpu.dma_semaphore, #tpu.memory_space<semaphore_mem>>
      %dma_start3A_300 = arith.constant 0 : i32
      %dma_start3A_301 = tpu.memref_slice %arg8[%add3A_289, %dma_start3A_300] : memref<10240x128xf32, #tpu.memory_space<vmem_shared>> -> memref<64x128xf32, #tpu.memory_space<vmem_shared>>
      %dma_start3A_302 = arith.constant 0 : i32
      %dma_start3A_303 = tpu.memref_slice %arg8[%add3A_289, %dma_start3A_302] : memref<10240x128xf32, #tpu.memory_space<vmem_shared>> -> memref<64x128xf32, #tpu.memory_space<vmem_shared>>
      tpu.enqueue_dma source(%dma_start3A_303 : memref<64x128xf32, #tpu.memory_space<vmem_shared>>) target(%arg14 : memref<64x128xf32, #tpu.memory_space<vmem>>) target_semaphore(%run_scoped3A_299 : memref<!tpu.dma_semaphore, #tpu.memory_space<semaphore_mem>>)
      %dma_wait3A_304 = arith.constant 0 : i32
      %dma_wait3A_305 = tpu.memref_slice %arg8[%add3A_289, %dma_wait3A_304] : memref<10240x128xf32, #tpu.memory_space<vmem_shared>> -> memref<64x128xf32, #tpu.memory_space<vmem_shared>>
      %dma_wait3A_306 = arith.constant 0 : i32
      %dma_wait3A_307 = tpu.memref_slice %arg8[%add3A_289, %dma_wait3A_306] : memref<10240x128xf32, #tpu.memory_space<vmem_shared>> -> memref<64x128xf32, #tpu.memory_space<vmem_shared>>
      tpu.wait_dma2 semaphore(%run_scoped3A_299 : memref<!tpu.dma_semaphore, #tpu.memory_space<semaphore_mem>>) src(%dma_wait3A_307 : memref<64x128xf32, #tpu.memory_space<vmem_shared>>) dst(%arg14 : memref<64x128xf32, #tpu.memory_space<vmem>>)
      tpu.yield
    }) : () -> ()
    %add3A_290 = arith.constant 576 : i32
    %add3A_291 = arith.addi %add3A_251, %add3A_290 : i32
    "tpu.region"() ({
      %run_scoped3A_299 = tpu.sem_alloc : memref<!tpu.dma_semaphore, #tpu.memory_space<semaphore_mem>>
      %dma_start3A_300 = arith.constant 0 : i32
      %dma_start3A_301 = tpu.memref_slice %arg6[%add3A_291, %dma_start3A_300] : memref<20480x128xf32, #tpu.memory_space<hbm>> -> memref<64x128xf32, #tpu.memory_space<hbm>>
      %dma_start3A_302 = arith.constant 0 : i32
      %dma_start3A_303 = tpu.memref_slice %arg6[%add3A_291, %dma_start3A_302] : memref<20480x128xf32, #tpu.memory_space<hbm>> -> memref<64x128xf32, #tpu.memory_space<hbm>>
      tpu.enqueue_dma source(%arg14 : memref<64x128xf32, #tpu.memory_space<vmem>>) target(%dma_start3A_303 : memref<64x128xf32, #tpu.memory_space<hbm>>) target_semaphore(%run_scoped3A_299 : memref<!tpu.dma_semaphore, #tpu.memory_space<semaphore_mem>>)
      %dma_wait3A_304 = arith.constant 0 : i32
      %dma_wait3A_305 = tpu.memref_slice %arg6[%add3A_291, %dma_wait3A_304] : memref<20480x128xf32, #tpu.memory_space<hbm>> -> memref<64x128xf32, #tpu.memory_space<hbm>>
      %dma_wait3A_306 = arith.constant 0 : i32
      %dma_wait3A_307 = tpu.memref_slice %arg6[%add3A_291, %dma_wait3A_306] : memref<20480x128xf32, #tpu.memory_space<hbm>> -> memref<64x128xf32, #tpu.memory_space<hbm>>
      tpu.wait_dma2 semaphore(%run_scoped3A_299 : memref<!tpu.dma_semaphore, #tpu.memory_space<semaphore_mem>>) src(%arg14 : memref<64x128xf32, #tpu.memory_space<vmem>>) dst(%dma_wait3A_307 : memref<64x128xf32, #tpu.memory_space<hbm>>)
      tpu.yield
    }) : () -> ()
    %mul3A_292 = arith.constant 1280 : i32
    %mul3A_293 = arith.muli %arg0, %mul3A_292 : i32
    %add3A_294 = arith.addi %mul3A_293, %mul3A_2 : i32
    "tpu.region"() ({
      %run_scoped3A_299 = tpu.sem_alloc : memref<!tpu.dma_semaphore, #tpu.memory_space<semaphore_mem>>
      %dma_start3A_300 = arith.constant 0 : i32
      %dma_start3A_301 = tpu.memref_slice %arg9[%mul3A_2, %dma_start3A_300] : memref<1280x128xf32, #tpu.memory_space<vmem_shared>> -> memref<64x128xf32, #tpu.memory_space<vmem_shared>>
      %dma_start3A_302 = arith.constant 0 : i32
      %dma_start3A_303 = tpu.memref_slice %arg9[%mul3A_2, %dma_start3A_302] : memref<1280x128xf32, #tpu.memory_space<vmem_shared>> -> memref<64x128xf32, #tpu.memory_space<vmem_shared>>
      tpu.enqueue_dma source(%dma_start3A_303 : memref<64x128xf32, #tpu.memory_space<vmem_shared>>) target(%arg15 : memref<64x128xf32, #tpu.memory_space<vmem>>) target_semaphore(%run_scoped3A_299 : memref<!tpu.dma_semaphore, #tpu.memory_space<semaphore_mem>>)
      %dma_wait3A_304 = arith.constant 0 : i32
      %dma_wait3A_305 = tpu.memref_slice %arg9[%mul3A_2, %dma_wait3A_304] : memref<1280x128xf32, #tpu.memory_space<vmem_shared>> -> memref<64x128xf32, #tpu.memory_space<vmem_shared>>
      %dma_wait3A_306 = arith.constant 0 : i32
      %dma_wait3A_307 = tpu.memref_slice %arg9[%mul3A_2, %dma_wait3A_306] : memref<1280x128xf32, #tpu.memory_space<vmem_shared>> -> memref<64x128xf32, #tpu.memory_space<vmem_shared>>
      tpu.wait_dma2 semaphore(%run_scoped3A_299 : memref<!tpu.dma_semaphore, #tpu.memory_space<semaphore_mem>>) src(%dma_wait3A_307 : memref<64x128xf32, #tpu.memory_space<vmem_shared>>) dst(%arg15 : memref<64x128xf32, #tpu.memory_space<vmem>>)
      tpu.yield
    }) : () -> ()
    "tpu.region"() ({
      %run_scoped3A_299 = tpu.sem_alloc : memref<!tpu.dma_semaphore, #tpu.memory_space<semaphore_mem>>
      %dma_start3A_300 = arith.constant 0 : i32
      %dma_start3A_301 = tpu.memref_slice %arg7[%add3A_294, %dma_start3A_300] : memref<2560x128xf32, #tpu.memory_space<hbm>> -> memref<64x128xf32, #tpu.memory_space<hbm>>
      %dma_start3A_302 = arith.constant 0 : i32
      %dma_start3A_303 = tpu.memref_slice %arg7[%add3A_294, %dma_start3A_302] : memref<2560x128xf32, #tpu.memory_space<hbm>> -> memref<64x128xf32, #tpu.memory_space<hbm>>
      tpu.enqueue_dma source(%arg15 : memref<64x128xf32, #tpu.memory_space<vmem>>) target(%dma_start3A_303 : memref<64x128xf32, #tpu.memory_space<hbm>>) target_semaphore(%run_scoped3A_299 : memref<!tpu.dma_semaphore, #tpu.memory_space<semaphore_mem>>)
      %dma_wait3A_304 = arith.constant 0 : i32
      %dma_wait3A_305 = tpu.memref_slice %arg7[%add3A_294, %dma_wait3A_304] : memref<2560x128xf32, #tpu.memory_space<hbm>> -> memref<64x128xf32, #tpu.memory_space<hbm>>
      %dma_wait3A_306 = arith.constant 0 : i32
      %dma_wait3A_307 = tpu.memref_slice %arg7[%add3A_294, %dma_wait3A_306] : memref<2560x128xf32, #tpu.memory_space<hbm>> -> memref<64x128xf32, #tpu.memory_space<hbm>>
      tpu.wait_dma2 semaphore(%run_scoped3A_299 : memref<!tpu.dma_semaphore, #tpu.memory_space<semaphore_mem>>) src(%arg15 : memref<64x128xf32, #tpu.memory_space<vmem>>) dst(%dma_wait3A_307 : memref<64x128xf32, #tpu.memory_space<hbm>>)
      tpu.yield
    }) : () -> ()
    %add3A_295 = arith.constant 64 : i32
    %add3A_296 = arith.addi %mul3A_2, %add3A_295 : i32
    "tpu.region"() ({
      %run_scoped3A_299 = tpu.sem_alloc : memref<!tpu.dma_semaphore, #tpu.memory_space<semaphore_mem>>
      %dma_start3A_300 = arith.constant 0 : i32
      %dma_start3A_301 = arith.constant 0 : i32
      %dma_start3A_302 = tpu.memref_slice %arg15[%dma_start3A_300, %dma_start3A_301] : memref<64x128xf32, #tpu.memory_space<vmem>> -> memref<16x128xf32, #tpu.memory_space<vmem>>
      %dma_start3A_303 = arith.constant 0 : i32
      %dma_start3A_304 = tpu.memref_slice %arg9[%add3A_296, %dma_start3A_303] : memref<1280x128xf32, #tpu.memory_space<vmem_shared>> -> memref<16x128xf32, #tpu.memory_space<vmem_shared>>
      %dma_start3A_305 = arith.constant 0 : i32
      %dma_start3A_306 = arith.constant 0 : i32
      %dma_start3A_307 = tpu.memref_slice %arg15[%dma_start3A_305, %dma_start3A_306] : memref<64x128xf32, #tpu.memory_space<vmem>> -> memref<16x128xf32, #tpu.memory_space<vmem>>
      %dma_start3A_308 = arith.constant 0 : i32
      %dma_start3A_309 = tpu.memref_slice %arg9[%add3A_296, %dma_start3A_308] : memref<1280x128xf32, #tpu.memory_space<vmem_shared>> -> memref<16x128xf32, #tpu.memory_space<vmem_shared>>
      tpu.enqueue_dma source(%dma_start3A_309 : memref<16x128xf32, #tpu.memory_space<vmem_shared>>) target(%dma_start3A_307 : memref<16x128xf32, #tpu.memory_space<vmem>>) target_semaphore(%run_scoped3A_299 : memref<!tpu.dma_semaphore, #tpu.memory_space<semaphore_mem>>)
      %dma_wait3A_310 = arith.constant 0 : i32
      %dma_wait3A_311 = arith.constant 0 : i32
      %dma_wait3A_312 = tpu.memref_slice %arg15[%dma_wait3A_310, %dma_wait3A_311] : memref<64x128xf32, #tpu.memory_space<vmem>> -> memref<16x128xf32, #tpu.memory_space<vmem>>
      %dma_wait3A_313 = arith.constant 0 : i32
      %dma_wait3A_314 = tpu.memref_slice %arg9[%add3A_296, %dma_wait3A_313] : memref<1280x128xf32, #tpu.memory_space<vmem_shared>> -> memref<16x128xf32, #tpu.memory_space<vmem_shared>>
      %dma_wait3A_315 = arith.constant 0 : i32
      %dma_wait3A_316 = arith.constant 0 : i32
      %dma_wait3A_317 = tpu.memref_slice %arg15[%dma_wait3A_315, %dma_wait3A_316] : memref<64x128xf32, #tpu.memory_space<vmem>> -> memref<16x128xf32, #tpu.memory_space<vmem>>
      %dma_wait3A_318 = arith.constant 0 : i32
      %dma_wait3A_319 = tpu.memref_slice %arg9[%add3A_296, %dma_wait3A_318] : memref<1280x128xf32, #tpu.memory_space<vmem_shared>> -> memref<16x128xf32, #tpu.memory_space<vmem_shared>>
      tpu.wait_dma2 semaphore(%run_scoped3A_299 : memref<!tpu.dma_semaphore, #tpu.memory_space<semaphore_mem>>) src(%dma_wait3A_319 : memref<16x128xf32, #tpu.memory_space<vmem_shared>>) dst(%dma_wait3A_317 : memref<16x128xf32, #tpu.memory_space<vmem>>)
      tpu.yield
    }) : () -> ()
    %add3A_297 = arith.constant 64 : i32
    %add3A_298 = arith.addi %add3A_294, %add3A_297 : i32
    "tpu.region"() ({
      %run_scoped3A_299 = tpu.sem_alloc : memref<!tpu.dma_semaphore, #tpu.memory_space<semaphore_mem>>
      %dma_start3A_300 = arith.constant 0 : i32
      %dma_start3A_301 = arith.constant 0 : i32
      %dma_start3A_302 = tpu.memref_slice %arg15[%dma_start3A_300, %dma_start3A_301] : memref<64x128xf32, #tpu.memory_space<vmem>> -> memref<16x128xf32, #tpu.memory_space<vmem>>
      %dma_start3A_303 = arith.constant 0 : i32
      %dma_start3A_304 = tpu.memref_slice %arg7[%add3A_298, %dma_start3A_303] : memref<2560x128xf32, #tpu.memory_space<hbm>> -> memref<16x128xf32, #tpu.memory_space<hbm>>
      %dma_start3A_305 = arith.constant 0 : i32
      %dma_start3A_306 = tpu.memref_slice %arg7[%add3A_298, %dma_start3A_305] : memref<2560x128xf32, #tpu.memory_space<hbm>> -> memref<16x128xf32, #tpu.memory_space<hbm>>
      %dma_start3A_307 = arith.constant 0 : i32
      %dma_start3A_308 = arith.constant 0 : i32
      %dma_start3A_309 = tpu.memref_slice %arg15[%dma_start3A_307, %dma_start3A_308] : memref<64x128xf32, #tpu.memory_space<vmem>> -> memref<16x128xf32, #tpu.memory_space<vmem>>
      tpu.enqueue_dma source(%dma_start3A_309 : memref<16x128xf32, #tpu.memory_space<vmem>>) target(%dma_start3A_306 : memref<16x128xf32, #tpu.memory_space<hbm>>) target_semaphore(%run_scoped3A_299 : memref<!tpu.dma_semaphore, #tpu.memory_space<semaphore_mem>>)
      %dma_wait3A_310 = arith.constant 0 : i32
      %dma_wait3A_311 = arith.constant 0 : i32
      %dma_wait3A_312 = tpu.memref_slice %arg15[%dma_wait3A_310, %dma_wait3A_311] : memref<64x128xf32, #tpu.memory_space<vmem>> -> memref<16x128xf32, #tpu.memory_space<vmem>>
      %dma_wait3A_313 = arith.constant 0 : i32
      %dma_wait3A_314 = tpu.memref_slice %arg7[%add3A_298, %dma_wait3A_313] : memref<2560x128xf32, #tpu.memory_space<hbm>> -> memref<16x128xf32, #tpu.memory_space<hbm>>
      %dma_wait3A_315 = arith.constant 0 : i32
      %dma_wait3A_316 = tpu.memref_slice %arg7[%add3A_298, %dma_wait3A_315] : memref<2560x128xf32, #tpu.memory_space<hbm>> -> memref<16x128xf32, #tpu.memory_space<hbm>>
      %dma_wait3A_317 = arith.constant 0 : i32
      %dma_wait3A_318 = arith.constant 0 : i32
      %dma_wait3A_319 = tpu.memref_slice %arg15[%dma_wait3A_317, %dma_wait3A_318] : memref<64x128xf32, #tpu.memory_space<vmem>> -> memref<16x128xf32, #tpu.memory_space<vmem>>
      tpu.wait_dma2 semaphore(%run_scoped3A_299 : memref<!tpu.dma_semaphore, #tpu.memory_space<semaphore_mem>>) src(%dma_wait3A_319 : memref<16x128xf32, #tpu.memory_space<vmem>>) dst(%dma_wait3A_316 : memref<16x128xf32, #tpu.memory_space<hbm>>)
      tpu.yield
    }) : () -> ()
    return
  }
}

module attributes {stable_mosaic.version = 14 : i64} {
  func.func @_node_proj_body(%arg0: i32, %arg1: memref<1000x128xf32, #tpu.memory_space<vmem>>, %arg2: memref<1000x16xf32, #tpu.memory_space<vmem>>, %arg3: memref<128x128xf32, #tpu.memory_space<vmem>>, %arg4: memref<1x128xf32, #tpu.memory_space<vmem>>, %arg5: memref<128x128xf32, #tpu.memory_space<vmem>>, %arg6: memref<16x64xf32, #tpu.memory_space<vmem>>, %arg7: memref<16x64xf32, #tpu.memory_space<vmem>>, %arg8: memref<1000x128xi32, #tpu.memory_space<vmem>>, %arg9: memref<1000x128xi32, #tpu.memory_space<vmem>>) attributes {dimension_semantics = [#tpu.dimension_semantics<arbitrary>], iteration_bounds = array<i64: 10>, scalar_prefetch = 0 : i64, scratch_operands = 0 : i64, tpu.core_type = #tpu.core_type<tc>, window_params = [{transform_indices = @transform_0, window_bounds = array<i64: 1000, 128>}, {transform_indices = @transform_1, window_bounds = array<i64: 1000, 16>}, {pipeline_mode = #tpu.pipeline_mode<synchronous>, transform_indices = @transform_2, window_bounds = array<i64: 128, 128>}, {pipeline_mode = #tpu.pipeline_mode<synchronous>, transform_indices = @transform_3, window_bounds = array<i64: 1, 128>}, {pipeline_mode = #tpu.pipeline_mode<synchronous>, transform_indices = @transform_4, window_bounds = array<i64: 128, 128>}, {pipeline_mode = #tpu.pipeline_mode<synchronous>, transform_indices = @transform_5, window_bounds = array<i64: 16, 64>}, {pipeline_mode = #tpu.pipeline_mode<synchronous>, transform_indices = @transform_6, window_bounds = array<i64: 16, 64>}, {transform_indices = @transform_7, window_bounds = array<i64: 1000, 128>}, {transform_indices = @transform_8, window_bounds = array<i64: 1000, 128>}]} {
    %get3A = arith.constant 0 : index
    %get3A_0 = arith.constant 0 : index
    %get3A_1 = vector.load %arg1[%get3A, %get3A_0] : memref<1000x128xf32, #tpu.memory_space<vmem>>, vector<1000x128xf32>
    %get3A_2 = arith.constant 0 : index
    %get3A_3 = arith.constant 0 : index
    %get3A_4 = vector.load %arg2[%get3A_2, %get3A_3] : memref<1000x16xf32, #tpu.memory_space<vmem>>, vector<1000x16xf32>
    %get3A_5 = arith.constant 0 : index
    %get3A_6 = arith.constant 0 : index
    %get3A_7 = vector.load %arg3[%get3A_5, %get3A_6] : memref<128x128xf32, #tpu.memory_space<vmem>>, vector<128x128xf32>
    %dot_general3A = arith.constant dense<0.000000e+00> : vector<1000x128xf32>
    %dot_general3A_8 = tpu.matmul %get3A_1, %get3A_7, %dot_general3A {dimension_numbers = #tpu.dot_dimension_numbers<[1], [0], [0], [1], [0, 0, 1, 1], [], []>, transpose_lhs_hint = false} : vector<1000x128xf32>, vector<128x128xf32>, vector<1000x128xf32> -> vector<1000x128xf32>
    %get3A_9 = arith.constant 0 : index
    %get3A_10 = arith.constant 0 : index
    %get3A_11 = vector.load %arg4[%get3A_9, %get3A_10] : memref<1x128xf32, #tpu.memory_space<vmem>>, vector<1x128xf32>
    %add3A = vector.broadcast %get3A_11 : vector<1x128xf32> to vector<1000x128xf32>
    %add3A_12 = arith.addf %dot_general3A_8, %add3A : vector<1000x128xf32>
    %get3A_13 = arith.constant 0 : index
    %get3A_14 = arith.constant 0 : index
    %get3A_15 = vector.load %arg5[%get3A_13, %get3A_14] : memref<128x128xf32, #tpu.memory_space<vmem>>, vector<128x128xf32>
    %dot_general3A_16 = arith.constant dense<0.000000e+00> : vector<1000x128xf32>
    %dot_general3A_17 = tpu.matmul %get3A_1, %get3A_15, %dot_general3A_16 {dimension_numbers = #tpu.dot_dimension_numbers<[1], [0], [0], [1], [0, 0, 1, 1], [], []>, transpose_lhs_hint = false} : vector<1000x128xf32>, vector<128x128xf32>, vector<1000x128xf32> -> vector<1000x128xf32>
    %get3A_18 = arith.constant 0 : index
    %get3A_19 = arith.constant 0 : index
    %get3A_20 = vector.load %arg6[%get3A_18, %get3A_19] : memref<16x64xf32, #tpu.memory_space<vmem>>, vector<16x64xf32>
    %dot_general3A_21 = arith.constant dense<0.000000e+00> : vector<1000x64xf32>
    %dot_general3A_22 = tpu.matmul %get3A_4, %get3A_20, %dot_general3A_21 {dimension_numbers = #tpu.dot_dimension_numbers<[1], [0], [0], [1], [0, 0, 1, 1], [], []>, transpose_lhs_hint = false} : vector<1000x16xf32>, vector<16x64xf32>, vector<1000x64xf32> -> vector<1000x64xf32>
    %get3A_23 = arith.constant 0 : index
    %get3A_24 = arith.constant 0 : index
    %get3A_25 = vector.load %arg7[%get3A_23, %get3A_24] : memref<16x64xf32, #tpu.memory_space<vmem>>, vector<16x64xf32>
    %dot_general3A_26 = arith.constant dense<0.000000e+00> : vector<1000x64xf32>
    %dot_general3A_27 = tpu.matmul %get3A_4, %get3A_25, %dot_general3A_26 {dimension_numbers = #tpu.dot_dimension_numbers<[1], [0], [0], [1], [0, 0, 1, 1], [], []>, transpose_lhs_hint = false} : vector<1000x16xf32>, vector<16x64xf32>, vector<1000x64xf32> -> vector<1000x64xf32>
    %concatenate3A = tpu.concatenate %dot_general3A_22, %dot_general3A_27 in 1 : vector<1000x64xf32>, vector<1000x64xf32> -> vector<1000x128xf32>
    %convert_element_type3A = arith.truncf %add3A_12 : vector<1000x128xf32> to vector<1000x128xbf16>
    %bitcast_convert_type3A = tpu.bitcast %convert_element_type3A : vector<1000x128xbf16> -> vector<1000x128xi16>
    %convert_element_type3A_28 = arith.truncf %concatenate3A : vector<1000x128xf32> to vector<1000x128xbf16>
    %bitcast_convert_type3A_29 = tpu.bitcast %convert_element_type3A_28 : vector<1000x128xbf16> -> vector<1000x128xi16>
    %convert_element_type3A_30 = arith.extui %bitcast_convert_type3A : vector<1000x128xi16> to vector<1000x128xi32>
    %convert_element_type3A_31 = arith.extui %bitcast_convert_type3A_29 : vector<1000x128xi16> to vector<1000x128xi32>
    %shift_left3A = arith.constant 16 : i32
    %shift_left3A_32 = vector.broadcast %shift_left3A : i32 to vector<1000x128xi32>
    %shift_left3A_33 = arith.shli %convert_element_type3A_31, %shift_left3A_32 : vector<1000x128xi32>
    %or3A = arith.ori %convert_element_type3A_30, %shift_left3A_33 : vector<1000x128xi32>
    %bitcast_convert_type3A_34 = tpu.bitcast %or3A : vector<1000x128xi32> -> vector<1000x128xi32>
    %swap3A = arith.constant 0 : index
    %swap3A_35 = arith.constant 0 : index
    %swap3A_36 = vector.load %arg8[%swap3A, %swap3A_35] : memref<1000x128xi32, #tpu.memory_space<vmem>>, vector<1000x128xi32>
    tpu.vector_store %arg8[%swap3A, %swap3A_35], %bitcast_convert_type3A_34 {strides = array<i32>} : memref<1000x128xi32, #tpu.memory_space<vmem>>, vector<1000x128xi32>,
    %convert_element_type3A_37 = arith.truncf %dot_general3A_17 : vector<1000x128xf32> to vector<1000x128xbf16>
    %bitcast_convert_type3A_38 = tpu.bitcast %convert_element_type3A_37 : vector<1000x128xbf16> -> vector<1000x128xi16>
    %convert_element_type3A_39 = arith.truncf %concatenate3A : vector<1000x128xf32> to vector<1000x128xbf16>
    %bitcast_convert_type3A_40 = tpu.bitcast %convert_element_type3A_39 : vector<1000x128xbf16> -> vector<1000x128xi16>
    %convert_element_type3A_41 = arith.extui %bitcast_convert_type3A_38 : vector<1000x128xi16> to vector<1000x128xi32>
    %convert_element_type3A_42 = arith.extui %bitcast_convert_type3A_40 : vector<1000x128xi16> to vector<1000x128xi32>
    %shift_left3A_43 = arith.constant 16 : i32
    %shift_left3A_44 = vector.broadcast %shift_left3A_43 : i32 to vector<1000x128xi32>
    %shift_left3A_45 = arith.shli %convert_element_type3A_42, %shift_left3A_44 : vector<1000x128xi32>
    %or3A_46 = arith.ori %convert_element_type3A_41, %shift_left3A_45 : vector<1000x128xi32>
    %bitcast_convert_type3A_47 = tpu.bitcast %or3A_46 : vector<1000x128xi32> -> vector<1000x128xi32>
    %swap3A_48 = arith.constant 0 : index
    %swap3A_49 = arith.constant 0 : index
    %swap3A_50 = vector.load %arg9[%swap3A_48, %swap3A_49] : memref<1000x128xi32, #tpu.memory_space<vmem>>, vector<1000x128xi32>
    tpu.vector_store %arg9[%swap3A_48, %swap3A_49], %bitcast_convert_type3A_47 {strides = array<i32>} : memref<1000x128xi32, #tpu.memory_space<vmem>>, vector<1000x128xi32>,
    return
  }
  func.func @transform_0(%arg0: i32) -> (i32, i32) {
    %c0_i32 = arith.constant 0 : i32
    %c0_i32_0 = arith.constant 0 : i32
    return %arg0, %c0_i32 : i32, i32
  }
  func.func @transform_1(%arg0: i32) -> (i32, i32) {
    %c0_i32 = arith.constant 0 : i32
    %c0_i32_0 = arith.constant 0 : i32
    return %arg0, %c0_i32 : i32, i32
  }
  func.func @transform_2(%arg0: i32) -> (i32, i32) {
    %c0_i32 = arith.constant 0 : i32
    %c0_i32_0 = arith.constant 0 : i32
    %c0_i32_1 = arith.constant 0 : i32
    return %c0_i32, %c0_i32_0 : i32, i32
  }
  func.func @transform_3(%arg0: i32) -> (i32, i32) {
    %c0_i32 = arith.constant 0 : i32
    %c0_i32_0 = arith.constant 0 : i32
    %c0_i32_1 = arith.constant 0 : i32
    return %c0_i32, %c0_i32_0 : i32, i32
  }
  func.func @transform_4(%arg0: i32) -> (i32, i32) {
    %c0_i32 = arith.constant 0 : i32
    %c0_i32_0 = arith.constant 0 : i32
    %c0_i32_1 = arith.constant 0 : i32
    return %c0_i32, %c0_i32_0 : i32, i32
  }
  func.func @transform_5(%arg0: i32) -> (i32, i32) {
    %c0_i32 = arith.constant 0 : i32
    %c0_i32_0 = arith.constant 0 : i32
    %c0_i32_1 = arith.constant 0 : i32
    return %c0_i32, %c0_i32_0 : i32, i32
  }
  func.func @transform_6(%arg0: i32) -> (i32, i32) {
    %c0_i32 = arith.constant 0 : i32
    %c0_i32_0 = arith.constant 0 : i32
    %c0_i32_1 = arith.constant 0 : i32
    return %c0_i32, %c0_i32_0 : i32, i32
  }
  func.func @transform_7(%arg0: i32) -> (i32, i32) {
    %c0_i32 = arith.constant 0 : i32
    %c0_i32_0 = arith.constant 0 : i32
    return %arg0, %c0_i32 : i32, i32
  }
  func.func @transform_8(%arg0: i32) -> (i32, i32) {
    %c0_i32 = arith.constant 0 : i32
    %c0_i32_0 = arith.constant 0 : i32
    return %arg0, %c0_i32 : i32, i32
  }
}

module attributes {stable_mosaic.version = 14 : i64} {
  func.func @_edge_body(%arg0: i32, %arg1: memref<2048x128xi32, #tpu.memory_space<vmem>>, %arg2: memref<2048x128xi32, #tpu.memory_space<vmem>>, %arg3: memref<2048x16xf32, #tpu.memory_space<vmem>>, %arg4: memref<2048x16xf32, #tpu.memory_space<vmem>>, %arg5: memref<2048x16xf32, #tpu.memory_space<vmem>>, %arg6: memref<16x64xf32, #tpu.memory_space<vmem>>, %arg7: memref<1x64xf32, #tpu.memory_space<vmem>>, %arg8: memref<64x64xf32, #tpu.memory_space<vmem>>, %arg9: memref<1x64xf32, #tpu.memory_space<vmem>>, %arg10: memref<64x128xf32, #tpu.memory_space<vmem>>, %arg11: memref<1x128xf32, #tpu.memory_space<vmem>>, %arg12: memref<16x128xf32, #tpu.memory_space<vmem>>, %arg13: memref<128x128xf32, #tpu.memory_space<vmem>>, %arg14: memref<128x128xf32, #tpu.memory_space<vmem>>, %arg15: memref<16x128xf32, #tpu.memory_space<vmem>>, %arg16: memref<128x128xf32, #tpu.memory_space<vmem>>, %arg17: memref<128x16xf32, #tpu.memory_space<vmem>>, %arg18: memref<16x128xf32, #tpu.memory_space<vmem>>, %arg19: memref<16x128xf32, #tpu.memory_space<vmem>>, %arg20: memref<2048x128xf32, #tpu.memory_space<vmem>>, %arg21: memref<2048x128xf32, #tpu.memory_space<vmem>>) attributes {dimension_semantics = [#tpu.dimension_semantics<arbitrary>], iteration_bounds = array<i64: 80>, scalar_prefetch = 0 : i64, scratch_operands = 0 : i64, tpu.core_type = #tpu.core_type<tc>, window_params = [{transform_indices = @transform_0, window_bounds = array<i64: 2048, 128>}, {transform_indices = @transform_1, window_bounds = array<i64: 2048, 128>}, {transform_indices = @transform_2, window_bounds = array<i64: 2048, 16>}, {transform_indices = @transform_3, window_bounds = array<i64: 2048, 16>}, {transform_indices = @transform_4, window_bounds = array<i64: 2048, 16>}, {pipeline_mode = #tpu.pipeline_mode<synchronous>, transform_indices = @transform_5, window_bounds = array<i64: 16, 64>}, {pipeline_mode = #tpu.pipeline_mode<synchronous>, transform_indices = @transform_6, window_bounds = array<i64: 1, 64>}, {pipeline_mode = #tpu.pipeline_mode<synchronous>, transform_indices = @transform_7, window_bounds = array<i64: 64, 64>}, {pipeline_mode = #tpu.pipeline_mode<synchronous>, transform_indices = @transform_8, window_bounds = array<i64: 1, 64>}, {pipeline_mode = #tpu.pipeline_mode<synchronous>, transform_indices = @transform_9, window_bounds = array<i64: 64, 128>}, {pipeline_mode = #tpu.pipeline_mode<synchronous>, transform_indices = @transform_10, window_bounds = array<i64: 1, 128>}, {pipeline_mode = #tpu.pipeline_mode<synchronous>, transform_indices = @transform_11, window_bounds = array<i64: 16, 128>}, {pipeline_mode = #tpu.pipeline_mode<synchronous>, transform_indices = @transform_12, window_bounds = array<i64: 128, 128>}, {pipeline_mode = #tpu.pipeline_mode<synchronous>, transform_indices = @transform_13, window_bounds = array<i64: 128, 128>}, {pipeline_mode = #tpu.pipeline_mode<synchronous>, transform_indices = @transform_14, window_bounds = array<i64: 16, 128>}, {pipeline_mode = #tpu.pipeline_mode<synchronous>, transform_indices = @transform_15, window_bounds = array<i64: 128, 128>}, {pipeline_mode = #tpu.pipeline_mode<synchronous>, transform_indices = @transform_16, window_bounds = array<i64: 128, 16>}, {pipeline_mode = #tpu.pipeline_mode<synchronous>, transform_indices = @transform_17, window_bounds = array<i64: 16, 128>}, {pipeline_mode = #tpu.pipeline_mode<synchronous>, transform_indices = @transform_18, window_bounds = array<i64: 16, 128>}, {transform_indices = @transform_19, window_bounds = array<i64: 2048, 128>}, {transform_indices = @transform_20, window_bounds = array<i64: 2048, 128>}]} {
    %get3A = arith.constant 0 : index
    %get3A_0 = arith.constant 0 : index
    %get3A_1 = vector.load %arg1[%get3A, %get3A_0] : memref<2048x128xi32, #tpu.memory_space<vmem>>, vector<2048x128xi32>
    %bitcast_convert_type3A = tpu.bitcast %get3A_1 : vector<2048x128xi32> -> vector<2048x128xi32>
    %get3A_2 = arith.constant 0 : index
    %get3A_3 = arith.constant 0 : index
    %get3A_4 = vector.load %arg2[%get3A_2, %get3A_3] : memref<2048x128xi32, #tpu.memory_space<vmem>>, vector<2048x128xi32>
    %bitcast_convert_type3A_5 = tpu.bitcast %get3A_4 : vector<2048x128xi32> -> vector<2048x128xi32>
    %shift_left3A = arith.constant 16 : i32
    %shift_left3A_6 = vector.broadcast %shift_left3A : i32 to vector<2048x128xi32>
    %shift_left3A_7 = arith.shli %bitcast_convert_type3A, %shift_left3A_6 : vector<2048x128xi32>
    %bitcast_convert_type3A_8 = tpu.bitcast %shift_left3A_7 : vector<2048x128xi32> -> vector<2048x128xf32>
    %shift_left3A_9 = arith.constant 16 : i32
    %shift_left3A_10 = vector.broadcast %shift_left3A_9 : i32 to vector<2048x128xi32>
    %shift_left3A_11 = arith.shli %bitcast_convert_type3A_5, %shift_left3A_10 : vector<2048x128xi32>
    %bitcast_convert_type3A_12 = tpu.bitcast %shift_left3A_11 : vector<2048x128xi32> -> vector<2048x128xf32>
    %and3A = arith.constant -65536 : i32
    %and3A_13 = vector.broadcast %and3A : i32 to vector<2048x128xi32>
    %and3A_14 = arith.andi %bitcast_convert_type3A, %and3A_13 : vector<2048x128xi32>
    %bitcast_convert_type3A_15 = tpu.bitcast %and3A_14 : vector<2048x128xi32> -> vector<2048x128xf32>
    %and3A_16 = arith.constant -65536 : i32
    %and3A_17 = vector.broadcast %and3A_16 : i32 to vector<2048x128xi32>
    %and3A_18 = arith.andi %bitcast_convert_type3A_5, %and3A_17 : vector<2048x128xi32>
    %bitcast_convert_type3A_19 = tpu.bitcast %and3A_18 : vector<2048x128xi32> -> vector<2048x128xf32>
    %add3A = arith.addf %bitcast_convert_type3A_8, %bitcast_convert_type3A_12 : vector<2048x128xf32>
    %get3A_20 = arith.constant 0 : index
    %get3A_21 = arith.constant 0 : index
    %get3A_22 = vector.load %arg3[%get3A_20, %get3A_21] : memref<2048x16xf32, #tpu.memory_space<vmem>>, vector<2048x16xf32>
    %get3A_23 = arith.constant 0 : index
    %get3A_24 = arith.constant 0 : index
    %get3A_25 = vector.load %arg6[%get3A_23, %get3A_24] : memref<16x64xf32, #tpu.memory_space<vmem>>, vector<16x64xf32>
    %dot_general3A = arith.constant dense<0.000000e+00> : vector<2048x64xf32>
    %dot_general3A_26 = tpu.matmul %get3A_22, %get3A_25, %dot_general3A {dimension_numbers = #tpu.dot_dimension_numbers<[1], [0], [0], [1], [0, 0, 1, 1], [], []>, transpose_lhs_hint = false} : vector<2048x16xf32>, vector<16x64xf32>, vector<2048x64xf32> -> vector<2048x64xf32>
    %slice3A = vector.extract_strided_slice %bitcast_convert_type3A_15 {offsets = [0, 0], sizes = [2048, 64], strides = [1, 1]} : vector<2048x128xf32> to vector<2048x64xf32>
    %add3A_27 = arith.addf %dot_general3A_26, %slice3A : vector<2048x64xf32>
    %slice3A_28 = vector.extract_strided_slice %bitcast_convert_type3A_19 {offsets = [0, 64], sizes = [2048, 64], strides = [1, 1]} : vector<2048x128xf32> to vector<2048x64xf32>
    %add3A_29 = arith.addf %add3A_27, %slice3A_28 : vector<2048x64xf32>
    %get3A_30 = arith.constant 0 : index
    %get3A_31 = arith.constant 0 : index
    %get3A_32 = vector.load %arg7[%get3A_30, %get3A_31] : memref<1x64xf32, #tpu.memory_space<vmem>>, vector<1x64xf32>
    %add3A_33 = vector.broadcast %get3A_32 : vector<1x64xf32> to vector<2048x64xf32>
    %add3A_34 = arith.addf %add3A_29, %add3A_33 : vector<2048x64xf32>
    %logistic3A = arith.negf %add3A_34 : vector<2048x64xf32>
    %logistic3A_35 = math.exp %logistic3A : vector<2048x64xf32>
    %logistic3A_36 = arith.constant 1.000000e+00 : f32
    %logistic3A_37 = vector.broadcast %logistic3A_36 : f32 to vector<2048x64xf32>
    %logistic3A_38 = arith.addf %logistic3A_37, %logistic3A_35 : vector<2048x64xf32>
    %logistic3A_39 = arith.divf %logistic3A_37, %logistic3A_38 : vector<2048x64xf32>
    %mul3A = arith.mulf %add3A_34, %logistic3A_39 : vector<2048x64xf32>
    %get3A_40 = arith.constant 0 : index
    %get3A_41 = arith.constant 0 : index
    %get3A_42 = vector.load %arg8[%get3A_40, %get3A_41] : memref<64x64xf32, #tpu.memory_space<vmem>>, vector<64x64xf32>
    %dot_general3A_43 = arith.constant dense<0.000000e+00> : vector<2048x64xf32>
    %dot_general3A_44 = tpu.matmul %mul3A, %get3A_42, %dot_general3A_43 {dimension_numbers = #tpu.dot_dimension_numbers<[1], [0], [0], [1], [0, 0, 1, 1], [], []>, transpose_lhs_hint = false} : vector<2048x64xf32>, vector<64x64xf32>, vector<2048x64xf32> -> vector<2048x64xf32>
    %get3A_45 = arith.constant 0 : index
    %get3A_46 = arith.constant 0 : index
    %get3A_47 = vector.load %arg9[%get3A_45, %get3A_46] : memref<1x64xf32, #tpu.memory_space<vmem>>, vector<1x64xf32>
    %add3A_48 = vector.broadcast %get3A_47 : vector<1x64xf32> to vector<2048x64xf32>
    %add3A_49 = arith.addf %dot_general3A_44, %add3A_48 : vector<2048x64xf32>
    %logistic3A_50 = arith.negf %add3A_49 : vector<2048x64xf32>
    %logistic3A_51 = math.exp %logistic3A_50 : vector<2048x64xf32>
    %logistic3A_52 = arith.constant 1.000000e+00 : f32
    %logistic3A_53 = vector.broadcast %logistic3A_52 : f32 to vector<2048x64xf32>
    %logistic3A_54 = arith.addf %logistic3A_53, %logistic3A_51 : vector<2048x64xf32>
    %logistic3A_55 = arith.divf %logistic3A_53, %logistic3A_54 : vector<2048x64xf32>
    %mul3A_56 = arith.mulf %add3A_49, %logistic3A_55 : vector<2048x64xf32>
    %get3A_57 = arith.constant 0 : index
    %get3A_58 = arith.constant 0 : index
    %get3A_59 = vector.load %arg10[%get3A_57, %get3A_58] : memref<64x128xf32, #tpu.memory_space<vmem>>, vector<64x128xf32>
    %dot_general3A_60 = arith.constant dense<0.000000e+00> : vector<2048x128xf32>
    %dot_general3A_61 = tpu.matmul %mul3A_56, %get3A_59, %dot_general3A_60 {dimension_numbers = #tpu.dot_dimension_numbers<[1], [0], [0], [1], [0, 0, 1, 1], [], []>, transpose_lhs_hint = false} : vector<2048x64xf32>, vector<64x128xf32>, vector<2048x128xf32> -> vector<2048x128xf32>
    %get3A_62 = arith.constant 0 : index
    %get3A_63 = arith.constant 0 : index
    %get3A_64 = vector.load %arg11[%get3A_62, %get3A_63] : memref<1x128xf32, #tpu.memory_space<vmem>>, vector<1x128xf32>
    %add3A_65 = vector.broadcast %get3A_64 : vector<1x128xf32> to vector<2048x128xf32>
    %add3A_66 = arith.addf %dot_general3A_61, %add3A_65 : vector<2048x128xf32>
    %get3A_67 = arith.constant 0 : index
    %get3A_68 = arith.constant 0 : index
    %get3A_69 = vector.load %arg4[%get3A_67, %get3A_68] : memref<2048x16xf32, #tpu.memory_space<vmem>>, vector<2048x16xf32>
    %get3A_70 = arith.constant 0 : index
    %get3A_71 = arith.constant 0 : index
    %get3A_72 = vector.load %arg12[%get3A_70, %get3A_71] : memref<16x128xf32, #tpu.memory_space<vmem>>, vector<16x128xf32>
    %dot_general3A_73 = arith.constant dense<0.000000e+00> : vector<2048x128xf32>
    %dot_general3A_74 = tpu.matmul %get3A_69, %get3A_72, %dot_general3A_73 {dimension_numbers = #tpu.dot_dimension_numbers<[1], [0], [0], [1], [0, 0, 1, 1], [], []>, transpose_lhs_hint = false} : vector<2048x16xf32>, vector<16x128xf32>, vector<2048x128xf32> -> vector<2048x128xf32>
    %mul3A_75 = arith.mulf %add3A, %add3A_66 : vector<2048x128xf32>
    %mul3A_76 = arith.mulf %mul3A_75, %dot_general3A_74 : vector<2048x128xf32>
    %logistic3A_77 = arith.negf %mul3A_76 : vector<2048x128xf32>
    %logistic3A_78 = math.exp %logistic3A_77 : vector<2048x128xf32>
    %logistic3A_79 = arith.constant 1.000000e+00 : f32
    %logistic3A_80 = vector.broadcast %logistic3A_79 : f32 to vector<2048x128xf32>
    %logistic3A_81 = arith.addf %logistic3A_80, %logistic3A_78 : vector<2048x128xf32>
    %logistic3A_82 = arith.divf %logistic3A_80, %logistic3A_81 : vector<2048x128xf32>
    %mul3A_83 = arith.mulf %mul3A_76, %logistic3A_82 : vector<2048x128xf32>
    %get3A_84 = arith.constant 0 : index
    %get3A_85 = arith.constant 0 : index
    %get3A_86 = vector.load %arg13[%get3A_84, %get3A_85] : memref<128x128xf32, #tpu.memory_space<vmem>>, vector<128x128xf32>
    %dot_general3A_87 = arith.constant dense<0.000000e+00> : vector<2048x128xf32>
    %dot_general3A_88 = tpu.matmul %mul3A_83, %get3A_86, %dot_general3A_87 {dimension_numbers = #tpu.dot_dimension_numbers<[1], [0], [0], [1], [0, 0, 1, 1], [], []>, transpose_lhs_hint = false} : vector<2048x128xf32>, vector<128x128xf32>, vector<2048x128xf32> -> vector<2048x128xf32>
    %mul3A_89 = arith.constant 6.000000e-01 : f32
    %mul3A_90 = vector.broadcast %mul3A_89 : f32 to vector<2048x128xf32>
    %mul3A_91 = arith.mulf %mul3A_90, %dot_general3A_88 : vector<2048x128xf32>
    %mul3A_92 = arith.constant 4.000000e-01 : f32
    %mul3A_93 = vector.broadcast %mul3A_92 : f32 to vector<2048x128xf32>
    %mul3A_94 = arith.mulf %mul3A_93, %dot_general3A_88 : vector<2048x128xf32>
    %logistic3A_95 = arith.negf %dot_general3A_88 : vector<2048x128xf32>
    %logistic3A_96 = math.exp %logistic3A_95 : vector<2048x128xf32>
    %logistic3A_97 = arith.constant 1.000000e+00 : f32
    %logistic3A_98 = vector.broadcast %logistic3A_97 : f32 to vector<2048x128xf32>
    %logistic3A_99 = arith.addf %logistic3A_98, %logistic3A_96 : vector<2048x128xf32>
    %logistic3A_100 = arith.divf %logistic3A_98, %logistic3A_99 : vector<2048x128xf32>
    %mul3A_101 = arith.constant 2.000000e+00 : f32
    %mul3A_102 = vector.broadcast %mul3A_101 : f32 to vector<2048x128xf32>
    %mul3A_103 = arith.mulf %mul3A_102, %logistic3A_100 : vector<2048x128xf32>
    %sub3A = arith.constant 1.000000e+00 : f32
    %sub3A_104 = vector.broadcast %sub3A : f32 to vector<2048x128xf32>
    %sub3A_105 = arith.subf %mul3A_103, %sub3A_104 : vector<2048x128xf32>
    %mul3A_106 = arith.mulf %mul3A_94, %sub3A_105 : vector<2048x128xf32>
    %add3A_107 = arith.addf %mul3A_91, %mul3A_106 : vector<2048x128xf32>
    %get3A_108 = arith.constant 0 : index
    %get3A_109 = arith.constant 0 : index
    %get3A_110 = vector.load %arg17[%get3A_108, %get3A_109] : memref<128x16xf32, #tpu.memory_space<vmem>>, vector<128x16xf32>
    %dot_general3A_111 = arith.constant dense<0.000000e+00> : vector<2048x16xf32>
    %dot_general3A_112 = tpu.matmul %add3A_107, %get3A_110, %dot_general3A_111 {dimension_numbers = #tpu.dot_dimension_numbers<[1], [0], [0], [1], [0, 0, 1, 1], [], []>, transpose_lhs_hint = false} : vector<2048x128xf32>, vector<128x16xf32>, vector<2048x16xf32> -> vector<2048x16xf32>
    %exp3A = math.exp %dot_general3A_112 : vector<2048x16xf32>
    %iota3A = tpu.iota {dimensions = array<i32: 0>} : vector<2048x16xi32>
    %mul3A_113 = arith.constant 2048 : i32
    %mul3A_114 = arith.muli %arg0, %mul3A_113 : i32
    %add3A_115 = vector.broadcast %mul3A_114 : i32 to vector<2048x16xi32>
    %add3A_116 = arith.addi %iota3A, %add3A_115 : vector<2048x16xi32>
    %iota3A_117 = tpu.iota {dimensions = array<i32: 1>} : vector<2048x16xi32>
    %lt3A = arith.constant 160000 : i32
    %lt3A_118 = vector.broadcast %lt3A : i32 to vector<2048x16xi32>
    %lt3A_119 = arith.cmpi slt, %add3A_116, %lt3A_118 : vector<2048x16xi32>
    %lt3A_120 = arith.constant 8 : i32
    %lt3A_121 = vector.broadcast %lt3A_120 : i32 to vector<2048x16xi32>
    %lt3A_122 = arith.cmpi slt, %iota3A_117, %lt3A_121 : vector<2048x16xi32>
    %and3A_123 = arith.andi %lt3A_119, %lt3A_122 : vector<2048x16xi1>
    %jit3A = arith.constant 0.000000e+00 : f32
    %broadcast_in_dim3A = vector.broadcast %jit3A : f32 to vector<2048x16xf32>
    %select_n3A = arith.select %and3A_123, %exp3A, %broadcast_in_dim3A : vector<2048x16xi1>, vector<2048x16xf32>
    %get3A_124 = arith.constant 0 : index
    %get3A_125 = arith.constant 0 : index
    %get3A_126 = vector.load %arg19[%get3A_124, %get3A_125] : memref<16x128xf32, #tpu.memory_space<vmem>>, vector<16x128xf32>
    %dot_general3A_127 = arith.constant dense<0.000000e+00> : vector<2048x128xf32>
    %dot_general3A_128 = tpu.matmul %select_n3A, %get3A_126, %dot_general3A_127 {dimension_numbers = #tpu.dot_dimension_numbers<[1], [0], [0], [1], [0, 0, 1, 1], [], []>, transpose_lhs_hint = false} : vector<2048x16xf32>, vector<16x128xf32>, vector<2048x128xf32> -> vector<2048x128xf32>
    %get3A_129 = arith.constant 0 : index
    %get3A_130 = arith.constant 0 : index
    %get3A_131 = vector.load %arg5[%get3A_129, %get3A_130] : memref<2048x16xf32, #tpu.memory_space<vmem>>, vector<2048x16xf32>
    %get3A_132 = arith.constant 0 : index
    %get3A_133 = arith.constant 0 : index
    %get3A_134 = vector.load %arg18[%get3A_132, %get3A_133] : memref<16x128xf32, #tpu.memory_space<vmem>>, vector<16x128xf32>
    %dot_general3A_135 = arith.constant dense<0.000000e+00> : vector<2048x128xf32>
    %dot_general3A_136 = tpu.matmul %get3A_131, %get3A_134, %dot_general3A_135 {dimension_numbers = #tpu.dot_dimension_numbers<[1], [0], [0], [1], [0, 0, 1, 1], [], []>, transpose_lhs_hint = false} : vector<2048x16xf32>, vector<16x128xf32>, vector<2048x128xf32> -> vector<2048x128xf32>
    %mul3A_137 = arith.mulf %dot_general3A_128, %dot_general3A_136 : vector<2048x128xf32>
    %swap3A = arith.constant 0 : index
    %swap3A_138 = arith.constant 0 : index
    %swap3A_139 = vector.load %arg21[%swap3A, %swap3A_138] : memref<2048x128xf32, #tpu.memory_space<vmem>>, vector<2048x128xf32>
    tpu.vector_store %arg21[%swap3A, %swap3A_138], %mul3A_137 {strides = array<i32>} : memref<2048x128xf32, #tpu.memory_space<vmem>>, vector<2048x128xf32>,
    %get3A_140 = arith.constant 0 : index
    %get3A_141 = arith.constant 0 : index
    %get3A_142 = vector.load %arg14[%get3A_140, %get3A_141] : memref<128x128xf32, #tpu.memory_space<vmem>>, vector<128x128xf32>
    %dot_general3A_143 = arith.constant dense<0.000000e+00> : vector<2048x128xf32>
    %dot_general3A_144 = tpu.matmul %mul3A_83, %get3A_142, %dot_general3A_143 {dimension_numbers = #tpu.dot_dimension_numbers<[1], [0], [0], [1], [0, 0, 1, 1], [], []>, transpose_lhs_hint = false} : vector<2048x128xf32>, vector<128x128xf32>, vector<2048x128xf32> -> vector<2048x128xf32>
    %logistic3A_145 = arith.negf %dot_general3A_144 : vector<2048x128xf32>
    %logistic3A_146 = math.exp %logistic3A_145 : vector<2048x128xf32>
    %logistic3A_147 = arith.constant 1.000000e+00 : f32
    %logistic3A_148 = vector.broadcast %logistic3A_147 : f32 to vector<2048x128xf32>
    %logistic3A_149 = arith.addf %logistic3A_148, %logistic3A_146 : vector<2048x128xf32>
    %logistic3A_150 = arith.divf %logistic3A_148, %logistic3A_149 : vector<2048x128xf32>
    %mul3A_151 = arith.mulf %dot_general3A_144, %logistic3A_150 : vector<2048x128xf32>
    %get3A_152 = arith.constant 0 : index
    %get3A_153 = arith.constant 0 : index
    %get3A_154 = vector.load %arg4[%get3A_152, %get3A_153] : memref<2048x16xf32, #tpu.memory_space<vmem>>, vector<2048x16xf32>
    %get3A_155 = arith.constant 0 : index
    %get3A_156 = arith.constant 0 : index
    %get3A_157 = vector.load %arg15[%get3A_155, %get3A_156] : memref<16x128xf32, #tpu.memory_space<vmem>>, vector<16x128xf32>
    %dot_general3A_158 = arith.constant dense<0.000000e+00> : vector<2048x128xf32>
    %dot_general3A_159 = tpu.matmul %get3A_154, %get3A_157, %dot_general3A_158 {dimension_numbers = #tpu.dot_dimension_numbers<[1], [0], [0], [1], [0, 0, 1, 1], [], []>, transpose_lhs_hint = false} : vector<2048x16xf32>, vector<16x128xf32>, vector<2048x128xf32> -> vector<2048x128xf32>
    %mul3A_160 = arith.mulf %mul3A_151, %dot_general3A_159 : vector<2048x128xf32>
    %get3A_161 = arith.constant 0 : index
    %get3A_162 = arith.constant 0 : index
    %get3A_163 = vector.load %arg16[%get3A_161, %get3A_162] : memref<128x128xf32, #tpu.memory_space<vmem>>, vector<128x128xf32>
    %dot_general3A_164 = arith.constant dense<0.000000e+00> : vector<2048x128xf32>
    %dot_general3A_165 = tpu.matmul %mul3A_160, %get3A_163, %dot_general3A_164 {dimension_numbers = #tpu.dot_dimension_numbers<[1], [0], [0], [1], [0, 0, 1, 1], [], []>, transpose_lhs_hint = false} : vector<2048x128xf32>, vector<128x128xf32>, vector<2048x128xf32> -> vector<2048x128xf32>
    %get3A_166 = arith.constant 0 : index
    %get3A_167 = arith.constant 0 : index
    %get3A_168 = vector.load %arg18[%get3A_166, %get3A_167] : memref<16x128xf32, #tpu.memory_space<vmem>>, vector<16x128xf32>
    %dot_general3A_169 = arith.constant dense<0.000000e+00> : vector<2048x128xf32>
    %dot_general3A_170 = tpu.matmul %select_n3A, %get3A_168, %dot_general3A_169 {dimension_numbers = #tpu.dot_dimension_numbers<[1], [0], [0], [1], [0, 0, 1, 1], [], []>, transpose_lhs_hint = false} : vector<2048x16xf32>, vector<16x128xf32>, vector<2048x128xf32> -> vector<2048x128xf32>
    %mul3A_171 = arith.mulf %dot_general3A_165, %dot_general3A_170 : vector<2048x128xf32>
    %swap3A_172 = arith.constant 0 : index
    %swap3A_173 = arith.constant 0 : index
    %swap3A_174 = vector.load %arg20[%swap3A_172, %swap3A_173] : memref<2048x128xf32, #tpu.memory_space<vmem>>, vector<2048x128xf32>
    tpu.vector_store %arg20[%swap3A_172, %swap3A_173], %mul3A_171 {strides = array<i32>} : memref<2048x128xf32, #tpu.memory_space<vmem>>, vector<2048x128xf32>,
    return
  }
  func.func @transform_0(%arg0: i32) -> (i32, i32) {
    %c0_i32 = arith.constant 0 : i32
    %c0_i32_0 = arith.constant 0 : i32
    return %arg0, %c0_i32 : i32, i32
  }
  func.func @transform_1(%arg0: i32) -> (i32, i32) {
    %c0_i32 = arith.constant 0 : i32
    %c0_i32_0 = arith.constant 0 : i32
    return %arg0, %c0_i32 : i32, i32
  }
  func.func @transform_2(%arg0: i32) -> (i32, i32) {
    %c0_i32 = arith.constant 0 : i32
    %c0_i32_0 = arith.constant 0 : i32
    return %arg0, %c0_i32 : i32, i32
  }
  func.func @transform_3(%arg0: i32) -> (i32, i32) {
    %c0_i32 = arith.constant 0 : i32
    %c0_i32_0 = arith.constant 0 : i32
    return %arg0, %c0_i32 : i32, i32
  }
  func.func @transform_4(%arg0: i32) -> (i32, i32) {
    %c0_i32 = arith.constant 0 : i32
    %c0_i32_0 = arith.constant 0 : i32
    return %arg0, %c0_i32 : i32, i32
  }
  func.func @transform_5(%arg0: i32) -> (i32, i32) {
    %c0_i32 = arith.constant 0 : i32
    %c0_i32_0 = arith.constant 0 : i32
    %c0_i32_1 = arith.constant 0 : i32
    return %c0_i32, %c0_i32_0 : i32, i32
  }
  func.func @transform_6(%arg0: i32) -> (i32, i32) {
    %c0_i32 = arith.constant 0 : i32
    %c0_i32_0 = arith.constant 0 : i32
    %c0_i32_1 = arith.constant 0 : i32
    return %c0_i32, %c0_i32_0 : i32, i32
  }
  func.func @transform_7(%arg0: i32) -> (i32, i32) {
    %c0_i32 = arith.constant 0 : i32
    %c0_i32_0 = arith.constant 0 : i32
    %c0_i32_1 = arith.constant 0 : i32
    return %c0_i32, %c0_i32_0 : i32, i32
  }
  func.func @transform_8(%arg0: i32) -> (i32, i32) {
    %c0_i32 = arith.constant 0 : i32
    %c0_i32_0 = arith.constant 0 : i32
    %c0_i32_1 = arith.constant 0 : i32
    return %c0_i32, %c0_i32_0 : i32, i32
  }
  func.func @transform_9(%arg0: i32) -> (i32, i32) {
    %c0_i32 = arith.constant 0 : i32
    %c0_i32_0 = arith.constant 0 : i32
    %c0_i32_1 = arith.constant 0 : i32
    return %c0_i32, %c0_i32_0 : i32, i32
  }
  func.func @transform_10(%arg0: i32) -> (i32, i32) {
    %c0_i32 = arith.constant 0 : i32
    %c0_i32_0 = arith.constant 0 : i32
    %c0_i32_1 = arith.constant 0 : i32
    return %c0_i32, %c0_i32_0 : i32, i32
  }
  func.func @transform_11(%arg0: i32) -> (i32, i32) {
    %c0_i32 = arith.constant 0 : i32
    %c0_i32_0 = arith.constant 0 : i32
    %c0_i32_1 = arith.constant 0 : i32
    return %c0_i32, %c0_i32_0 : i32, i32
  }
  func.func @transform_12(%arg0: i32) -> (i32, i32) {
    %c0_i32 = arith.constant 0 : i32
    %c0_i32_0 = arith.constant 0 : i32
    %c0_i32_1 = arith.constant 0 : i32
    return %c0_i32, %c0_i32_0 : i32, i32
  }
  func.func @transform_13(%arg0: i32) -> (i32, i32) {
    %c0_i32 = arith.constant 0 : i32
    %c0_i32_0 = arith.constant 0 : i32
    %c0_i32_1 = arith.constant 0 : i32
    return %c0_i32, %c0_i32_0 : i32, i32
  }
  func.func @transform_14(%arg0: i32) -> (i32, i32) {
    %c0_i32 = arith.constant 0 : i32
    %c0_i32_0 = arith.constant 0 : i32
    %c0_i32_1 = arith.constant 0 : i32
    return %c0_i32, %c0_i32_0 : i32, i32
  }
  func.func @transform_15(%arg0: i32) -> (i32, i32) {
    %c0_i32 = arith.constant 0 : i32
    %c0_i32_0 = arith.constant 0 : i32
    %c0_i32_1 = arith.constant 0 : i32
    return %c0_i32, %c0_i32_0 : i32, i32
  }
  func.func @transform_16(%arg0: i32) -> (i32, i32) {
    %c0_i32 = arith.constant 0 : i32
    %c0_i32_0 = arith.constant 0 : i32
    %c0_i32_1 = arith.constant 0 : i32
    return %c0_i32, %c0_i32_0 : i32, i32
  }
  func.func @transform_17(%arg0: i32) -> (i32, i32) {
    %c0_i32 = arith.constant 0 : i32
    %c0_i32_0 = arith.constant 0 : i32
    %c0_i32_1 = arith.constant 0 : i32
    return %c0_i32, %c0_i32_0 : i32, i32
  }
  func.func @transform_18(%arg0: i32) -> (i32, i32) {
    %c0_i32 = arith.constant 0 : i32
    %c0_i32_0 = arith.constant 0 : i32
    %c0_i32_1 = arith.constant 0 : i32
    return %c0_i32, %c0_i32_0 : i32, i32
  }
  func.func @transform_19(%arg0: i32) -> (i32, i32) {
    %c0_i32 = arith.constant 0 : i32
    %c0_i32_0 = arith.constant 0 : i32
    return %arg0, %c0_i32 : i32, i32
  }
  func.func @transform_20(%arg0: i32) -> (i32, i32) {
    %c0_i32 = arith.constant 0 : i32
    %c0_i32_0 = arith.constant 0 : i32
    return %arg0, %c0_i32 : i32, i32
  }
}

module attributes {stable_mosaic.version = 14 : i64} {
  func.func @_final_body(%arg0: i32, %arg1: memref<80x128xf32, #tpu.memory_space<vmem>>, %arg2: memref<80x128xf32, #tpu.memory_space<vmem>>, %arg3: memref<80x16xf32, #tpu.memory_space<vmem>>, %arg4: memref<80x16xf32, #tpu.memory_space<vmem>>, %arg5: memref<128x128xf32, #tpu.memory_space<vmem>>, %arg6: memref<16x128xf32, #tpu.memory_space<vmem>>, %arg7: memref<80x128xf32, #tpu.memory_space<vmem>>) attributes {dimension_semantics = [#tpu.dimension_semantics<arbitrary>], iteration_bounds = array<i64: 125>, scalar_prefetch = 0 : i64, scratch_operands = 0 : i64, tpu.core_type = #tpu.core_type<tc>, window_params = [{transform_indices = @transform_0, window_bounds = array<i64: 80, 128>}, {transform_indices = @transform_1, window_bounds = array<i64: 80, 128>}, {transform_indices = @transform_2, window_bounds = array<i64: 80, 16>}, {transform_indices = @transform_3, window_bounds = array<i64: 80, 16>}, {pipeline_mode = #tpu.pipeline_mode<synchronous>, transform_indices = @transform_4, window_bounds = array<i64: 128, 128>}, {pipeline_mode = #tpu.pipeline_mode<synchronous>, transform_indices = @transform_5, window_bounds = array<i64: 16, 128>}, {transform_indices = @transform_6, window_bounds = array<i64: 80, 128>}]} {
    %get3A = arith.constant 0 : index
    %get3A_0 = arith.constant 0 : index
    %get3A_1 = vector.load %arg1[%get3A, %get3A_0] : memref<80x128xf32, #tpu.memory_space<vmem>>, vector<80x128xf32>
    %get3A_2 = arith.constant 0 : index
    %get3A_3 = arith.constant 0 : index
    %get3A_4 = vector.load %arg2[%get3A_2, %get3A_3] : memref<80x128xf32, #tpu.memory_space<vmem>>, vector<80x128xf32>
    %add3A = arith.addf %get3A_1, %get3A_4 : vector<80x128xf32>
    %get3A_5 = arith.constant 0 : index
    %get3A_6 = arith.constant 0 : index
    %get3A_7 = vector.load %arg3[%get3A_5, %get3A_6] : memref<80x16xf32, #tpu.memory_space<vmem>>, vector<80x16xf32>
    %get3A_8 = arith.constant 0 : index
    %get3A_9 = arith.constant 0 : index
    %get3A_10 = vector.load %arg4[%get3A_8, %get3A_9] : memref<80x16xf32, #tpu.memory_space<vmem>>, vector<80x16xf32>
    %add3A_11 = arith.addf %get3A_7, %get3A_10 : vector<80x16xf32>
    %get3A_12 = arith.constant 0 : index
    %get3A_13 = arith.constant 0 : index
    %get3A_14 = vector.load %arg6[%get3A_12, %get3A_13] : memref<16x128xf32, #tpu.memory_space<vmem>>, vector<16x128xf32>
    %dot_general3A = arith.constant dense<0.000000e+00> : vector<80x128xf32>
    %dot_general3A_15 = tpu.matmul %add3A_11, %get3A_14, %dot_general3A {dimension_numbers = #tpu.dot_dimension_numbers<[1], [0], [0], [1], [0, 0, 1, 1], [], []>, transpose_lhs_hint = false} : vector<80x16xf32>, vector<16x128xf32>, vector<80x128xf32> -> vector<80x128xf32>
    %add3A_16 = arith.constant 1.000000e-16 : f32
    %add3A_17 = vector.broadcast %add3A_16 : f32 to vector<80x128xf32>
    %add3A_18 = arith.addf %dot_general3A_15, %add3A_17 : vector<80x128xf32>
    %div3A = arith.divf %add3A, %add3A_18 : vector<80x128xf32>
    %get3A_19 = arith.constant 0 : index
    %get3A_20 = arith.constant 0 : index
    %get3A_21 = vector.load %arg5[%get3A_19, %get3A_20] : memref<128x128xf32, #tpu.memory_space<vmem>>, vector<128x128xf32>
    %dot_general3A_22 = arith.constant dense<0.000000e+00> : vector<80x128xf32>
    %dot_general3A_23 = tpu.matmul %div3A, %get3A_21, %dot_general3A_22 {dimension_numbers = #tpu.dot_dimension_numbers<[1], [0], [0], [1], [0, 0, 1, 1], [], []>, transpose_lhs_hint = false} : vector<80x128xf32>, vector<128x128xf32>, vector<80x128xf32> -> vector<80x128xf32>
    %swap3A = arith.constant 0 : index
    %swap3A_24 = arith.constant 0 : index
    %swap3A_25 = vector.load %arg7[%swap3A, %swap3A_24] : memref<80x128xf32, #tpu.memory_space<vmem>>, vector<80x128xf32>
    tpu.vector_store %arg7[%swap3A, %swap3A_24], %dot_general3A_23 {strides = array<i32>} : memref<80x128xf32, #tpu.memory_space<vmem>>, vector<80x128xf32>,
    return
  }
  func.func @transform_0(%arg0: i32) -> (i32, i32) {
    %c0_i32 = arith.constant 0 : i32
    %c0_i32_0 = arith.constant 0 : i32
    return %arg0, %c0_i32 : i32, i32
  }
  func.func @transform_1(%arg0: i32) -> (i32, i32) {
    %add3A = arith.constant 128 : i32
    %add3A_0 = arith.addi %arg0, %add3A : i32
    %c0_i32 = arith.constant 0 : i32
    %c0_i32_1 = arith.constant 0 : i32
    return %add3A_0, %c0_i32 : i32, i32
  }
  func.func @transform_2(%arg0: i32) -> (i32, i32) {
    %c0_i32 = arith.constant 0 : i32
    %c0_i32_0 = arith.constant 0 : i32
    return %arg0, %c0_i32 : i32, i32
  }
  func.func @transform_3(%arg0: i32) -> (i32, i32) {
    %add3A = arith.constant 128 : i32
    %add3A_0 = arith.addi %arg0, %add3A : i32
    %c0_i32 = arith.constant 0 : i32
    %c0_i32_1 = arith.constant 0 : i32
    return %add3A_0, %c0_i32 : i32, i32
  }
  func.func @transform_4(%arg0: i32) -> (i32, i32) {
    %c0_i32 = arith.constant 0 : i32
    %c0_i32_0 = arith.constant 0 : i32
    %c0_i32_1 = arith.constant 0 : i32
    return %c0_i32, %c0_i32_0 : i32, i32
  }
  func.func @transform_5(%arg0: i32) -> (i32, i32) {
    %c0_i32 = arith.constant 0 : i32
    %c0_i32_0 = arith.constant 0 : i32
    %c0_i32_1 = arith.constant 0 : i32
    return %c0_i32, %c0_i32_0 : i32, i32
  }
  func.func @transform_6(%arg0: i32) -> (i32, i32) {
    %c0_i32 = arith.constant 0 : i32
    %c0_i32_0 = arith.constant 0 : i32
    return %arg0, %c0_i32 : i32, i32
  }
}

</mosaic_0001>

<sc_bundles>
// kernel: kernel.10.cloned.1.call-start
scs
__scs_entry_jumppad:
0x0: {  	(pc) =	sbr.rel $0x88, $3  }
0x1: {  	(tag) =	ssettag $0x0;
	lr =	simm.s32 $0x1  }
0x2: {  	[smem:$0x3F8B] =	sst lr;
	_ =	strace $0xD0000000  }
0x3: {  	_ = 	snop  }
0x4: {  	_ = 	snop  }
0x5: {  	_ = 	snop  }
0x6: {  	_ = 	snop  }
0x7: {  	_ = 	snop  }
__scs_overlays_trampoline_lowered:
0x8: {  	[smem:$0x3F9A] =	sst s0  }
0x9: {  	[smem:$0x3F9B] =	sst s1  }
0xa: {  	[smem:$0x3F9C] =	sst s2  }
0xb: {  	[smem:$0x3F9D] =	sst s3  }
0xc: {  	[smem:$0x3F9E] =	sst s4  }
0xd: {  	[smem:$0x3F9F] =	sst s5  }
0xe: {  	[smem:$0x3FA0] =	sst s6  }
0xf: {  	[smem:$0x3FA1] =	sst s7  }
0x10: {  	[smem:$0x3FA2] =	sst s8  }
0x11: {  	[smem:$0x3FA3] =	sst s9;
	s0 =	simm.s32 @!p0 $0x0  }
0x12: {  	s1 =	sld [smem:$0x3F89];
	s0 =	simm.s32 @p0 $0x1  }
0x13: {  	[smem:$0x3FA4] =	sst s0;
	s0 =	simm.s32 @!p1 $0x0  }
0x14: {  	s2 =	sld [smem:$0x3F88];
	s0 =	simm.s32 @p1 $0x1  }
0x15: {  	[smem:$0x3FA5] =	sst s0;
	s0 =	simm.s32 @!p2 $0x0  }
0x16: {  	s3 =	sld [smem:$0x3FDB];
	s0 =	simm.s32 @p2 $0x1  }
0x17: {  	s4 =	simm.s32 $0x1BF5;
	[smem:$0x3FA7] =	sst s0  }
0x18: {  	s0 =	sld [smem:$0x3F8A];
	_ =	swait.ge [sflag:s4], $0x0  }
0x19: {  	s7 =	sld [smem:$0x3F8B]  }
0x1a: {  	s8 =	sadd.s32 $0xFFFFE003, lr  }
0x1b: {  	s9 =	sadd.s32 $0xFFFFFEF7, lr;
	s5 =	simm.s32 $0xFFFFFFFF;
	p2 =	slt.u32 s8, $0xFFFFF086  }
0x1c: {  	p1 =	slt.u32 s9, $0xF7A;
	s5 =	simm.s32 @!p2 $0x0  }
0x1d: {  	s5 =	simm.s32 @p1 $0x1;
	p0 =	seq.s32 s7, s2  }
0x1e: {  	s7 =	smul.u32 @!p0 $0xF7A, s2;
	p2 =	seq.s32 @!p0 s5, $0x0  }
0x1f: {  	s9 =	smul.u32 $0xF7A, s1;
	s8 =	simm.s32 @!p0 $0x1BF5;
	p2 =	por !p2, p0  }
0x20: {  	[sflag:s8] =	ssyncset.s32 @!p0 $0xFFFFF086;
	s6 =	sadd.s32 @!p0 s3, s7;
	s7 =	simm.s32 @!p0 $0x108  }
0x21: {  	s3 =	sadd.s32 s3, s9;
	s6 =	sadd.s32 @!p0 $0x88, s6;
	s7 =	simm.s32 @p2 $0x1082  }
0x22: {  	[simem:s7], [sflag:s8] =	dma.local @!p0 [hbm:s6], $0xF7A  }
0x23: {  	s9 =	sor.u32 $0xD0000000, s2;
	s6 =	simm.s32 $0x108;
	_ =	swait.ge @!p0 [sflag:s8], $0x0  }
0x24: {  	s3 =	sadd.s32 $0x88, s3;
	s6 =	simm.s32 @!p1 $0x1082;
	[sflag:s4] =	ssyncset.s32 $0xFFFFF086  }
0x25: {  	[simem:s6], [sflag:s4] =	dma.local [hbm:s3], $0xF7A  }
0x26: {  	[smem:$0x3F8B] =	sst s1;
	(tag) =	ssettag s2;
	_ =	strace s9  }
0x27: {  	s1 =	sld [smem:$0x3F9B]  }
0x28: {  	s2 =	sld [smem:$0x3F9C]  }
0x29: {  	s4 =	sld [smem:$0x3F9E]  }
0x2a: {  	p0 =	seq.s32 s5, $0x0;
	s5 =	sld [smem:$0x3F9F]  }
0x2b: {  	s6 =	sld [smem:$0x3FA0]  }
0x2c: {  	s7 =	sld [smem:$0x3FA1]  }
0x2d: {  	s3 =	simm.s32 $0x108;
	s8 =	sld [smem:$0x3FA2]  }
0x2e: {  	s3 =	simm.s32 @!p0 $0x1082;
	s9 =	sld [smem:$0x3FA3]  }
0x2f: {  	lr =	sadd.s32 s0, s3;
	s0 =	sld [smem:$0x3F9A]  }
0x30: {  	s3 =	sld [smem:$0x3F9D]  }
0x31: {  	[smem:$0x3FA6] =	sst s10  }
0x32: {  	s10 =	sld [smem:$0x3FA4];
	_ =	sdelay $0x3  }
0x33: {  	p0 =	seq.s32 s10, $0x1;
	s10 =	sld [smem:$0x3FA6];
	_ =	sdelay $0x3  }
0x34: {  	[smem:$0x3FA6] =	sst s10  }
0x35: {  	s10 =	sld [smem:$0x3FA5];
	_ =	sdelay $0x3  }
0x36: {  	p1 =	seq.s32 s10, $0x1;
	s10 =	sld [smem:$0x3FA6];
	_ =	sdelay $0x3  }
0x37: {  	[smem:$0x3FA6] =	sst s10  }
0x38: {  	s10 =	sld [smem:$0x3FA7]  }
0x39: {  	_ = 	snop;
	(pc) =	sbr.ind lr, $3  }
0x3a: {  	_ = 	snop  }
0x3b: {  	_ = 	snop  }
0x3c: {  	p2 =	seq.s32 s10, $0x1;
	s10 =	sld [smem:$0x3FA6]  }
0x3d: {  	_ =	shalt  }
0x3e: {  	_ =	shalt  }
0x3f: {  	_ =	shalt  }
0x40: {  	_ =	shalt  }
0x41: {  	_ =	shalt  }
0x42: {  	_ =	shalt  }
0x43: {  	_ =	shalt  }
0x44: {  	_ =	shalt  }
0x45: {  	_ =	shalt  }
0x46: {  	_ =	shalt  }
0x47: {  	_ =	shalt  }
0x48: {  	_ =	shalt  }
0x49: {  	_ =	shalt  }
0x4a: {  	_ =	shalt  }
0x4b: {  	_ =	shalt  }
0x4c: {  	_ =	shalt  }
0x4d: {  	_ =	shalt  }
0x4e: {  	_ =	shalt  }
0x4f: {  	_ =	shalt  }
0x50: {  	_ =	shalt  }
0x51: {  	_ =	shalt  }
0x52: {  	_ =	shalt  }
0x53: {  	_ =	shalt  }
0x54: {  	_ =	shalt  }
0x55: {  	_ =	shalt  }
0x56: {  	_ =	shalt  }
0x57: {  	_ =	shalt  }
0x58: {  	_ =	shalt  }
0x59: {  	_ =	shalt  }
0x5a: {  	_ =	shalt  }
0x5b: {  	_ =	shalt  }
0x5c: {  	_ =	shalt  }
0x5d: {  	_ =	shalt  }
0x5e: {  	_ =	shalt  }
0x5f: {  	_ =	shalt  }
0x60: {  	_ =	shalt  }
0x61: {  	_ =	shalt  }
0x62: {  	_ =	shalt  }
0x63: {  	_ =	shalt  }
0x64: {  	_ =	shalt  }
0x65: {  	_ =	shalt  }
0x66: {  	_ =	shalt  }
0x67: {  	_ =	shalt  }
0x68: {  	_ =	shalt  }
0x69: {  	_ =	shalt  }
0x6a: {  	_ =	shalt  }
0x6b: {  	_ =	shalt  }
0x6c: {  	_ =	shalt  }
0x6d: {  	_ =	shalt  }
0x6e: {  	_ =	shalt  }
0x6f: {  	_ =	shalt  }
0x70: {  	_ =	shalt  }
0x71: {  	_ =	shalt  }
0x72: {  	_ =	shalt  }
0x73: {  	_ =	shalt  }
0x74: {  	_ =	shalt  }
0x75: {  	_ =	shalt  }
0x76: {  	_ =	shalt  }
0x77: {  	_ =	shalt  }
0x78: {  	_ =	shalt  }
0x79: {  	_ =	shalt  }
0x7a: {  	_ =	shalt  }
0x7b: {  	_ =	shalt  }
0x7c: {  	_ =	shalt  }
0x7d: {  	_ =	shalt  }
0x7e: {  	_ =	shalt  }
0x7f: {  	_ =	shalt  }
0x80: {  	_ =	shalt  }
0x81: {  	_ =	shalt  }
0x82: {  	_ =	shalt  }
0x83: {  	_ =	shalt  }
0x84: {  	_ =	shalt  }
0x85: {  	_ =	shalt  }
0x86: {  	_ =	shalt  }
0x87: {  	_ =	shalt  }
.Lfunc_end0:
.L_simem_size_0:
called_computation.1_lowered:
.L_overlay_start_0:
0x88: {  	s2 =	sld [smem:$0x3FD9]  }
0x89: {  	s3 =	sld [smem:$0x3FFE];
	_ =	sdelay $0x1  }
0x8a: {  	s1 =	srdreg.scid  }
0x8b: {  	s0 =	sand.u32 $0x1, s1  }
0x8c: {  	s17 =	sshll.u32 s0, $0xA;
	s2 =	sadd.s32 s3, s2  }
0x8d: {  	s2 =	sadd.s32 s2, s17  }
0x8e: {  	[smem:$0x3FB2] =	sst s2  }
0x8f: {  	_ = 	snop  }
0x90: {  	s2 =	sld [smem:$0x3FD0];
	(tm) =	ssettm $0x1  }
0x91: {  	s18 =	sld [smem:$0x3FFB];
	_ =	sdelay $0x3  }
0x92: {  	_ =	strace s18  }
0x93: {  	s3 =	sld [smem:$0x3FFC];
	_ =	sdelay $0x3  }
0x94: {  	_ =	strace s3  }
0x95: {  	s3 =	sld [smem:$0x3FFD];
	_ =	sdelay $0x3  }
0x96: {  	_ =	strace s3  }
0x97: {  	_ =	strace $0x8FFFFFFF  }
0x98: {  	s19 =	sld [smem:$0x3FDB];
	_ =	sdelay $0x1  }
0x99: {  	s4 =	simm.s32 $_scs_section_size  }
0x9a: {  	s5 =	simm.s32 $_size__tile_overlayer_lowered;
	s6 =	simm.s32 $_tile_overlayer_lowered  }
0x9b: {  	s22 =	simm.s32 $0x1BFF;
	s21 =	sshll.u32 s6, $0x1;
	s3 =	sadd.s32 s4, s19  }
0x9c: {  	s7 =	simm.s32 $0x0;
	s20 =	sshll.u32 s5, $0x1;
	s5 =	sadd.s32 s21, s3  }
0x9d: {  	[timem:s7], [sflag:s22] =	dma.local [hbm:s5], s20  }
0x9e: {  	_ =	swait.ge [sflag:s22], s20  }
0x9f: {  	s4 =	ssub.s32 $0x0, s20;
	[sflag:s22] =	ssyncset.done $0x0  }
0xa0: {  	[sflag:s22] =	ssyncadd.s32 s4;
	_ =	sdelay $0x1  }
0xa1: {  	s23 =	simm.s32 $0x1B8B  }
0xa2: {  	_ =	swait.ge [sflag:s23], $0x1  }
0xa3: {  	[sflag:s23] =	ssyncset.done $0x0  }
0xa4: {  	s25 =	simm.s32 $0x1B8E;
	s24 =	sld [smem:$0x3FFE];
	[sflag:s23] =	ssyncadd.s32 $0xFFFFFFFF  }
0xa5: {  	s26 =	simm.s32 $execute0_lowered;
	[smem:$0x3FD2] =	sst s25  }
0xa6: {  	s5 =	sshll.u32 s26, $0x1;
	_ =	strace $0x80000049;
	[dreg:$0x1] =	wrdreg $0xFFFFFFFF  }
0xa7: {  	s28 =	simm.s32 $_size_execute0_lowered;
	s3 =	sadd.s32 s3, s5;
	[dreg:$0x0] =	wrdreg $0x0  }
0xa8: {  	s5 =	sshll.u32 s28, $0x1;
	[dreg:$0x2] =	wrdreg s3  }
0xa9: {  	[dreg:$0x3] =	wrdreg s5  }
0xaa: {  	[dreg:$0x4] =	wrdreg $0xC0  }
0xab: {  	_ =	task [dreg:s7], $0x5FFFF  }
0xac: {  	[dreg:$0x1] =	wrdreg $0xFFFFFFFF  }
0xad: {  	[dreg:$0x0] =	wrdreg $0x60  }
0xae: {  	[dreg:$0x2] =	wrdreg s24  }
0xaf: {  	[dreg:$0x3] =	wrdreg s2  }
0xb0: {  	[dreg:$0x4] =	wrdreg $0x0  }
0xb1: {  	[dreg:$0x5] =	wrdreg $0x140000  }
0xb2: {  	[dreg:$0x6] =	wrdreg $0x9  }
0xb3: {  	_ =	task.clear_ibuf [dreg:s7], $0x7FFFF;
	_ =	strace $0x90000049  }
0xb4: {  	s29 =	simm.s32 $0x9;
	_ =	strace $0x8000004B  }
0xb5: {  	_ =	swait.ge [sflag:s29], $0x1  }
0xb6: {  	[sflag:s29] =	ssyncadd.s32 $0xFFFFFFFF  }
0xb7: {  	_ =	strace $0x9000004B  }
0xb8: {  	_ =	sfence  }
0xb9: {  	s30 =	sld [smem:$0x0];
	_ =	sdelay $0x2  }
0xba: {  	s31 =	sshll.u32 s1, $0xD;
	s1 =	sshrl.u32 s1, $0x2  }
0xbb: {  	s3 =	sand.u32 $0x4000, s31;
	s1 =	sadd.s32 s1, s30  }
0xbc: {  	s0 =	sor.u32 s3, s0;
	s1 =	sshll.u32 s1, $0x11  }
0xbd: {  	s0 =	sor.u32 s1, s0  }
0xbe: {  	s0 =	sadd.s32 $0x8F2B, s0  }
0xbf: {  	[sflag:s0] =	ssyncadd.remote.s32 $0x1  }
0xc0: {  	_ =	sfence.sel $0xFFFF  }
0xc1: {  	[dreg:$0x0] =	wrdreg $0xFFFFFFFF;
	(pc) =	sbr.abs _section_cstart, $3  }
0xc2: {  	[dreg:$0x1] =	wrdreg $0xFFFFFFFF  }
0xc3: {  	_ =	task.clear_ibuf [dreg:s7], $0x2FFFF;
	_ =	strace $0x9FFFFFFF  }
0xc4: {  	(tm) =	ssettm $0x7FFFFFFF  }
0xc5: {  	_ =	shalt  }
tec
execute0_lowered:
.L_overlay_start_1:
0x0: {  	(tag) =	ssettag $0x1  }
0x1: {  	s0 =	rddreg [dreg:$0x0]  }
0x2: {  	s1 =	rddreg [dreg:$0x1]  }
0x3: {  	s2 =	rddreg [dreg:$0x2];
	s16 =	stileid.u32  }
0x4: {  	s3 =	rddreg [dreg:$0x3];
	s6 =	smul.u32 $0x280, s16  }
0x5: {  	s5 =	srdreg.scid;
	s26 =	smul.u32 $0x50000, s16  }
0x6: {  	s4 =	simm.s32 $0x0;
	s5 =	sand.u32 $0x1, s5;
	s10 =	smul.u32 $0xA000, s16  }
0x7: {  	[smem:$0x7FF] =	sst s4;
	s14 =	sadd.s32 $0xF37E00, s0;
	s13 =	smul.u32 $0x50, s16  }
0x8: {  	s12 =	sadd.s32 $0x11B7E00, s0;
	s8 =	sadd.s32 $0x15200, s0;
	s7 =	smul.u32 $0x2800, s5  }
0x9: {  	_ =	strace $0x8000004A;
	[dreg:$0x6] =	wrdreg s8;
	s20 =	smul.u32 $0x500, s5  }
0xa: {  	s25 =	ssub.s32 $0x2, s5;
	s22 =	smul.u32 $0xA00000, s5;
	[smem:$0x7F5] =	sst s14  }
0xb: {  	s11 =	sshll.u32 s5, $0x4;
	[smem:$0x7F6] =	sst s12;
	s5 =	smul.u32 $0x5000, s5  }
0xc: {  	s9 =	sshrl.u32 s25, $0x1;
	s11 =	sor.u32 s16, s11;
	s8 =	sshrl.u32 s26, $0x2  }
0xd: {  	s10 =	sshrl.u32 s10, $0x2;
	s26 =	smul.u32 $0x500, s16;
	s6 =	sadd.s32 s6, s7  }
0xe: {  	s7 =	sadd.s32 $0xB200, s0;
	s15 =	smul.u32 $0x14000, s11;
	s17 =	sadd.s32 s10, s3  }
0xf: {  	s10 =	sadd.s32 s13, s20;
	s5 =	sadd.s32 s26, s5;
	[dreg:$0x8] =	wrdreg s17  }
0x10: {  	s6 =	sshll.u32 s6, $0x4;
	s31 =	sadd.s32 $0x2000, s17;
	[dreg:$0x5] =	wrdreg s5  }
0x11: {  	s10 =	sshll.u32 s10, $0x4;
	s18 =	sadd.s32 s14, s15;
	[smem:$0x7FD] =	sst s31  }
0x12: {  	s0 =	sadd.s32 s6, s0;
	s19 =	sadd.s32 s12, s15;
	[dreg:$0x9] =	wrdreg s18  }
0x13: {  	s6 =	ssub.s32 s25, s9;
	s10 =	sadd.s32 s1, s10;
	[dreg:$0xa] =	wrdreg s19  }
0x14: {  	s9 =	sadd.s32 s8, s2;
	s21 =	sor.u32 $0x400, s15;
	[dreg:$0x10] =	wrdreg s10  }
0x15: {  	s15 =	sadd.s32 s14, s21;
	[dreg:$0x7] =	wrdreg s9  }
0x16: {  	s8 =	sadd.s32 s12, s21;
	[dreg:$0xc] =	wrdreg s15  }
0x17: {  	s24 =	sadd.s32 $0x3D200, s0;
	[dreg:$0xd] =	wrdreg s8  }
0x18: {  	s25 =	sadd.s32 $0x3D600, s0;
	[dreg:$0xe] =	wrdreg s24  }
0x19: {  	s12 =	sadd.s32 $0x3DA00, s0;
	[dreg:$0xf] =	wrdreg s25  }
0x1a: {  	s23 =	smul.u32 $0xA0000, s16;
	s16 =	sadd.s32 $0x3E200, s0;
	[dreg:$0x11] =	wrdreg s12  }
0x1b: {  	s19 =	sadd.s32 $0x3E600, s0;
	[dreg:$0x13] =	wrdreg s16  }
0x1c: {  	s20 =	sadd.s32 $0x3EA00, s0;
	[dreg:$0x14] =	wrdreg s19  }
0x1d: {  	s11 =	smul.u32 $0x500, s11;
	s21 =	sadd.s32 $0x3EE00, s0;
	[dreg:$0x15] =	wrdreg s20  }
0x1e: {  	s14 =	sadd.s32 s23, s22;
	s22 =	sadd.s32 $0x3F200, s0;
	[dreg:$0x16] =	wrdreg s21  }
0x1f: {  	s23 =	smax.u32 s6, $0x1;
	[dreg:$0x17] =	wrdreg s22  }
0x20: {  	s18 =	sadd.s32 s7, s11;
	[dreg:$0x19] =	wrdreg s23  }
0x21: {  	s28 =	simm.s32 $0x1;
	s26 =	sadd.s32 $0x400, s10;
	[dreg:$0xb] =	wrdreg s18  }
0x22: {  	s13 =	simm.s32 $0x16A00;
	s5 =	sadd.s32 $0x4000, s9;
	[smem:$0x7F8] =	sst s26  }
0x23: {  	s6 =	sadd.s32 $0x6000, s9;
	s11 =	sadd.s32 $0xA000, s9;
	[dreg:$0x1b] =	wrdreg s5  }
0x24: {  	s10 =	simm.s32 $0x16980;
	s15 =	sadd.s32 $0x3DE00, s0;
	[dreg:$0x1c] =	wrdreg s6  }
0x25: {  	s0 =	sadd.s32 $0x3F600, s0;
	s24 =	sor.u32 $0x4000, s14;
	[dreg:$0x1e] =	wrdreg s11  }
0x26: {  	s1 =	sor.u32 $0x6000, s14;
	s8 =	sadd.s32 $0x8000, s9;
	[dreg:$0x12] =	wrdreg s15  }
0x27: {  	s16 =	sadd.s32 $0xE000, s9;
	s25 =	sadd.s32 $0x10, s18;
	[dreg:$0x18] =	wrdreg s0  }
0x28: {  	s14 =	sadd.s32 $0x10000, s9;
	s12 =	sadd.s32 $0x12000, s9;
	[smem:$0x7F7] =	sst s25  }
0x29: {  	s21 =	simm.s32 $0x3;
	s22 =	simm.s32 $0x18A00;
	[dreg:$0x1d] =	wrdreg s8  }
0x2a: {  	s23 =	simm.s32 $0x16800;
	s26 =	simm.s32 $0x16880;
	[smem:$0x7FA] =	sst s16  }
0x2b: {  	s18 =	simm.s32 $0x40;
	s19 =	simm.s32 $0x16900;
	[smem:$0x7FB] =	sst s14  }
0x2c: {  	s20 =	simm.s32 $0x2;
	s0 =	simm.s32 $0x0;
	[smem:$0x7FC] =	sst s12  }
0x2d: {  	s30 =	sshrl.u32 s1, $0x3;
	s1 =	sadd.s32 $0x2000, s9;
	[smem:$0x7F9] =	sst s0  }
0x2e: {  	s29 =	sshrl.u32 s24, $0x3;
	s15 =	sadd.s32 $0xC000, s9;
	[dreg:$0x1a] =	wrdreg s1  }
0x2f: {  	s24 =	simm.s32 $0x1AA00;
	s25 =	simm.s32 $0x1CA00;
	[dreg:$0x1f] =	wrdreg s15  }
.LBB2_1:
0x30: {  	s0 =	rddreg [dreg:$0x6]  }
0x31: {  	[tilespmem:s13], [sflag:$0x3] =	stream.linear.gather [hbm4b:s0+s4], $0x2000, $0x38;
	[tilespmem:$0x1EA00] =	vst v63  }
0x32: {  	_ =	swait.ge [sflag:s21], $0x2000  }
0x33: {  	[sflag:s21] =	ssyncset.done $0x0  }
0x34: {  	[sflag:s21] =	ssyncadd.s32 $0xFFFFE000  }
0x35: {  	[spmem:s9] =	stream.linear.scatter [tilespmem:s13], [sflag:$0x3], $0x2000, $0x38;
	[tilespmem:$0x1EA00] =	vst v63  }
0x36: {  	_ =	swait.ge [sflag:s21], $0x2000  }
0x37: {  	[sflag:s21] =	ssyncset.done $0x0  }
0x38: {  	[sflag:s21] =	ssyncadd.s32 $0xFFFFE000  }
0x39: {  	[spmem:s1] =	stream.linear.scatter [tilespmem:s13], [sflag:$0x3], $0x2000, $0x38;
	[tilespmem:$0x1EA00] =	vst v63  }
0x3a: {  	_ =	swait.ge [sflag:s21], $0x2000  }
0x3b: {  	[sflag:s21] =	ssyncset.done $0x0  }
0x3c: {  	[sflag:s21] =	ssyncadd.s32 $0xFFFFE000  }
0x3d: {  	[spmem:s5] =	stream.linear.scatter [tilespmem:s13], [sflag:$0x3], $0x2000, $0x38;
	[tilespmem:$0x1EA00] =	vst v63  }
0x3e: {  	_ =	swait.ge [sflag:s21], $0x2000  }
0x3f: {  	[sflag:s21] =	ssyncset.done $0x0  }
0x40: {  	[sflag:s21] =	ssyncadd.s32 $0xFFFFE000  }
0x41: {  	[spmem:s6] =	stream.linear.scatter [tilespmem:s13], [sflag:$0x3], $0x2000, $0x38;
	[tilespmem:$0x1EA00] =	vst v63  }
0x42: {  	_ =	swait.ge [sflag:s21], $0x2000  }
0x43: {  	[sflag:s21] =	ssyncset.done $0x0  }
0x44: {  	[sflag:s21] =	ssyncadd.s32 $0xFFFFE000  }
0x45: {  	[spmem:s8] =	stream.linear.scatter [tilespmem:s13], [sflag:$0x3], $0x2000, $0x38;
	[tilespmem:$0x1EA00] =	vst v63  }
0x46: {  	_ =	swait.ge [sflag:s21], $0x2000  }
0x47: {  	[sflag:s21] =	ssyncset.done $0x0  }
0x48: {  	[sflag:s21] =	ssyncadd.s32 $0xFFFFE000  }
0x49: {  	[spmem:s11] =	stream.linear.scatter [tilespmem:s13], [sflag:$0x3], $0x2000, $0x38;
	[tilespmem:$0x1EA00] =	vst v63  }
0x4a: {  	_ =	swait.ge [sflag:s21], $0x2000  }
0x4b: {  	[sflag:s21] =	ssyncset.done $0x0  }
0x4c: {  	[sflag:s21] =	ssyncadd.s32 $0xFFFFE000  }
0x4d: {  	[spmem:s15] =	stream.linear.scatter [tilespmem:s13], [sflag:$0x3], $0x2000, $0x38;
	[tilespmem:$0x1EA00] =	vst v63  }
0x4e: {  	_ =	swait.ge [sflag:s21], $0x2000  }
0x4f: {  	[sflag:s21] =	ssyncset.done $0x0  }
0x50: {  	[sflag:s21] =	ssyncadd.s32 $0xFFFFE000  }
0x51: {  	[spmem:s16] =	stream.linear.scatter [tilespmem:s13], [sflag:$0x3], $0x2000, $0x38;
	[tilespmem:$0x1EA00] =	vst v63  }
0x52: {  	_ =	swait.ge [sflag:s21], $0x2000  }
0x53: {  	[sflag:s21] =	ssyncset.done $0x0  }
0x54: {  	[sflag:s21] =	ssyncadd.s32 $0xFFFFE000  }
0x55: {  	[spmem:s14] =	stream.linear.scatter [tilespmem:s13], [sflag:$0x3], $0x2000, $0x38;
	[tilespmem:$0x1EA00] =	vst v63  }
0x56: {  	_ =	swait.ge [sflag:s21], $0x2000  }
0x57: {  	[sflag:s21] =	ssyncset.done $0x0  }
0x58: {  	[sflag:s21] =	ssyncadd.s32 $0xFFFFE000  }
0x59: {  	[spmem:s12] =	stream.linear.scatter [tilespmem:s13], [sflag:$0x3], $0x2000, $0x38;
	[tilespmem:$0x1EA00] =	vst v63  }
0x5a: {  	_ =	swait.ge [sflag:s21], $0x2000  }
0x5b: {  	[sflag:s21] =	ssyncset.done $0x0  }
0x5c: {  	[sflag:s21] =	ssyncadd.s32 $0xFFFFE000  }
0x5d: {  	[spmem:s17] =	stream.linear.scatter [tilespmem:s13], [sflag:$0x3], $0x2000, $0x38;
	[tilespmem:$0x1EA00] =	vst v63  }
0x5e: {  	_ =	swait.ge [sflag:s21], $0x2000  }
0x5f: {  	[sflag:s21] =	ssyncset.done $0x0  }
0x60: {  	[sflag:s21] =	ssyncadd.s32 $0xFFFFE000  }
0x61: {  	[spmem:s31] =	stream.linear.scatter [tilespmem:s13], [sflag:$0x3], $0x800, $0x38;
	[tilespmem:$0x1EA00] =	vst v63  }
0x62: {  	_ =	swait.ge [sflag:s21], $0x800  }
0x63: {  	[sflag:s21] =	ssyncset.done $0x0  }
0x64: {  	[sflag:s21] =	ssyncadd.s32 $0xFFFFF800  }
0x65: {  	[bflag:$0x0] =	sbarrier.arrive $0xFFFF  }
0x66: {  	s16 =	rddreg [dreg:$0x9]  }
0x67: {  	s17 =	rddreg [dreg:$0xa]  }
0x68: {  	[tilespmem:s13], [sflag:$0x1] =	stream.linear.gather [hbm4b:s16+s4], $0x2000, $0x38;
	[tilespmem:$0x1EA00] =	vst v63  }
0x69: {  	s31 =	rddreg [dreg:$0xb]  }
0x6a: {  	[tilespmem:s22], [sflag:$0x1] =	stream.linear.gather [hbm4b:s17+s4], $0x2000, $0x38;
	[tilespmem:$0x1EA00] =	vst v63  }
0x6b: {  	s1 =	rddreg [dreg:$0xc]  }
0x6c: {  	[tilespmem:s23], [sflag:$0x1] =	stream.linear.gather [hbm4b:s31+s4], $0x80, $0x38;
	[tilespmem:$0x1EA00] =	vst v63  }
0x6d: {  	s5 =	rddreg [dreg:$0xd]  }
0x6e: {  	[tilespmem:s24], [sflag:$0x2] =	stream.linear.gather [hbm4b:s1+s4], $0x2000, $0x38;
	[tilespmem:$0x1EA00] =	vst v63  }
0x6f: {  	s6 =	sld [smem:$0x7F7]  }
0x70: {  	[tilespmem:s25], [sflag:$0x2] =	stream.linear.gather [hbm4b:s5+s4], $0x2000, $0x38;
	[tilespmem:$0x1EA00] =	vst v63  }
0x71: {  	_ = 	snop  }
0x72: {  	[tilespmem:s26], [sflag:$0x2] =	stream.linear.gather [hbm4b:s6+s4], $0x80, $0x38;
	[tilespmem:$0x1EA00] =	vst v63  }
0x73: {  	_ =	swait.ge [sflag:s28], $0x2000  }
0x74: {  	[sflag:s28] =	ssyncset.done $0x0  }
0x75: {  	[sflag:s28] =	ssyncadd.s32 $0xFFFFE000  }
0x76: {  	_ =	swait.ge [sflag:s28], $0x2000  }
0x77: {  	[sflag:s28] =	ssyncset.done $0x0  }
0x78: {  	[sflag:s28] =	ssyncadd.s32 $0xFFFFE000  }
0x79: {  	_ =	swait.ge [sflag:s28], $0x80  }
0x7a: {  	[sflag:s28] =	ssyncset.done $0x0  }
0x7b: {  	[sflag:s28] =	ssyncadd.s32 $0xFFFFFF80  }
0x7c: {  	v0 =	vld [tilespmem:$0x16800]  }
0x7d: {  	v1 =	vld [tilespmem:$0x16820]  }
0x7e: {  	v2 =	vld [tilespmem:$0x16810]  }
0x7f: {  	v3 =	vld [tilespmem:$0x16830];
	_ =	sdelay $0x1  }
0x80: {  	v0 =	vshra.s32 v0, $0x3  }
0x81: {  	[tilespmem:$0x16900] =	vst v0;
	v0 =	vshra.s32 v1, $0x3  }
0x82: {  	v1 =	vshra.s32 v2, $0x3;
	[tilespmem:$0x16920] =	vst v0  }
0x83: {  	v0 =	vshra.s32 v3, $0x3;
	[tilespmem:$0x16910] =	vst v1  }
0x84: {  	[tilespmem:$0x16930] =	vst v0  }
0x85: {  	[spmem:s2] =	stream.indirect.scatter.add.f32 [tilespmem:s13], [sflag:$0x3], $0x80, s23, s18, $0xb8;
	[tilespmem:$0x1EA00] =	vst v63  }
0x86: {  	_ =	swait.ge [sflag:s21], $0x2000  }
0x87: {  	[sflag:s21] =	ssyncset.done $0x0  }
0x88: {  	[sflag:s21] =	ssyncadd.s32 $0xFFFFE000  }
0x89: {  	[spmem:s3] =	stream.indirect.scatter.add.f32 [tilespmem:s22], [sflag:$0x3], $0x80, s19, s18, $0xb8;
	[tilespmem:$0x1EA00] =	vst v63  }
0x8a: {  	_ =	swait.ge [sflag:s21], $0x2000  }
0x8b: {  	s12 =	simm.s32 $0x20;
	s9 =	sld [smem:$0x7F5]  }
0x8c: {  	s15 =	sand.u32 $0x60, s12;
	s8 =	rddreg [dreg:$0x5]  }
0x8d: {  	[sflag:s21] =	ssyncset.done $0x0;
	s17 =	sld [smem:$0x7F6];
	s14 =	sadd.s32 $0x30, s8  }
0x8e: {  	[sflag:s21] =	ssyncadd.s32 $0xFFFFE000;
	s16 =	sadd.s32 $0xFFFFFFF0, s14;
	s11 =	sadd.s32 s9, s29  }
0x8f: {  	[tilespmem:s13], [sflag:$0x1] =	stream.linear.gather [hbm4b:s11+s4], $0x2000, $0x38;
	[tilespmem:$0x1EA00] =	vst v63  }
0x90: {  	s0 =	sadd.s32 s7, s15;
	s31 =	sadd.s32 s17, s29;
	s1 =	sand.u32 $0xFFFFF80, s16  }
0x91: {  	[tilespmem:s22], [sflag:$0x1] =	stream.linear.gather [hbm4b:s31+s4], $0x2000, $0x38;
	[tilespmem:$0x1EA00] =	vst v63  }
0x92: {  	s0 =	sadd.s32 s1, s0  }
0x93: {  	[tilespmem:s23], [sflag:$0x1] =	stream.linear.gather [hbm4b:s0+s4], $0x80, $0x38;
	[tilespmem:$0x1EA00] =	vst v63  }
0x94: {  	_ =	swait.ge [sflag:s20], $0x2000  }
0x95: {  	[sflag:s20] =	ssyncset.done $0x0  }
0x96: {  	[sflag:s20] =	ssyncadd.s32 $0xFFFFE000  }
0x97: {  	_ =	swait.ge [sflag:s20], $0x2000  }
0x98: {  	[sflag:s20] =	ssyncset.done $0x0  }
0x99: {  	[sflag:s20] =	ssyncadd.s32 $0xFFFFE000  }
0x9a: {  	_ =	swait.ge [sflag:s20], $0x80  }
0x9b: {  	[sflag:s20] =	ssyncset.done $0x0  }
0x9c: {  	s15 =	sand.u32 $0xFFFFF80, s14;
	[sflag:s20] =	ssyncadd.s32 $0xFFFFFF80  }
0x9d: {  	s8 =	smov.u32 s17;
	s5 =	smov.u32 s9;
	s6 =	smov.u32 s17;
	v0 =	vld [tilespmem:$0x16880]  }
0x9e: {  	s11 =	simm.s32 $0x50;
	s1 =	smov.u32 s9;
	s0 =	simm.s32 $0x30;
	v1 =	vld [tilespmem:$0x16890]  }
.LBB2_2:
0x9f: {  	v2 =	vld [tilespmem:$0x168A0]  }
0xa0: {  	v3 =	vld [tilespmem:$0x168B0];
	_ =	sdelay $0x1  }
0xa1: {  	v0 =	vshra.s32 v0, $0x3  }
0xa2: {  	[tilespmem:$0x16980] =	vst v0;
	v0 =	vshra.s32 v1, $0x3  }
0xa3: {  	[tilespmem:$0x16990] =	vst v0;
	v0 =	vshra.s32 v2, $0x3  }
0xa4: {  	[tilespmem:$0x169A0] =	vst v0;
	v0 =	vshra.s32 v3, $0x3  }
0xa5: {  	[tilespmem:$0x169B0] =	vst v0  }
0xa6: {  	[spmem:s2] =	stream.indirect.scatter.add.f32 [tilespmem:s24], [sflag:$0x3], $0x80, s26, s18, $0xb8;
	[tilespmem:$0x1EA00] =	vst v63  }
0xa7: {  	_ =	swait.ge [sflag:s21], $0x2000  }
0xa8: {  	[sflag:s21] =	ssyncset.done $0x0  }
0xa9: {  	[sflag:s21] =	ssyncadd.s32 $0xFFFFE000  }
0xaa: {  	[spmem:s3] =	stream.indirect.scatter.add.f32 [tilespmem:s25], [sflag:$0x3], $0x80, s10, s18, $0xb8;
	[tilespmem:$0x1EA00] =	vst v63  }
0xab: {  	_ =	swait.ge [sflag:s21], $0x2000  }
0xac: {  	[sflag:s21] =	ssyncset.done $0x0  }
0xad: {  	s17 =	sadd.s32 s5, s30;
	s0 =	sand.u32 $0x70, s0;
	[sflag:s21] =	ssyncadd.s32 $0xFFFFE000  }
0xae: {  	[tilespmem:s24], [sflag:$0x2] =	stream.linear.gather [hbm4b:s17+s4], $0x2000, $0x38;
	[tilespmem:$0x1EA00] =	vst v63  }
0xaf: {  	s12 =	sadd.s32 s6, s30;
	s14 =	sadd.s32 s7, s0  }
0xb0: {  	[tilespmem:s25], [sflag:$0x2] =	stream.linear.gather [hbm4b:s12+s4], $0x2000, $0x38;
	[tilespmem:$0x1EA00] =	vst v63  }
0xb1: {  	s15 =	sadd.s32 s15, s14  }
0xb2: {  	[tilespmem:s26], [sflag:$0x2] =	stream.linear.gather [hbm4b:s15+s4], $0x80, $0x38;
	[tilespmem:$0x1EA00] =	vst v63  }
0xb3: {  	_ =	swait.ge [sflag:s28], $0x2000  }
0xb4: {  	[sflag:s28] =	ssyncset.done $0x0  }
0xb5: {  	[sflag:s28] =	ssyncadd.s32 $0xFFFFE000  }
0xb6: {  	_ =	swait.ge [sflag:s28], $0x2000  }
0xb7: {  	[sflag:s28] =	ssyncset.done $0x0  }
0xb8: {  	[sflag:s28] =	ssyncadd.s32 $0xFFFFE000  }
0xb9: {  	_ =	swait.ge [sflag:s28], $0x80  }
0xba: {  	[sflag:s28] =	ssyncset.done $0x0  }
0xbb: {  	[sflag:s28] =	ssyncadd.s32 $0xFFFFFF80  }
0xbc: {  	v0 =	vld [tilespmem:$0x16800]  }
0xbd: {  	v1 =	vld [tilespmem:$0x16810]  }
0xbe: {  	v2 =	vld [tilespmem:$0x16820]  }
0xbf: {  	v3 =	vld [tilespmem:$0x16830];
	_ =	sdelay $0x1  }
0xc0: {  	v0 =	vshra.s32 v0, $0x3  }
0xc1: {  	v1 =	vshra.s32 v1, $0x3;
	[tilespmem:$0x16900] =	vst v0  }
0xc2: {  	v0 =	vshra.s32 v2, $0x3;
	[tilespmem:$0x16910] =	vst v1  }
0xc3: {  	[tilespmem:$0x16920] =	vst v0;
	v0 =	vshra.s32 v3, $0x3  }
0xc4: {  	[tilespmem:$0x16930] =	vst v0  }
0xc5: {  	[spmem:s2] =	stream.indirect.scatter.add.f32 [tilespmem:s13], [sflag:$0x3], $0x80, s23, s18, $0xb8;
	[tilespmem:$0x1EA00] =	vst v63  }
0xc6: {  	_ =	swait.ge [sflag:s21], $0x2000  }
0xc7: {  	s16 =	smov.u32 s11;
	[sflag:s21] =	ssyncset.done $0x0  }
0xc8: {  	s1 =	sadd.s32 $0x800, s1;
	s0 =	smov.u32 s16;
	[sflag:s21] =	ssyncadd.s32 $0xFFFFE000  }
0xc9: {  	[spmem:s3] =	stream.indirect.scatter.add.f32 [tilespmem:s22], [sflag:$0x3], $0x80, s19, s18, $0xb8;
	[tilespmem:$0x1EA00] =	vst v63  }
0xca: {  	s17 =	sadd.s32 $0xFFFFFFF0, s0;
	s12 =	sadd.s32 s1, s29;
	_ =	swait.ge [sflag:s21], $0x2000  }
0xcb: {  	s15 =	sand.u32 $0x60, s17;
	[sflag:s21] =	ssyncset.done $0x0;
	s9 =	rddreg [dreg:$0x5]  }
0xcc: {  	s31 =	sadd.s32 s7, s15;
	[sflag:s21] =	ssyncadd.s32 $0xFFFFE000;
	s15 =	sadd.s32 s0, s9  }
0xcd: {  	[tilespmem:s13], [sflag:$0x1] =	stream.linear.gather [hbm4b:s12+s4], $0x2000, $0x38;
	[tilespmem:$0x1EA00] =	vst v63  }
0xce: {  	s8 =	sadd.s32 $0x800, s8;
	s14 =	sadd.s32 $0xFFFFFFF0, s15  }
0xcf: {  	s9 =	sadd.s32 s8, s29;
	s17 =	sand.u32 $0xFFFFF80, s14  }
0xd0: {  	[tilespmem:s22], [sflag:$0x1] =	stream.linear.gather [hbm4b:s9+s4], $0x2000, $0x38;
	[tilespmem:$0x1EA00] =	vst v63  }
0xd1: {  	s31 =	sadd.s32 s17, s31  }
0xd2: {  	[tilespmem:s23], [sflag:$0x1] =	stream.linear.gather [hbm4b:s31+s4], $0x80, $0x38;
	[tilespmem:$0x1EA00] =	vst v63  }
0xd3: {  	_ =	swait.ge [sflag:s20], $0x2000  }
0xd4: {  	[sflag:s20] =	ssyncset.done $0x0  }
0xd5: {  	[sflag:s20] =	ssyncadd.s32 $0xFFFFE000  }
0xd6: {  	_ =	swait.ge [sflag:s20], $0x2000  }
0xd7: {  	[sflag:s20] =	ssyncset.done $0x0  }
0xd8: {  	p0 =	sne.s32 s11, $0x4F0;
	[sflag:s20] =	ssyncadd.s32 $0xFFFFE000  }
.Ltmp0:
0xd9: {  	_ =	swait.ge [sflag:s20], $0x80;
	(pc) =	sbr.rel @p0 .LBB2_2-.Ltmp0, $4  }
0xda: {  	[sflag:s20] =	ssyncset.done $0x0  }
0xdb: {  	[sflag:s20] =	ssyncadd.s32 $0xFFFFFF80  }
0xdc: {  	s11 =	sadd.s32 $0x20, s11;
	v0 =	vld [tilespmem:$0x16880]  }
0xdd: {  	s5 =	smov.u32 s1;
	s6 =	smov.u32 s8;
	s15 =	sand.u32 $0xFFFFF80, s15;
	v1 =	vld [tilespmem:$0x16890]  }
0xde: {  	v2 =	vld [tilespmem:$0x168A0]  }
0xdf: {  	v3 =	vld [tilespmem:$0x168B0];
	_ =	sdelay $0x1  }
0xe0: {  	v0 =	vshra.s32 v0, $0x3  }
0xe1: {  	[tilespmem:$0x16980] =	vst v0;
	v47 =	vshra.s32 v1, $0x3  }
0xe2: {  	[tilespmem:$0x16990] =	vst v47;
	v48 =	vshra.s32 v2, $0x3  }
0xe3: {  	v49 =	vshra.s32 v3, $0x3;
	[tilespmem:$0x169A0] =	vst v48  }
0xe4: {  	[tilespmem:$0x169B0] =	vst v49  }
0xe5: {  	[spmem:s2] =	stream.indirect.scatter.add.f32 [tilespmem:s24], [sflag:$0x3], $0x80, s26, s18, $0xb8;
	[tilespmem:$0x1EA00] =	vst v63  }
0xe6: {  	_ =	swait.ge [sflag:s21], $0x2000  }
0xe7: {  	[sflag:s21] =	ssyncset.done $0x0  }
0xe8: {  	[sflag:s21] =	ssyncadd.s32 $0xFFFFE000  }
0xe9: {  	[spmem:s3] =	stream.indirect.scatter.add.f32 [tilespmem:s25], [sflag:$0x3], $0x80, s10, s18, $0xb8;
	[tilespmem:$0x1EA00] =	vst v63  }
0xea: {  	_ =	swait.ge [sflag:s21], $0x2000  }
0xeb: {  	[sflag:s21] =	ssyncset.done $0x0  }
0xec: {  	s1 =	sadd.s32 s5, s30;
	s0 =	sand.u32 $0x70, s0;
	[sflag:s21] =	ssyncadd.s32 $0xFFFFE000  }
0xed: {  	[tilespmem:s24], [sflag:$0x2] =	stream.linear.gather [hbm4b:s1+s4], $0x2000, $0x38;
	[tilespmem:$0x1EA00] =	vst v63  }
0xee: {  	s6 =	sadd.s32 s6, s30;
	s0 =	sadd.s32 s7, s0  }
0xef: {  	[tilespmem:s25], [sflag:$0x2] =	stream.linear.gather [hbm4b:s6+s4], $0x2000, $0x38;
	[tilespmem:$0x1EA00] =	vst v63  }
0xf0: {  	s0 =	sadd.s32 s15, s0  }
0xf1: {  	[tilespmem:s26], [sflag:$0x2] =	stream.linear.gather [hbm4b:s0+s4], $0x80, $0x38;
	[tilespmem:$0x1EA00] =	vst v63  }
0xf2: {  	_ =	swait.ge [sflag:s28], $0x2000  }
0xf3: {  	[sflag:s28] =	ssyncset.done $0x0  }
0xf4: {  	[sflag:s28] =	ssyncadd.s32 $0xFFFFE000  }
0xf5: {  	_ =	swait.ge [sflag:s28], $0x2000  }
0xf6: {  	[sflag:s28] =	ssyncset.done $0x0  }
0xf7: {  	[sflag:s28] =	ssyncadd.s32 $0xFFFFE000  }
0xf8: {  	_ =	swait.ge [sflag:s28], $0x80  }
0xf9: {  	[sflag:s28] =	ssyncset.done $0x0  }
0xfa: {  	[sflag:s28] =	ssyncadd.s32 $0xFFFFFF80  }
0xfb: {  	v50 =	vld [tilespmem:$0x16800]  }
0xfc: {  	v51 =	vld [tilespmem:$0x16810]  }
0xfd: {  	v52 =	vld [tilespmem:$0x16820]  }
0xfe: {  	v53 =	vld [tilespmem:$0x16830];
	_ =	sdelay $0x1  }
0xff: {  	v0 =	vshra.s32 v50, $0x3  }
0x100: {  	v54 =	vshra.s32 v51, $0x3;
	[tilespmem:$0x16900] =	vst v0  }
0x101: {  	v55 =	vshra.s32 v52, $0x3;
	[tilespmem:$0x16910] =	vst v54  }
0x102: {  	v56 =	vshra.s32 v53, $0x3;
	[tilespmem:$0x16920] =	vst v55  }
0x103: {  	[tilespmem:$0x16930] =	vst v56  }
0x104: {  	[spmem:s2] =	stream.indirect.scatter.add.f32 [tilespmem:s13], [sflag:$0x3], $0x80, s23, s18, $0xb8;
	[tilespmem:$0x1EA00] =	vst v63  }
0x105: {  	_ =	swait.ge [sflag:s21], $0x2000  }
0x106: {  	[sflag:s21] =	ssyncset.done $0x0  }
0x107: {  	[sflag:s21] =	ssyncadd.s32 $0xFFFFE000  }
0x108: {  	[spmem:s3] =	stream.indirect.scatter.add.f32 [tilespmem:s22], [sflag:$0x3], $0x80, s19, s18, $0xb8;
	[tilespmem:$0x1EA00] =	vst v63  }
0x109: {  	_ =	swait.ge [sflag:s21], $0x2000  }
0x10a: {  	[sflag:s21] =	ssyncset.done $0x0  }
0x10b: {  	[sflag:s21] =	ssyncadd.s32 $0xFFFFE000  }
0x10c: {  	_ =	swait.ge [sflag:s20], $0x2000  }
0x10d: {  	[sflag:s20] =	ssyncset.done $0x0  }
0x10e: {  	[sflag:s20] =	ssyncadd.s32 $0xFFFFE000  }
0x10f: {  	_ =	swait.ge [sflag:s20], $0x2000  }
0x110: {  	[sflag:s20] =	ssyncset.done $0x0  }
0x111: {  	[sflag:s20] =	ssyncadd.s32 $0xFFFFE000  }
0x112: {  	_ =	swait.ge [sflag:s20], $0x80  }
0x113: {  	[sflag:s20] =	ssyncset.done $0x0  }
0x114: {  	[sflag:s20] =	ssyncadd.s32 $0xFFFFFF80  }
0x115: {  	v57 =	vld [tilespmem:$0x16880]  }
0x116: {  	v58 =	vld [tilespmem:$0x16890]  }
0x117: {  	v59 =	vld [tilespmem:$0x168A0]  }
0x118: {  	v60 =	vld [tilespmem:$0x168B0];
	_ =	sdelay $0x1  }
0x119: {  	v0 =	vshra.s32 v57, $0x3  }
0x11a: {  	v61 =	vshra.s32 v58, $0x3;
	[tilespmem:$0x16980] =	vst v0  }
0x11b: {  	v62 =	vshra.s32 v59, $0x3;
	[tilespmem:$0x16990] =	vst v61  }
0x11c: {  	v63 =	vshra.s32 v60, $0x3;
	[tilespmem:$0x169A0] =	vst v62  }
0x11d: {  	[tilespmem:$0x169B0] =	vst v63  }
0x11e: {  	[spmem:s2] =	stream.indirect.scatter.add.f32 [tilespmem:s24], [sflag:$0x3], $0x80, s26, s18, $0xb8;
	[tilespmem:$0x1EA00] =	vst v63  }
0x11f: {  	_ =	swait.ge [sflag:s21], $0x2000  }
0x120: {  	[sflag:s21] =	ssyncset.done $0x0  }
0x121: {  	[sflag:s21] =	ssyncadd.s32 $0xFFFFE000  }
0x122: {  	[spmem:s3] =	stream.indirect.scatter.add.f32 [tilespmem:s25], [sflag:$0x3], $0x80, s10, s18, $0xb8;
	[tilespmem:$0x1EA00] =	vst v63  }
0x123: {  	_ =	swait.ge [sflag:s21], $0x2000  }
0x124: {  	[sflag:s21] =	ssyncset.done $0x0  }
0x125: {  	[sflag:s21] =	ssyncadd.s32 $0xFFFFE000  }
0x126: {  	[bflag:$0x0] =	sbarrier.arrive $0xFFFF  }
0x127: {  	s8 =	rddreg [dreg:$0x7]  }
0x128: {  	[tilespmem:s13], [sflag:$0x3] =	stream.linear.gather [spmem:s8], $0x2000, $0x38;
	[tilespmem:$0x1EA00] =	vst v63  }
0x129: {  	_ =	swait.ge [sflag:s21], $0x2000  }
0x12a: {  	[sflag:s21] =	ssyncset.done $0x0  }
0x12b: {  	s9 =	rddreg [dreg:$0xe];
	[sflag:s21] =	ssyncadd.s32 $0xFFFFE000  }
0x12c: {  	[hbm4b:s9+s4] =	stream.linear.scatter [tilespmem:s13], [sflag:$0x3], $0x2000, $0x38;
	[tilespmem:$0x1EA00] =	vst v63  }
0x12d: {  	_ =	swait.ge [sflag:s21], $0x2000  }
0x12e: {  	[sflag:s21] =	ssyncset.done $0x0  }
0x12f: {  	s1 =	rddreg [dreg:$0x1a];
	[sflag:s21] =	ssyncadd.s32 $0xFFFFE000  }
0x130: {  	[tilespmem:s13], [sflag:$0x3] =	stream.linear.gather [spmem:s1], $0x2000, $0x38;
	[tilespmem:$0x1EA00] =	vst v63  }
0x131: {  	_ =	swait.ge [sflag:s21], $0x2000  }
0x132: {  	[sflag:s21] =	ssyncset.done $0x0  }
0x133: {  	s11 =	rddreg [dreg:$0xf];
	[sflag:s21] =	ssyncadd.s32 $0xFFFFE000  }
0x134: {  	[hbm4b:s11+s4] =	stream.linear.scatter [tilespmem:s13], [sflag:$0x3], $0x2000, $0x38;
	[tilespmem:$0x1EA00] =	vst v63  }
0x135: {  	_ =	swait.ge [sflag:s21], $0x2000  }
0x136: {  	[sflag:s21] =	ssyncset.done $0x0  }
0x137: {  	s5 =	rddreg [dreg:$0x1b];
	[sflag:s21] =	ssyncadd.s32 $0xFFFFE000  }
0x138: {  	[tilespmem:s13], [sflag:$0x3] =	stream.linear.gather [spmem:s5], $0x2000, $0x38;
	[tilespmem:$0x1EA00] =	vst v63  }
0x139: {  	_ =	swait.ge [sflag:s21], $0x2000  }
0x13a: {  	[sflag:s21] =	ssyncset.done $0x0  }
0x13b: {  	s12 =	rddreg [dreg:$0x11];
	[sflag:s21] =	ssyncadd.s32 $0xFFFFE000  }
0x13c: {  	[hbm4b:s12+s4] =	stream.linear.scatter [tilespmem:s13], [sflag:$0x3], $0x2000, $0x38;
	[tilespmem:$0x1EA00] =	vst v63  }
0x13d: {  	_ =	swait.ge [sflag:s21], $0x2000  }
0x13e: {  	[sflag:s21] =	ssyncset.done $0x0  }
0x13f: {  	s6 =	rddreg [dreg:$0x1c];
	[sflag:s21] =	ssyncadd.s32 $0xFFFFE000  }
0x140: {  	[tilespmem:s13], [sflag:$0x3] =	stream.linear.gather [spmem:s6], $0x2000, $0x38;
	[tilespmem:$0x1EA00] =	vst v63  }
0x141: {  	_ =	swait.ge [sflag:s21], $0x2000  }
0x142: {  	[sflag:s21] =	ssyncset.done $0x0  }
0x143: {  	s14 =	rddreg [dreg:$0x12];
	[sflag:s21] =	ssyncadd.s32 $0xFFFFE000  }
0x144: {  	[hbm4b:s14+s4] =	stream.linear.scatter [tilespmem:s13], [sflag:$0x3], $0x2000, $0x38;
	[tilespmem:$0x1EA00] =	vst v63  }
0x145: {  	_ =	swait.ge [sflag:s21], $0x2000  }
0x146: {  	[sflag:s21] =	ssyncset.done $0x0  }
0x147: {  	s8 =	rddreg [dreg:$0x1d];
	[sflag:s21] =	ssyncadd.s32 $0xFFFFE000  }
0x148: {  	[tilespmem:s13], [sflag:$0x3] =	stream.linear.gather [spmem:s8], $0x2000, $0x38;
	[tilespmem:$0x1EA00] =	vst v63  }
0x149: {  	_ =	swait.ge [sflag:s21], $0x2000  }
0x14a: {  	[sflag:s21] =	ssyncset.done $0x0  }
0x14b: {  	s15 =	rddreg [dreg:$0x13];
	[sflag:s21] =	ssyncadd.s32 $0xFFFFE000  }
0x14c: {  	[hbm4b:s15+s4] =	stream.linear.scatter [tilespmem:s13], [sflag:$0x3], $0x2000, $0x38;
	[tilespmem:$0x1EA00] =	vst v63  }
0x14d: {  	_ =	swait.ge [sflag:s21], $0x2000  }
0x14e: {  	[sflag:s21] =	ssyncset.done $0x0  }
0x14f: {  	s11 =	rddreg [dreg:$0x1e];
	[sflag:s21] =	ssyncadd.s32 $0xFFFFE000  }
0x150: {  	[tilespmem:s13], [sflag:$0x3] =	stream.linear.gather [spmem:s11], $0x2000, $0x38;
	[tilespmem:$0x1EA00] =	vst v63  }
0x151: {  	_ =	swait.ge [sflag:s21], $0x2000  }
0x152: {  	[sflag:s21] =	ssyncset.done $0x0  }
0x153: {  	s16 =	rddreg [dreg:$0x14];
	[sflag:s21] =	ssyncadd.s32 $0xFFFFE000  }
0x154: {  	[hbm4b:s16+s4] =	stream.linear.scatter [tilespmem:s13], [sflag:$0x3], $0x2000, $0x38;
	[tilespmem:$0x1EA00] =	vst v63  }
0x155: {  	_ =	swait.ge [sflag:s21], $0x2000  }
0x156: {  	[sflag:s21] =	ssyncset.done $0x0  }
0x157: {  	s15 =	rddreg [dreg:$0x1f];
	[sflag:s21] =	ssyncadd.s32 $0xFFFFE000  }
0x158: {  	[tilespmem:s13], [sflag:$0x3] =	stream.linear.gather [spmem:s15], $0x2000, $0x38;
	[tilespmem:$0x1EA00] =	vst v63  }
0x159: {  	_ =	swait.ge [sflag:s21], $0x2000  }
0x15a: {  	[sflag:s21] =	ssyncset.done $0x0  }
0x15b: {  	s17 =	rddreg [dreg:$0x15];
	[sflag:s21] =	ssyncadd.s32 $0xFFFFE000  }
0x15c: {  	[hbm4b:s17+s4] =	stream.linear.scatter [tilespmem:s13], [sflag:$0x3], $0x2000, $0x38;
	[tilespmem:$0x1EA00] =	vst v63  }
0x15d: {  	_ =	swait.ge [sflag:s21], $0x2000  }
0x15e: {  	s16 =	sld [smem:$0x7FA]  }
0x15f: {  	[sflag:s21] =	ssyncset.done $0x0  }
0x160: {  	[sflag:s21] =	ssyncadd.s32 $0xFFFFE000  }
0x161: {  	[tilespmem:s13], [sflag:$0x3] =	stream.linear.gather [spmem:s16], $0x2000, $0x38;
	[tilespmem:$0x1EA00] =	vst v63  }
0x162: {  	_ =	swait.ge [sflag:s21], $0x2000  }
0x163: {  	[sflag:s21] =	ssyncset.done $0x0  }
0x164: {  	s9 =	rddreg [dreg:$0x16];
	[sflag:s21] =	ssyncadd.s32 $0xFFFFE000  }
0x165: {  	[hbm4b:s9+s4] =	stream.linear.scatter [tilespmem:s13], [sflag:$0x3], $0x2000, $0x38;
	[tilespmem:$0x1EA00] =	vst v63  }
0x166: {  	_ =	swait.ge [sflag:s21], $0x2000  }
0x167: {  	s14 =	sld [smem:$0x7FB]  }
0x168: {  	[sflag:s21] =	ssyncset.done $0x0  }
0x169: {  	[sflag:s21] =	ssyncadd.s32 $0xFFFFE000  }
0x16a: {  	[tilespmem:s13], [sflag:$0x3] =	stream.linear.gather [spmem:s14], $0x2000, $0x38;
	[tilespmem:$0x1EA00] =	vst v63  }
0x16b: {  	_ =	swait.ge [sflag:s21], $0x2000  }
0x16c: {  	[sflag:s21] =	ssyncset.done $0x0  }
0x16d: {  	s12 =	rddreg [dreg:$0x17];
	[sflag:s21] =	ssyncadd.s32 $0xFFFFE000  }
0x16e: {  	[hbm4b:s12+s4] =	stream.linear.scatter [tilespmem:s13], [sflag:$0x3], $0x2000, $0x38;
	[tilespmem:$0x1EA00] =	vst v63  }
0x16f: {  	_ =	swait.ge [sflag:s21], $0x2000  }
0x170: {  	s12 =	sld [smem:$0x7FC]  }
0x171: {  	[sflag:s21] =	ssyncset.done $0x0  }
0x172: {  	[sflag:s21] =	ssyncadd.s32 $0xFFFFE000  }
0x173: {  	[tilespmem:s13], [sflag:$0x3] =	stream.linear.gather [spmem:s12], $0x2000, $0x38;
	[tilespmem:$0x1EA00] =	vst v63  }
0x174: {  	_ =	swait.ge [sflag:s21], $0x2000  }
0x175: {  	[sflag:s21] =	ssyncset.done $0x0  }
0x176: {  	s17 =	rddreg [dreg:$0x18];
	[sflag:s21] =	ssyncadd.s32 $0xFFFFE000  }
0x177: {  	[hbm4b:s17+s4] =	stream.linear.scatter [tilespmem:s13], [sflag:$0x3], $0x2000, $0x38;
	[tilespmem:$0x1EA00] =	vst v63  }
0x178: {  	_ =	swait.ge [sflag:s21], $0x2000  }
0x179: {  	[sflag:s21] =	ssyncset.done $0x0  }
0x17a: {  	s17 =	rddreg [dreg:$0x8];
	[sflag:s21] =	ssyncadd.s32 $0xFFFFE000  }
0x17b: {  	[tilespmem:s22], [sflag:$0x3] =	stream.linear.gather [spmem:s17], $0x2000, $0x38;
	[tilespmem:$0x1EA00] =	vst v63  }
0x17c: {  	_ =	swait.ge [sflag:s21], $0x2000  }
0x17d: {  	[sflag:s21] =	ssyncset.done $0x0  }
0x17e: {  	s9 =	rddreg [dreg:$0x10];
	[sflag:s21] =	ssyncadd.s32 $0xFFFFE000  }
0x17f: {  	[hbm4b:s9+s4] =	stream.linear.scatter [tilespmem:s22], [sflag:$0x3], $0x2000, $0x38;
	[tilespmem:$0x1EA00] =	vst v63  }
0x180: {  	_ =	swait.ge [sflag:s21], $0x2000  }
0x181: {  	s31 =	sld [smem:$0x7FD]  }
0x182: {  	[sflag:s21] =	ssyncset.done $0x0  }
0x183: {  	[sflag:s21] =	ssyncadd.s32 $0xFFFFE000  }
0x184: {  	[tilespmem:s22], [sflag:$0x3] =	stream.linear.gather [spmem:s31], $0x800, $0x38;
	[tilespmem:$0x1EA00] =	vst v63  }
0x185: {  	_ =	swait.ge [sflag:s21], $0x800  }
0x186: {  	s9 =	sld [smem:$0x7F8]  }
0x187: {  	[sflag:s21] =	ssyncset.done $0x0  }
0x188: {  	[sflag:s21] =	ssyncadd.s32 $0xFFFFF800  }
0x189: {  	[hbm4b:s9+s4] =	stream.linear.scatter [tilespmem:s22], [sflag:$0x3], $0x800, $0x38;
	[tilespmem:$0x1EA00] =	vst v63  }
0x18a: {  	_ =	swait.ge [sflag:s21], $0x800  }
0x18b: {  	s9 =	sld [smem:$0x7F9];
	_ =	sdelay $0x2  }
0x18c: {  	s0 =	rddreg [dreg:$0x19];
	s9 =	sadd.s32 $0x1, s9  }
0x18d: {  	p0 =	sne.s32 s9, s0  }
.Ltmp1:
0x18e: {  	_ = 	snop;
	(pc) =	sbr.rel @p0 .LBB2_1-.Ltmp1, $3  }
0x18f: {  	_ =	sdelay $0x1  }
0x190: {  	[sflag:s21] =	ssyncset.done $0x0;
	[smem:$0x7F9] =	sst s9  }
0x191: {  	[sflag:s21] =	ssyncadd.s32 $0xFFFFF800;
	s9 =	rddreg [dreg:$0x7]  }
0x192: {  	_ =	sfence.sel $0x180000  }
0x193: {  	[bflag:$0x0] =	sbarrier.arrive $0xFFFF  }
0x194: {  	_ =	strace $0x9000004A  }
0x195: {  	s0 =	stileid.u32;
	[bflag:$0x2] =	sbarrier.arrive $0xFFFF  }
0x196: {  	p0 =	sne.s32 s0, $0x0;
	s0 =	rddreg [dreg:$0x4]  }
0x197: {  	s0 =	sadd.s32 @!p0 $0x100000, s0  }
0x198: {  	[sflag:s0] =	ssyncadd.tile.s32 @!p0 $0x1;
	_ =	shalt  }
.Lfunc_end2:
_tile_overlayer_lowered:
.L_overlay_start_2:
0x199: {  	(tag) =	ssettag $0x2  }
0x19a: {  	s0 =	rddreg [dreg:$0x0];
	s2 =	stileid.u32  }
0x19b: {  	s1 =	rddreg [dreg:$0x1];
	p0 =	sne.s32 s2, $0x0  }
0x19c: {  	s3 =	rddreg [dreg:$0x2];
	[bflag:$0x3] =	sbarrier.arrive $0xFFFF;
	s2 =	simm.s32 @!p0 $0x1C03  }
0x19d: {  	[timem:s3], [sflag:s2] =	dma.local @!p0 [hbm:s0], s1  }
0x19e: {  	s0 =	simm.s32 @!p0 $0x3  }
0x19f: {  	_ =	swait.ge @!p0 [sflag:s0], s1  }
0x1a0: {  	s1 =	ssub.s32 @!p0 $0x0, s1;
	[sflag:s0] =	ssyncset.done @!p0 $0x0  }
0x1a1: {  	[sflag:s0] =	ssyncadd.s32 @!p0 s1  }
0x1a2: {  	[bflag:$0x3] =	sbarrier.arrive $0xFFFF  }
0x1a3: {  	_ =	shalt  }

// kernel: kernel.7.cloned.1.call-start
scs
__scs_entry_jumppad:
0x0: {  	(pc) =	sbr.rel $0x88, $3  }
0x1: {  	(tag) =	ssettag $0x0;
	lr =	simm.s32 $0x1  }
0x2: {  	[smem:$0x3F8B] =	sst lr;
	_ =	strace $0xD0000000  }
0x3: {  	_ = 	snop  }
0x4: {  	_ = 	snop  }
0x5: {  	_ = 	snop  }
0x6: {  	_ = 	snop  }
0x7: {  	_ = 	snop  }
__scs_overlays_trampoline_lowered:
0x8: {  	[smem:$0x3F9A] =	sst s0  }
0x9: {  	[smem:$0x3F9B] =	sst s1  }
0xa: {  	[smem:$0x3F9C] =	sst s2  }
0xb: {  	[smem:$0x3F9D] =	sst s3  }
0xc: {  	[smem:$0x3F9E] =	sst s4  }
0xd: {  	[smem:$0x3F9F] =	sst s5  }
0xe: {  	[smem:$0x3FA0] =	sst s6  }
0xf: {  	[smem:$0x3FA1] =	sst s7  }
0x10: {  	[smem:$0x3FA2] =	sst s8  }
0x11: {  	[smem:$0x3FA3] =	sst s9;
	s0 =	simm.s32 @!p0 $0x0  }
0x12: {  	s1 =	sld [smem:$0x3F89];
	s0 =	simm.s32 @p0 $0x1  }
0x13: {  	[smem:$0x3FA4] =	sst s0;
	s0 =	simm.s32 @!p1 $0x0  }
0x14: {  	s2 =	sld [smem:$0x3F88];
	s0 =	simm.s32 @p1 $0x1  }
0x15: {  	[smem:$0x3FA5] =	sst s0;
	s0 =	simm.s32 @!p2 $0x0  }
0x16: {  	s3 =	sld [smem:$0x3FDB];
	s0 =	simm.s32 @p2 $0x1  }
0x17: {  	s4 =	simm.s32 $0x1BF5;
	[smem:$0x3FA7] =	sst s0  }
0x18: {  	s0 =	sld [smem:$0x3F8A];
	_ =	swait.ge [sflag:s4], $0x0  }
0x19: {  	s7 =	sld [smem:$0x3F8B]  }
0x1a: {  	s8 =	sadd.s32 $0xFFFFE003, lr  }
0x1b: {  	s9 =	sadd.s32 $0xFFFFFEF7, lr;
	s5 =	simm.s32 $0xFFFFFFFF;
	p2 =	slt.u32 s8, $0xFFFFF086  }
0x1c: {  	p1 =	slt.u32 s9, $0xF7A;
	s5 =	simm.s32 @!p2 $0x0  }
0x1d: {  	s5 =	simm.s32 @p1 $0x1;
	p0 =	seq.s32 s7, s2  }
0x1e: {  	s7 =	smul.u32 @!p0 $0xF7A, s2;
	p2 =	seq.s32 @!p0 s5, $0x0  }
0x1f: {  	s9 =	smul.u32 $0xF7A, s1;
	s8 =	simm.s32 @!p0 $0x1BF5;
	p2 =	por !p2, p0  }
0x20: {  	[sflag:s8] =	ssyncset.s32 @!p0 $0xFFFFF086;
	s6 =	sadd.s32 @!p0 s3, s7;
	s7 =	simm.s32 @!p0 $0x108  }
0x21: {  	s3 =	sadd.s32 s3, s9;
	s6 =	sadd.s32 @!p0 $0x88, s6;
	s7 =	simm.s32 @p2 $0x1082  }
0x22: {  	[simem:s7], [sflag:s8] =	dma.local @!p0 [hbm:s6], $0xF7A  }
0x23: {  	s9 =	sor.u32 $0xD0000000, s2;
	s6 =	simm.s32 $0x108;
	_ =	swait.ge @!p0 [sflag:s8], $0x0  }
0x24: {  	s3 =	sadd.s32 $0x88, s3;
	s6 =	simm.s32 @!p1 $0x1082;
	[sflag:s4] =	ssyncset.s32 $0xFFFFF086  }
0x25: {  	[simem:s6], [sflag:s4] =	dma.local [hbm:s3], $0xF7A  }
0x26: {  	[smem:$0x3F8B] =	sst s1;
	(tag) =	ssettag s2;
	_ =	strace s9  }
0x27: {  	s1 =	sld [smem:$0x3F9B]  }
0x28: {  	s2 =	sld [smem:$0x3F9C]  }
0x29: {  	s4 =	sld [smem:$0x3F9E]  }
0x2a: {  	p0 =	seq.s32 s5, $0x0;
	s5 =	sld [smem:$0x3F9F]  }
0x2b: {  	s6 =	sld [smem:$0x3FA0]  }
0x2c: {  	s7 =	sld [smem:$0x3FA1]  }
0x2d: {  	s3 =	simm.s32 $0x108;
	s8 =	sld [smem:$0x3FA2]  }
0x2e: {  	s3 =	simm.s32 @!p0 $0x1082;
	s9 =	sld [smem:$0x3FA3]  }
0x2f: {  	lr =	sadd.s32 s0, s3;
	s0 =	sld [smem:$0x3F9A]  }
0x30: {  	s3 =	sld [smem:$0x3F9D]  }
0x31: {  	[smem:$0x3FA6] =	sst s10  }
0x32: {  	s10 =	sld [smem:$0x3FA4];
	_ =	sdelay $0x3  }
0x33: {  	p0 =	seq.s32 s10, $0x1;
	s10 =	sld [smem:$0x3FA6];
	_ =	sdelay $0x3  }
0x34: {  	[smem:$0x3FA6] =	sst s10  }
0x35: {  	s10 =	sld [smem:$0x3FA5];
	_ =	sdelay $0x3  }
0x36: {  	p1 =	seq.s32 s10, $0x1;
	s10 =	sld [smem:$0x3FA6];
	_ =	sdelay $0x3  }
0x37: {  	[smem:$0x3FA6] =	sst s10  }
0x38: {  	s10 =	sld [smem:$0x3FA7]  }
0x39: {  	_ = 	snop;
	(pc) =	sbr.ind lr, $3  }
0x3a: {  	_ = 	snop  }
0x3b: {  	_ = 	snop  }
0x3c: {  	p2 =	seq.s32 s10, $0x1;
	s10 =	sld [smem:$0x3FA6]  }
0x3d: {  	_ =	shalt  }
0x3e: {  	_ =	shalt  }
0x3f: {  	_ =	shalt  }
0x40: {  	_ =	shalt  }
0x41: {  	_ =	shalt  }
0x42: {  	_ =	shalt  }
0x43: {  	_ =	shalt  }
0x44: {  	_ =	shalt  }
0x45: {  	_ =	shalt  }
0x46: {  	_ =	shalt  }
0x47: {  	_ =	shalt  }
0x48: {  	_ =	shalt  }
0x49: {  	_ =	shalt  }
0x4a: {  	_ =	shalt  }
0x4b: {  	_ =	shalt  }
0x4c: {  	_ =	shalt  }
0x4d: {  	_ =	shalt  }
0x4e: {  	_ =	shalt  }
0x4f: {  	_ =	shalt  }
0x50: {  	_ =	shalt  }
0x51: {  	_ =	shalt  }
0x52: {  	_ =	shalt  }
0x53: {  	_ =	shalt  }
0x54: {  	_ =	shalt  }
0x55: {  	_ =	shalt  }
0x56: {  	_ =	shalt  }
0x57: {  	_ =	shalt  }
0x58: {  	_ =	shalt  }
0x59: {  	_ =	shalt  }
0x5a: {  	_ =	shalt  }
0x5b: {  	_ =	shalt  }
0x5c: {  	_ =	shalt  }
0x5d: {  	_ =	shalt  }
0x5e: {  	_ =	shalt  }
0x5f: {  	_ =	shalt  }
0x60: {  	_ =	shalt  }
0x61: {  	_ =	shalt  }
0x62: {  	_ =	shalt  }
0x63: {  	_ =	shalt  }
0x64: {  	_ =	shalt  }
0x65: {  	_ =	shalt  }
0x66: {  	_ =	shalt  }
0x67: {  	_ =	shalt  }
0x68: {  	_ =	shalt  }
0x69: {  	_ =	shalt  }
0x6a: {  	_ =	shalt  }
0x6b: {  	_ =	shalt  }
0x6c: {  	_ =	shalt  }
0x6d: {  	_ =	shalt  }
0x6e: {  	_ =	shalt  }
0x6f: {  	_ =	shalt  }
0x70: {  	_ =	shalt  }
0x71: {  	_ =	shalt  }
0x72: {  	_ =	shalt  }
0x73: {  	_ =	shalt  }
0x74: {  	_ =	shalt  }
0x75: {  	_ =	shalt  }
0x76: {  	_ =	shalt  }
0x77: {  	_ =	shalt  }
0x78: {  	_ =	shalt  }
0x79: {  	_ =	shalt  }
0x7a: {  	_ =	shalt  }
0x7b: {  	_ =	shalt  }
0x7c: {  	_ =	shalt  }
0x7d: {  	_ =	shalt  }
0x7e: {  	_ =	shalt  }
0x7f: {  	_ =	shalt  }
0x80: {  	_ =	shalt  }
0x81: {  	_ =	shalt  }
0x82: {  	_ =	shalt  }
0x83: {  	_ =	shalt  }
0x84: {  	_ =	shalt  }
0x85: {  	_ =	shalt  }
0x86: {  	_ =	shalt  }
0x87: {  	_ =	shalt  }
.Lfunc_end0:
.L_simem_size_0:
called_computation_lowered:
.L_overlay_start_0:
0x88: {  	s2 =	sld [smem:$0x3FD9]  }
0x89: {  	s3 =	sld [smem:$0x3FFE];
	_ =	sdelay $0x1  }
0x8a: {  	s1 =	srdreg.scid  }
0x8b: {  	s0 =	sand.u32 $0x1, s1  }
0x8c: {  	s17 =	sshll.u32 s0, $0xA;
	s2 =	sadd.s32 s3, s2  }
0x8d: {  	s2 =	sadd.s32 s2, s17  }
0x8e: {  	[smem:$0x3FB2] =	sst s2  }
0x8f: {  	_ = 	snop  }
0x90: {  	s2 =	sld [smem:$0x3FD0];
	(tm) =	ssettm $0x1  }
0x91: {  	s18 =	sld [smem:$0x3FFB];
	_ =	sdelay $0x3  }
0x92: {  	_ =	strace s18  }
0x93: {  	s3 =	sld [smem:$0x3FFC];
	_ =	sdelay $0x3  }
0x94: {  	_ =	strace s3  }
0x95: {  	s3 =	sld [smem:$0x3FFD];
	_ =	sdelay $0x3  }
0x96: {  	_ =	strace s3  }
0x97: {  	_ =	strace $0x8FFFFFFF  }
0x98: {  	s19 =	sld [smem:$0x3FDB];
	_ =	sdelay $0x1  }
0x99: {  	s4 =	simm.s32 $_scs_section_size  }
0x9a: {  	s5 =	simm.s32 $_size__tile_overlayer_lowered;
	s6 =	simm.s32 $_tile_overlayer_lowered  }
0x9b: {  	s22 =	simm.s32 $0x1BFF;
	s21 =	sshll.u32 s6, $0x1;
	s3 =	sadd.s32 s4, s19  }
0x9c: {  	s7 =	simm.s32 $0x0;
	s20 =	sshll.u32 s5, $0x1;
	s5 =	sadd.s32 s21, s3  }
0x9d: {  	[timem:s7], [sflag:s22] =	dma.local [hbm:s5], s20  }
0x9e: {  	_ =	swait.ge [sflag:s22], s20  }
0x9f: {  	s4 =	ssub.s32 $0x0, s20;
	[sflag:s22] =	ssyncset.done $0x0  }
0xa0: {  	[sflag:s22] =	ssyncadd.s32 s4;
	_ =	sdelay $0x1  }
0xa1: {  	s23 =	simm.s32 $0x1B8B  }
0xa2: {  	_ =	swait.ge [sflag:s23], $0x1  }
0xa3: {  	[sflag:s23] =	ssyncset.done $0x0  }
0xa4: {  	s25 =	simm.s32 $0x1B8E;
	s24 =	sld [smem:$0x3FFE];
	[sflag:s23] =	ssyncadd.s32 $0xFFFFFFFF  }
0xa5: {  	s26 =	simm.s32 $execute0_lowered;
	[smem:$0x3FD2] =	sst s25  }
0xa6: {  	s5 =	sshll.u32 s26, $0x1;
	_ =	strace $0x80000046;
	[dreg:$0x1] =	wrdreg $0xFFFFFFFF  }
0xa7: {  	s28 =	simm.s32 $_size_execute0_lowered;
	s3 =	sadd.s32 s3, s5;
	[dreg:$0x0] =	wrdreg $0x0  }
0xa8: {  	s5 =	sshll.u32 s28, $0x1;
	[dreg:$0x2] =	wrdreg s3  }
0xa9: {  	[dreg:$0x3] =	wrdreg s5  }
0xaa: {  	[dreg:$0x4] =	wrdreg $0xC0  }
0xab: {  	_ =	task [dreg:s7], $0x5FFFF  }
0xac: {  	[dreg:$0x1] =	wrdreg $0xFFFFFFFF  }
0xad: {  	[dreg:$0x0] =	wrdreg $0x60  }
0xae: {  	[dreg:$0x2] =	wrdreg s2  }
0xaf: {  	[dreg:$0x3] =	wrdreg s24  }
0xb0: {  	[dreg:$0x4] =	wrdreg $0x9  }
0xb1: {  	_ =	task.clear_ibuf [dreg:s7], $0x5FFFF;
	_ =	strace $0x90000046  }
0xb2: {  	s29 =	simm.s32 $0x9;
	_ =	strace $0x80000048  }
0xb3: {  	_ =	swait.ge [sflag:s29], $0x1  }
0xb4: {  	[sflag:s29] =	ssyncadd.s32 $0xFFFFFFFF  }
0xb5: {  	_ =	strace $0x90000048  }
0xb6: {  	_ =	sfence  }
0xb7: {  	s30 =	sld [smem:$0x0];
	_ =	sdelay $0x2  }
0xb8: {  	s31 =	sshll.u32 s1, $0xD;
	s1 =	sshrl.u32 s1, $0x2  }
0xb9: {  	s3 =	sand.u32 $0x4000, s31;
	s1 =	sadd.s32 s1, s30  }
0xba: {  	s0 =	sor.u32 s3, s0;
	s1 =	sshll.u32 s1, $0x11  }
0xbb: {  	s0 =	sor.u32 s1, s0  }
0xbc: {  	s0 =	sadd.s32 $0x8F2B, s0  }
0xbd: {  	[sflag:s0] =	ssyncadd.remote.s32 $0x1  }
0xbe: {  	_ =	sfence.sel $0xFFFF  }
0xbf: {  	[dreg:$0x0] =	wrdreg $0xFFFFFFFF;
	(pc) =	sbr.abs _section_cstart, $3  }
0xc0: {  	[dreg:$0x1] =	wrdreg $0xFFFFFFFF  }
0xc1: {  	_ =	task.clear_ibuf [dreg:s7], $0x2FFFF;
	_ =	strace $0x9FFFFFFF  }
0xc2: {  	(tm) =	ssettm $0x7FFFFFFF  }
0xc3: {  	_ =	shalt  }
tec
execute0_lowered:
.L_overlay_start_1:
0x0: {  	(tag) =	ssettag $0x1  }
0x1: {  	s2 =	rddreg [dreg:$0x0];
	s1 =	srdreg.scid  }
0x2: {  	s0 =	stileid.u32;
	s5 =	rddreg [dreg:$0x1]  }
0x3: {  	s3 =	simm.s32 $0x0;
	s19 =	simm.s32 $0x5000;
	s20 =	simm.s32 $0x7000  }
0x4: {  	s21 =	simm.s32 $0x80;
	s22 =	simm.s32 $0x9000;
	s23 =	simm.s32 $0x2880  }
0x5: {  	s24 =	simm.s32 $0xB000;
	s25 =	simm.s32 $0x1;
	s26 =	simm.s32 $0x2  }
0x6: {  	s28 =	simm.s32 $0x0;
	s1 =	sand.u32 $0x1, s1;
	s12 =	smul.u32 $0x28000, s0  }
0x7: {  	s4 =	sshll.u32 s0, $0x1;
	[smem:$0x7FF] =	sst s3;
	s16 =	smul.u32 $0x140000, s0  }
0x8: {  	s15 =	sadd.s32 $0x46400, s5;
	s14 =	sadd.s32 $0x2C6400, s5;
	s13 =	smul.u32 $0x14000, s1  }
0x9: {  	s6 =	sor.u32 s1, s4;
	s8 =	ssub.s32 $0x2, s1;
	s1 =	smul.u32 $0xA0000, s1  }
0xa: {  	_ =	strace $0x80000047;
	s4 =	sadd.s32 $0x1F200, s5;
	s7 =	smul.u32 $0x500, s6  }
0xb: {  	s9 =	sshrl.u32 s8, $0x1;
	s6 =	smul.u32 $0xA0000, s6;
	s17 =	sadd.s32 s12, s14  }
0xc: {  	s18 =	sadd.s32 s12, s15;
	s11 =	ssub.s32 s8, s9;
	s17 =	sadd.s32 s13, s17  }
0xd: {  	s1 =	sadd.s32 s1, s16;
	s13 =	sadd.s32 s13, s18;
	s16 =	simm.s32 $0x3  }
0xe: {  	s18 =	simm.s32 $0x40;
	s7 =	sadd.s32 s7, s5;
	s30 =	sshrl.u32 s6, $0x3  }
0xf: {  	s11 =	smax.u32 s11, $0x1;
	s12 =	sadd.s32 $0x400, s17;
	s1 =	sshrl.u32 s1, $0x3  }
0x10: {  	s13 =	sadd.s32 $0x400, s13;
	s17 =	simm.s32 $0x2800;
	s5 =	sadd.s32 $0x15200, s7  }
0x11: {  	s6 =	sadd.s32 $0xB200, s7;
	s31 =	sadd.s32 $0x13800, s30;
	s10 =	sadd.s32 $0x13C00, s30  }
0x12: {  	s7 =	sadd.s32 s15, s31;
	s8 =	sadd.s32 s14, s31;
	s9 =	sadd.s32 s15, s10  }
0x13: {  	s10 =	sadd.s32 s14, s10;
	s14 =	sadd.s32 s1, s14;
	s15 =	sadd.s32 s1, s15  }
.LBB2_1:
0x14: {  	[tilespmem:s3], [sflag:$0x3] =	stream.linear.gather [hbm4b:s5+s3], $0x2800, $0x38;
	[tilespmem:$0xD000] =	vst v63  }
0x15: {  	_ =	swait.ge [sflag:s16], $0x2800  }
0x16: {  	[sflag:s16] =	ssyncset.done $0x0  }
0x17: {  	[sflag:s16] =	ssyncadd.s32 $0xFFFFD800  }
0x18: {  	[tilespmem:s17], [sflag:$0x3] =	stream.linear.gather [hbm4b:s6+s3], $0x2800, $0x38;
	[tilespmem:$0xD000] =	vst v63  }
0x19: {  	_ =	swait.ge [sflag:s16], $0x2800  }
0x1a: {  	[sflag:s16] =	ssyncset.done $0x0  }
0x1b: {  	[sflag:s16] =	ssyncadd.s32 $0xFFFFD800  }
0x1c: {  	[tilespmem:s19], [sflag:$0x1] =	stream.indirect.gather [hbm4b:s2+s18], $0x80, s3, s18, $0xb8;
	[tilespmem:$0xD000] =	vst v63  }
0x1d: {  	_ = 	snop  }
0x1e: {  	[tilespmem:s20], [sflag:$0x1] =	stream.indirect.gather [hbm4b:s4+s18], $0x80, s17, s18, $0xb8;
	[tilespmem:$0xD000] =	vst v63  }
0x1f: {  	_ = 	snop  }
0x20: {  	[tilespmem:s22], [sflag:$0x2] =	stream.indirect.gather [hbm4b:s2+s18], $0x80, s21, s18, $0xb8;
	[tilespmem:$0xD000] =	vst v63  }
0x21: {  	_ = 	snop  }
0x22: {  	[tilespmem:s24], [sflag:$0x2] =	stream.indirect.gather [hbm4b:s4+s18], $0x80, s23, s18, $0xb8;
	[tilespmem:$0xD000] =	vst v63  }
0x23: {  	_ =	swait.ge [sflag:s25], $0x2000  }
0x24: {  	[sflag:s25] =	ssyncset.done $0x0  }
0x25: {  	[sflag:s25] =	ssyncadd.s32 $0xFFFFE000  }
0x26: {  	_ =	swait.ge [sflag:s25], $0x2000  }
0x27: {  	[sflag:s25] =	ssyncset.done $0x0  }
0x28: {  	s1 =	sadd.s32 $0x0, s15;
	[sflag:s25] =	ssyncadd.s32 $0xFFFFE000  }
0x29: {  	[hbm4b:s1+s3] =	stream.linear.scatter [tilespmem:s19], [sflag:$0x3], $0x2000, $0x38;
	[tilespmem:$0xD000] =	vst v63  }
0x2a: {  	_ =	swait.ge [sflag:s16], $0x2000  }
0x2b: {  	[sflag:s16] =	ssyncset.done $0x0  }
0x2c: {  	s0 =	sadd.s32 $0x0, s14;
	[sflag:s16] =	ssyncadd.s32 $0xFFFFE000  }
0x2d: {  	[hbm4b:s0+s3] =	stream.linear.scatter [tilespmem:s20], [sflag:$0x3], $0x2000, $0x38;
	[tilespmem:$0xD000] =	vst v63  }
0x2e: {  	_ =	swait.ge [sflag:s16], $0x2000  }
0x2f: {  	[sflag:s16] =	ssyncset.done $0x0  }
0x30: {  	s0 =	simm.s32 $0x100;
	[sflag:s16] =	ssyncadd.s32 $0xFFFFE000  }
0x31: {  	[tilespmem:s19], [sflag:$0x1] =	stream.indirect.gather [hbm4b:s2+s18], $0x80, s0, s18, $0xb8;
	[tilespmem:$0xD000] =	vst v63  }
0x32: {  	s0 =	simm.s32 $0x2900  }
0x33: {  	[tilespmem:s20], [sflag:$0x1] =	stream.indirect.gather [hbm4b:s4+s18], $0x80, s0, s18, $0xb8;
	[tilespmem:$0xD000] =	vst v63  }
0x34: {  	_ =	swait.ge [sflag:s26], $0x2000  }
0x35: {  	[sflag:s26] =	ssyncset.done $0x0  }
0x36: {  	[sflag:s26] =	ssyncadd.s32 $0xFFFFE000  }
0x37: {  	_ =	swait.ge [sflag:s26], $0x2000  }
0x38: {  	[sflag:s26] =	ssyncset.done $0x0  }
0x39: {  	s0 =	sadd.s32 $0x0, s13;
	[sflag:s26] =	ssyncadd.s32 $0xFFFFE000  }
0x3a: {  	[hbm4b:s0+s3] =	stream.linear.scatter [tilespmem:s22], [sflag:$0x3], $0x2000, $0x38;
	[tilespmem:$0xD000] =	vst v63  }
0x3b: {  	_ =	swait.ge [sflag:s16], $0x2000  }
0x3c: {  	[sflag:s16] =	ssyncset.done $0x0  }
0x3d: {  	s0 =	sadd.s32 $0x0, s12;
	[sflag:s16] =	ssyncadd.s32 $0xFFFFE000  }
0x3e: {  	[hbm4b:s0+s3] =	stream.linear.scatter [tilespmem:s24], [sflag:$0x3], $0x2000, $0x38;
	[tilespmem:$0xD000] =	vst v63  }
0x3f: {  	s29 =	simm.s32 $0x800;
	_ =	swait.ge [sflag:s16], $0x2000  }
0x40: {  	s30 =	simm.s32 $0x2A00;
	s31 =	simm.s32 $0x200;
	[sflag:s16] =	ssyncset.done $0x0  }
0x41: {  	s1 =	simm.s32 $0x2980;
	s0 =	simm.s32 $0x180;
	[sflag:s16] =	ssyncadd.s32 $0xFFFFE000  }
0x42: {  	[tilespmem:s22], [sflag:$0x2] =	stream.indirect.gather [hbm4b:s2+s18], $0x80, s0, s18, $0xb8;
	[tilespmem:$0xD000] =	vst v63  }
.LBB2_2:
0x43: {  	[tilespmem:s24], [sflag:$0x2] =	stream.indirect.gather [hbm4b:s4+s18], $0x80, s1, s18, $0xb8;
	[tilespmem:$0xD000] =	vst v63  }
0x44: {  	s1 =	smov.u32 s29  }
0x45: {  	p0 =	sne.s32 s29, $0x13000;
	s29 =	sadd.s32 $0x800, s29;
	_ =	swait.ge [sflag:s25], $0x2000  }
0x46: {  	[sflag:s25] =	ssyncset.done $0x0  }
0x47: {  	[sflag:s25] =	ssyncadd.s32 $0xFFFFE000  }
0x48: {  	_ =	swait.ge [sflag:s25], $0x2000  }
0x49: {  	[sflag:s25] =	ssyncset.done $0x0  }
0x4a: {  	s0 =	sadd.s32 s1, s15;
	[sflag:s25] =	ssyncadd.s32 $0xFFFFE000  }
0x4b: {  	[hbm4b:s0+s3] =	stream.linear.scatter [tilespmem:s19], [sflag:$0x3], $0x2000, $0x38;
	[tilespmem:$0xD000] =	vst v63  }
0x4c: {  	_ =	swait.ge [sflag:s16], $0x2000  }
0x4d: {  	[sflag:s16] =	ssyncset.done $0x0  }
0x4e: {  	s0 =	sadd.s32 s1, s14;
	[sflag:s16] =	ssyncadd.s32 $0xFFFFE000  }
0x4f: {  	[hbm4b:s0+s3] =	stream.linear.scatter [tilespmem:s20], [sflag:$0x3], $0x2000, $0x38;
	[tilespmem:$0xD000] =	vst v63  }
0x50: {  	_ =	swait.ge [sflag:s16], $0x2000  }
0x51: {  	[sflag:s16] =	ssyncset.done $0x0  }
0x52: {  	[sflag:s16] =	ssyncadd.s32 $0xFFFFE000  }
0x53: {  	[tilespmem:s19], [sflag:$0x1] =	stream.indirect.gather [hbm4b:s2+s18], $0x80, s31, s18, $0xb8;
	[tilespmem:$0xD000] =	vst v63  }
0x54: {  	_ = 	snop  }
0x55: {  	[tilespmem:s20], [sflag:$0x1] =	stream.indirect.gather [hbm4b:s4+s18], $0x80, s30, s18, $0xb8;
	[tilespmem:$0xD000] =	vst v63  }
0x56: {  	_ =	swait.ge [sflag:s26], $0x2000  }
0x57: {  	[sflag:s26] =	ssyncset.done $0x0  }
0x58: {  	[sflag:s26] =	ssyncadd.s32 $0xFFFFE000  }
0x59: {  	_ =	swait.ge [sflag:s26], $0x2000  }
0x5a: {  	[sflag:s26] =	ssyncset.done $0x0  }
0x5b: {  	s0 =	sadd.s32 s1, s13;
	[sflag:s26] =	ssyncadd.s32 $0xFFFFE000  }
0x5c: {  	[hbm4b:s0+s3] =	stream.linear.scatter [tilespmem:s22], [sflag:$0x3], $0x2000, $0x38;
	[tilespmem:$0xD000] =	vst v63  }
0x5d: {  	_ =	swait.ge [sflag:s16], $0x2000  }
0x5e: {  	[sflag:s16] =	ssyncset.done $0x0  }
0x5f: {  	s0 =	sadd.s32 s1, s12;
	[sflag:s16] =	ssyncadd.s32 $0xFFFFE000  }
0x60: {  	[hbm4b:s0+s3] =	stream.linear.scatter [tilespmem:s24], [sflag:$0x3], $0x2000, $0x38;
	[tilespmem:$0xD000] =	vst v63  }
.Ltmp0:
0x61: {  	_ =	swait.ge [sflag:s16], $0x2000;
	(pc) =	sbr.rel @p0 .LBB2_2-.Ltmp0, $4  }
0x62: {  	[sflag:s16] =	ssyncset.done $0x0  }
0x63: {  	s0 =	sadd.s32 $0x80, s31;
	[sflag:s16] =	ssyncadd.s32 $0xFFFFE000  }
0x64: {  	[tilespmem:s22], [sflag:$0x2] =	stream.indirect.gather [hbm4b:s2+s18], $0x80, s0, s18, $0xb8;
	[tilespmem:$0xD000] =	vst v63  }
0x65: {  	s1 =	sadd.s32 $0x80, s30;
	s30 =	sadd.s32 $0x100, s30;
	s31 =	sadd.s32 $0x100, s31  }
0x66: {  	[tilespmem:s24], [sflag:$0x2] =	stream.indirect.gather [hbm4b:s4+s18], $0x80, s1, s18, $0xb8;
	[tilespmem:$0xD000] =	vst v63  }
0x67: {  	_ =	swait.ge [sflag:s25], $0x2000  }
0x68: {  	[sflag:s25] =	ssyncset.done $0x0  }
0x69: {  	[sflag:s25] =	ssyncadd.s32 $0xFFFFE000  }
0x6a: {  	_ =	swait.ge [sflag:s25], $0x2000  }
0x6b: {  	[sflag:s25] =	ssyncset.done $0x0  }
0x6c: {  	[sflag:s25] =	ssyncadd.s32 $0xFFFFE000  }
0x6d: {  	[hbm4b:s7+s3] =	stream.linear.scatter [tilespmem:s19], [sflag:$0x3], $0x2000, $0x38;
	[tilespmem:$0xD000] =	vst v63  }
0x6e: {  	_ =	swait.ge [sflag:s16], $0x2000  }
0x6f: {  	[sflag:s16] =	ssyncset.done $0x0  }
0x70: {  	[sflag:s16] =	ssyncadd.s32 $0xFFFFE000  }
0x71: {  	[hbm4b:s8+s3] =	stream.linear.scatter [tilespmem:s20], [sflag:$0x3], $0x2000, $0x38;
	[tilespmem:$0xD000] =	vst v63  }
0x72: {  	_ =	swait.ge [sflag:s16], $0x2000  }
0x73: {  	[sflag:s16] =	ssyncset.done $0x0  }
0x74: {  	[sflag:s16] =	ssyncadd.s32 $0xFFFFE000  }
0x75: {  	_ =	swait.ge [sflag:s26], $0x2000  }
0x76: {  	[sflag:s26] =	ssyncset.done $0x0  }
0x77: {  	[sflag:s26] =	ssyncadd.s32 $0xFFFFE000  }
0x78: {  	_ =	swait.ge [sflag:s26], $0x2000  }
0x79: {  	[sflag:s26] =	ssyncset.done $0x0  }
0x7a: {  	[sflag:s26] =	ssyncadd.s32 $0xFFFFE000  }
0x7b: {  	[hbm4b:s9+s3] =	stream.linear.scatter [tilespmem:s22], [sflag:$0x3], $0x2000, $0x38;
	[tilespmem:$0xD000] =	vst v63  }
0x7c: {  	s28 =	sadd.s32 $0x1, s28;
	_ =	swait.ge [sflag:s16], $0x2000  }
0x7d: {  	p0 =	sne.s32 s28, s11;
	[sflag:s16] =	ssyncset.done $0x0  }
.Ltmp1:
0x7e: {  	[sflag:s16] =	ssyncadd.s32 $0xFFFFE000;
	(pc) =	sbr.rel @p0 .LBB2_1-.Ltmp1, $4  }
0x7f: {  	[hbm4b:s10+s3] =	stream.linear.scatter [tilespmem:s24], [sflag:$0x3], $0x2000, $0x38;
	[tilespmem:$0xD000] =	vst v63  }
0x80: {  	_ =	swait.ge [sflag:s16], $0x2000  }
0x81: {  	[sflag:s16] =	ssyncset.done $0x0  }
0x82: {  	[sflag:s16] =	ssyncadd.s32 $0xFFFFE000  }
0x83: {  	_ =	sfence.sel $0x180000  }
0x84: {  	[bflag:$0x0] =	sbarrier.arrive $0xFFFF  }
0x85: {  	_ =	strace $0x90000047  }
0x86: {  	s0 =	stileid.u32;
	[bflag:$0x2] =	sbarrier.arrive $0xFFFF  }
0x87: {  	p0 =	sne.s32 s0, $0x0;
	s0 =	rddreg [dreg:$0x2]  }
0x88: {  	s0 =	sadd.s32 @!p0 $0x100000, s0  }
0x89: {  	[sflag:s0] =	ssyncadd.tile.s32 @!p0 $0x1;
	_ =	shalt  }
.Lfunc_end2:
_tile_overlayer_lowered:
.L_overlay_start_2:
0x8a: {  	(tag) =	ssettag $0x2  }
0x8b: {  	s0 =	rddreg [dreg:$0x0];
	s2 =	stileid.u32  }
0x8c: {  	s1 =	rddreg [dreg:$0x1];
	p0 =	sne.s32 s2, $0x0  }
0x8d: {  	s3 =	rddreg [dreg:$0x2];
	[bflag:$0x3] =	sbarrier.arrive $0xFFFF;
	s2 =	simm.s32 @!p0 $0x1C03  }
0x8e: {  	[timem:s3], [sflag:s2] =	dma.local @!p0 [hbm:s0], s1  }
0x8f: {  	s0 =	simm.s32 @!p0 $0x3  }
0x90: {  	_ =	swait.ge @!p0 [sflag:s0], s1  }
0x91: {  	s1 =	ssub.s32 @!p0 $0x0, s1;
	[sflag:s0] =	ssyncset.done @!p0 $0x0  }
0x92: {  	[sflag:s0] =	ssyncadd.s32 @!p0 s1  }
0x93: {  	[bflag:$0x3] =	sbarrier.arrive $0xFFFF  }
0x94: {  	_ =	shalt  }

</sc_bundles>
